<compile_context>
chip_gen: v7x
topology: tpu7x:2x2x1
jax: 0.10.2.dev20260603
libtpu: 0.0.44.dev20260713+nightly
codegen_flags: <defaults>
</compile_context>

<pallas_src>
import functools

import jax
import jax.numpy as jnp
from jax import lax
from jax.experimental import pallas as pl
from jax.experimental.pallas import tpu as pltpu
from jax.experimental.pallas import tpu_sc as plsc

N = 10000
E = 320000
B = 32
T = 50
F = 128
H = 256
O = 512

NPAD = 10240
CHUNK = 128
GSZ = 32
NGRP = 5
CH_E = GSZ * NGRP
EPAD = 16 * CH_E * CHUNK
BPAD = 10240
RB = 1024
GRID_N = NPAD // RB

_P = lax.Precision.DEFAULT


def _dot(a, b):
    return jnp.dot(a, b, precision=_P, preferred_element_type=jnp.float32)


def _dot_t(a, b):
    return lax.dot_general(a, b, (((1,), (1,)), ((), ())), precision=_P,
                           preferred_element_type=jnp.float32)


@functools.cache
def _sc_kernels():
    mesh = plsc.VectorSubcoreMesh(core_axis_name="c", subcore_axis_name="s")

    @functools.partial(
        pl.kernel,
        out_type=[
            jax.ShapeDtypeStruct((2 * NPAD, 128), jnp.float32),
            jax.ShapeDtypeStruct((128, 128), jnp.float32),
        ],
        mesh=mesh,
        scratch_types=[
            pltpu.VMEM((GSZ, CHUNK), jnp.int32),
            pltpu.VMEM((5, CHUNK), jnp.int32),
            pltpu.VMEM((CHUNK, 128), jnp.float32),
            pltpu.VMEM_SHARED((NPAD, 128), jnp.float32),
            pltpu.VMEM_SHARED((64, 128), jnp.float32),
            pltpu.SemaphoreType.DMA,
        ],
    )
    def sc_degrees(idxe_hbm, bids_hbm, ones_hbm, z128_hbm, deg_out, bc_out,
                   idx_v, bid_v, buf_v, acc_d, acc_b, sem):
        c = lax.axis_index("c")
        s = lax.axis_index("s")
        w = c * 16 + s
        pltpu.sync_copy(z128_hbm, buf_v)
        for k in range(5):
            pltpu.sync_copy(buf_v, acc_d.at[pl.ds(s * 640 + k * 128, 128)])

        @pl.when(s == 0)
        def _():
            pltpu.sync_copy(buf_v.at[pl.ds(0, 64)], acc_b)

        plsc.subcore_barrier()
        pltpu.sync_copy(ones_hbm, buf_v)
        pltpu.sync_copy(bids_hbm.at[s], bid_v)

        @pl.loop(0, NGRP)
        def _(g):
            pltpu.sync_copy(idxe_hbm.at[w, pl.ds(g * GSZ, GSZ)], idx_v)

            @pl.loop(0, GSZ)
            def _(j):
                pltpu.async_copy(buf_v, acc_d.at[idx_v.at[j]], sem, add=True)

            @pl.loop(0, GSZ)
            def _(j):
                pltpu.make_async_copy(z128_hbm, buf_v, sem).wait()

        @pl.loop(0, 5)
        def _(j):
            pltpu.sync_copy(buf_v, acc_b.at[bid_v.at[j]], add=True)

        plsc.subcore_barrier()
        pltpu.sync_copy(acc_d.at[pl.ds(s * 640, 640)],
                        deg_out.at[pl.ds(c * NPAD + s * 640, 640)])

        @pl.when(s == 0)
        def _():
            pltpu.sync_copy(acc_b, bc_out.at[pl.ds(c * 64, 64)])

    @functools.partial(
        pl.kernel,
        out_type=jax.ShapeDtypeStruct((2 * NPAD, 128), jnp.float32),
        mesh=mesh,
        scratch_types=[
            pltpu.VMEM((GSZ, CHUNK), jnp.int32),
            pltpu.VMEM((GSZ, CHUNK), jnp.int32),
            pltpu.VMEM((CHUNK, 128), jnp.float32),
            pltpu.VMEM((CHUNK, 128), jnp.float32),
            pltpu.VMEM_SHARED((NPAD, 128), jnp.float32),
            pltpu.SemaphoreType.DMA,
            pltpu.SemaphoreType.DMA,
            pltpu.SemaphoreType.DMA,
            pltpu.SemaphoreType.DMA,
        ],
    )
    def sc_aggregate(tab_hbm, idxg_hbm, idxd_hbm, z128_hbm, out_hbm,
                     idxg_v, idxd_v, gbuf0, gbuf1, acc, g0a, g0b, g1a, g1b):
        c = lax.axis_index("c")
        s = lax.axis_index("s")
        w = c * 16 + s
        HC = CHUNK // 2
        pltpu.sync_copy(z128_hbm, gbuf0)
        for k in range(5):
            pltpu.sync_copy(gbuf0, acc.at[pl.ds(s * 640 + k * 128, 128)])
        plsc.subcore_barrier()

        def start_gather(j, buf, sema, semb):
            pltpu.async_copy(tab_hbm.at[idxg_v.at[j, pl.ds(0, HC)]],
                             buf.at[pl.ds(0, HC)], sema)
            pltpu.async_copy(tab_hbm.at[idxg_v.at[j, pl.ds(HC, HC)]],
                             buf.at[pl.ds(HC, HC)], semb)

        def wait_gather(buf, sema, semb):
            pltpu.make_async_copy(tab_hbm.at[pl.ds(0, HC)],
                                  buf.at[pl.ds(0, HC)], sema).wait()
            pltpu.make_async_copy(tab_hbm.at[pl.ds(0, HC)],
                                  buf.at[pl.ds(HC, HC)], semb).wait()

        @pl.loop(0, NGRP)
        def _(g):
            pltpu.sync_copy(idxg_hbm.at[w, pl.ds(g * GSZ, GSZ)], idxg_v)
            pltpu.sync_copy(idxd_hbm.at[s, pl.ds(g * GSZ, GSZ)], idxd_v)
            start_gather(0, gbuf0, g0a, g0b)

            @pl.loop(0, GSZ, step=2)
            def _(j):
                start_gather(j + 1, gbuf1, g1a, g1b)
                wait_gather(gbuf0, g0a, g0b)
                pltpu.sync_copy(gbuf0, acc.at[idxd_v.at[j]], add=True)

                @pl.when(j + 2 < GSZ)
                def _():
                    start_gather(j + 2, gbuf0, g0a, g0b)

                wait_gather(gbuf1, g1a, g1b)
                pltpu.sync_copy(gbuf1, acc.at[idxd_v.at[j + 1]], add=True)

        plsc.subcore_barrier()
        pltpu.sync_copy(acc.at[pl.ds(s * 640, 640)],
                        out_hbm.at[pl.ds(c * NPAD + s * 640, 640)])

    return sc_degrees, sc_aggregate


def _tc_in_body(x_ref, win_ref, bin_ref, wg_ref, deg_ref, out_ref):
    h = _dot(x_ref[...], win_ref[...]) + bin_ref[...]
    t = _dot(h, wg_ref[...])
    t = t * lax.rsqrt(jnp.maximum(deg_ref[:, :1], 1.0))
    out_ref[0] = t[:, :128]
    out_ref[1] = t[:, 128:]


def _tc_mid_body(g_ref, degi_ref, bg_ref, wg_ref, dego_ref, out_ref):
    a = jnp.concatenate([g_ref[0], g_ref[1]], axis=1)
    a = a * lax.rsqrt(jnp.maximum(degi_ref[:, :1], 1.0))
    h = jnp.maximum(a + bg_ref[...], 0.0)
    t = _dot(h, wg_ref[...])
    t = t * lax.rsqrt(jnp.maximum(dego_ref[:, :1], 1.0))
    out_ref[0] = t[:, :128]
    out_ref[1] = t[:, 128:]


def _tc_pool_body(g_ref, degi_ref, bg_ref, bids_ref, bc_ref, lng_ref, lnb_ref,
                  psum_ref, gfeat_ref):
    i = pl.program_id(0)
    a = jnp.concatenate([g_ref[0], g_ref[1]], axis=1)
    a = a * lax.rsqrt(jnp.maximum(degi_ref[:, :1], 1.0))
    h = jnp.maximum(a + bg_ref[...], 0.0)
    oh = (bids_ref[...] == lax.broadcasted_iota(jnp.int32, (1, B), 1))
    p = lax.dot_general(oh.astype(jnp.float32), h, (((0,), (0,)), ((), ())),
                        precision=_P, preferred_element_type=jnp.float32)

    @pl.when(i == 0)
    def _():
        psum_ref[...] = p

    @pl.when(i > 0)
    def _():
        psum_ref[...] = psum_ref[...] + p

    @pl.when(i == GRID_N - 1)
    def _():
        counts = jnp.maximum(bc_ref[:B, :1], 1.0)
        mean = psum_ref[...] / counts
        m = jnp.mean(mean, axis=-1, keepdims=True)
        v = jnp.mean((mean - m) ** 2, axis=-1, keepdims=True)
        gfeat_ref[...] = (mean - m) * lax.rsqrt(v + 1e-5) * lng_ref[...] + lnb_ref[...]


def _tc_gru_pre_body(seq_ref, win_ref, bin_ref, wih_ref, bih_ref, out_ref):
    s3 = seq_ref[...]
    s2 = s3.reshape(T * B, F)
    s = _dot(s2, win_ref[...]) + bin_ref[...]
    out_ref[...] = _dot_t(s, wih_ref[...]) + bih_ref[...]


def _tc_gru_scan_body(gx_ref, whh_ref, bhh_ref, lng_ref, lnb_ref, out_ref,
                      h_acc):
    t = pl.program_id(0)

    @pl.when(t == 0)
    def _():
        h_acc[...] = jnp.zeros((B, H), jnp.float32)

    h = h_acc[...]
    xt = gx_ref[...]
    gh = _dot_t(h, whh_ref[...]) + bhh_ref[...]
    r = jax.nn.sigmoid(xt[:, :H] + gh[:, :H])
    z = jax.nn.sigmoid(xt[:, H:2 * H] + gh[:, H:2 * H])
    n = jnp.tanh(xt[:, 2 * H:] + r * gh[:, 2 * H:])
    hn = (1.0 - z) * n + z * h
    h_acc[...] = hn

    @pl.when(t == T - 1)
    def _():
        m = jnp.mean(hn, axis=-1, keepdims=True)
        v = jnp.mean((hn - m) ** 2, axis=-1, keepdims=True)
        out_ref[...] = (hn - m) * lax.rsqrt(v + 1e-5) * lng_ref[...] + lnb_ref[...]


def _tc_out_body(gf_ref, tf_ref, w1_ref, b1_ref, w2_ref, b2_ref, out_ref):
    comb = jnp.concatenate([gf_ref[...], tf_ref[...]], axis=1)
    y = jnp.maximum(_dot(comb, w1_ref[...]) + b1_ref[...], 0.0)
    out_ref[...] = _dot(y, w2_ref[...]) + b2_ref[...]


def _full_spec(shape):
    return pl.BlockSpec(shape, lambda i: tuple(0 for _ in shape))


def kernel(x, edge_index, batch_ids, sequences, W_in, b_in, W_g1, b_g1,
           W_g2, b_g2, ln1_g, ln1_b, ln2_g, ln2_b, W_ih, W_hh, b_ih, b_hh,
           W_o1, b_o1, W_o2, b_o2):
    f32 = jnp.float32
    src, dst = edge_index[0], edge_index[1]
    pad_e = EPAD - E
    srcp = jnp.concatenate([src, jnp.full((pad_e,), N, jnp.int32)])
    dstp = jnp.concatenate([dst, jnp.full((pad_e,), N, jnp.int32)])
    idxg = jnp.stack([srcp, srcp + NPAD]).reshape(32, CH_E, CHUNK)
    idxd = dstp.reshape(16, CH_E, CHUNK)
    idxe = jnp.stack([srcp, dstp]).reshape(32, CH_E, CHUNK)
    bidsp = jnp.concatenate(
        [batch_ids, jnp.full((BPAD - N,), B, jnp.int32)]).reshape(16, 5, CHUNK)
    ones128 = jnp.ones((CHUNK, 128), f32)
    z128 = jnp.zeros((CHUNK, 128), f32)
    x_pad = jnp.concatenate([x, jnp.zeros((NPAD - N, F), f32)], axis=0)
    bids2d = jnp.concatenate(
        [batch_ids, jnp.full((NPAD - N,), B, jnp.int32)]).reshape(NPAD, 1)

    b_in2 = b_in.reshape(1, H)
    b_g12 = b_g1.reshape(1, H)
    b_g22 = b_g2.reshape(1, H)
    b_ih2 = b_ih.reshape(1, 3 * H)
    b_hh2 = b_hh.reshape(1, 3 * H)
    ln1g2 = ln1_g.reshape(1, H)
    ln1b2 = ln1_b.reshape(1, H)
    ln2g2 = ln2_g.reshape(1, H)
    ln2b2 = ln2_b.reshape(1, H)
    b_o12 = b_o1.reshape(1, H)
    b_o22 = b_o2.reshape(1, O)

    sc_degrees, sc_aggregate = _sc_kernels()
    deg, bc = sc_degrees(idxe, bidsp, ones128, z128)
    deg0 = lax.slice(deg, (0, 0), (NPAD, 128))
    deg1 = lax.slice(deg, (NPAD, 0), (2 * NPAD, 128))
    bc0 = lax.slice(bc, (0, 0), (64, 128))

    row_spec = pl.BlockSpec((RB, 128), lambda i: (i, 0))
    deg_spec = pl.BlockSpec((RB, 128), lambda i: (i, 0))
    stack_spec = pl.BlockSpec((2, RB, 128), lambda i: (0, i, 0))
    tc_params = pltpu.CompilerParams(dimension_semantics=("arbitrary",))

    t1 = pl.pallas_call(
        _tc_in_body,
        grid=(GRID_N,),
        in_specs=[row_spec, _full_spec((F, H)), _full_spec((1, H)),
                  _full_spec((H, H)), deg_spec],
        out_specs=stack_spec,
        out_shape=jax.ShapeDtypeStruct((2, NPAD, 128), f32),
        compiler_params=tc_params,
    )(x_pad, W_in, b_in2, W_g1, deg0)

    agg1 = sc_aggregate(t1.reshape(2 * NPAD, 128), idxg, idxd, z128)
    agg1 = agg1.reshape(2, NPAD, 128)

    t2 = pl.pallas_call(
        _tc_mid_body,
        grid=(GRID_N,),
        in_specs=[stack_spec, deg_spec, _full_spec((1, H)),
                  _full_spec((H, H)), deg_spec],
        out_specs=stack_spec,
        out_shape=jax.ShapeDtypeStruct((2, NPAD, 128), f32),
        compiler_params=tc_params,
    )(agg1, deg1, b_g12, W_g2, deg0)

    agg2 = sc_aggregate(t2.reshape(2 * NPAD, 128), idxg, idxd, z128)
    agg2 = agg2.reshape(2, NPAD, 128)

    _, gfeat = pl.pallas_call(
        _tc_pool_body,
        grid=(GRID_N,),
        in_specs=[stack_spec, deg_spec, _full_spec((1, H)),
                  pl.BlockSpec((RB, 1), lambda i: (i, 0)),
                  _full_spec((64, 128)), _full_spec((1, H)), _full_spec((1, H))],
        out_specs=[_full_spec((B, H)), _full_spec((B, H))],
        out_shape=[jax.ShapeDtypeStruct((B, H), f32),
                   jax.ShapeDtypeStruct((B, H), f32)],
        compiler_params=tc_params,
    )(agg2, deg1, b_g22, bids2d, bc0, ln1g2, ln1b2)

    seq_t = jnp.swapaxes(sequences, 0, 1)
    gx = pl.pallas_call(
        _tc_gru_pre_body,
        in_specs=[pl.BlockSpec((T, B, F), lambda: (0, 0, 0)),
                  pl.BlockSpec((F, H), lambda: (0, 0)),
                  pl.BlockSpec((1, H), lambda: (0, 0)),
                  pl.BlockSpec((3 * H, H), lambda: (0, 0)),
                  pl.BlockSpec((1, 3 * H), lambda: (0, 0))],
        out_specs=pl.BlockSpec((T * B, 3 * H), lambda: (0, 0)),
        out_shape=jax.ShapeDtypeStruct((T * B, 3 * H), f32),
    )(seq_t, W_in, b_in2, W_ih, b_ih2)

    tfeat = pl.pallas_call(
        _tc_gru_scan_body,
        grid=(T,),
        in_specs=[pl.BlockSpec((B, 3 * H), lambda t: (t, 0)),
                  pl.BlockSpec((3 * H, H), lambda t: (0, 0)),
                  pl.BlockSpec((1, 3 * H), lambda t: (0, 0)),
                  pl.BlockSpec((1, H), lambda t: (0, 0)),
                  pl.BlockSpec((1, H), lambda t: (0, 0))],
        out_specs=pl.BlockSpec((B, H), lambda t: (0, 0)),
        out_shape=jax.ShapeDtypeStruct((B, H), f32),
        scratch_shapes=[pltpu.VMEM((B, H), f32)],
        compiler_params=tc_params,
    )(gx, W_hh, b_hh2, ln2g2, ln2b2)

    out = pl.pallas_call(
        _tc_out_body,
        in_specs=[pl.BlockSpec((B, H), lambda: (0, 0)),
                  pl.BlockSpec((B, H), lambda: (0, 0)),
                  pl.BlockSpec((2 * H, H), lambda: (0, 0)),
                  pl.BlockSpec((1, H), lambda: (0, 0)),
                  pl.BlockSpec((H, O), lambda: (0, 0)),
                  pl.BlockSpec((1, O), lambda: (0, 0))],
        out_specs=pl.BlockSpec((B, O), lambda: (0, 0)),
        out_shape=jax.ShapeDtypeStruct((B, O), f32),
    )(gfeat, tfeat, W_o1, b_o12, W_o2, b_o22)
    return out

# --- scband reference (transcript-rebuilt; emitter-appended) ---
"""Pipeline reference for scband-temporal-graph-nn-79611513799349 (READ-ONLY COPY).

The authoritative reference and input builder live on the scoring server;
editing this copy changes nothing except your own understanding.
"""

import jax, jax.numpy as jnp
import numpy as np

N = 10000
E = 320000
B = 32
T = 50
F = 128
H = 256
O = 512


def setup_inputs(seed: int = 0) -> dict:
    key = jax.random.key(seed)
    ks = jax.random.split(key, 16)

    def p(k, shape):
        return jax.random.normal(k, shape, dtype=jnp.float32) * 0.02

    inp = {}
    inp["x"] = jax.random.normal(ks[0], (N, F), dtype=jnp.float32)
    inp["edge_index"] = jax.random.randint(ks[1], (2, E), 0, N, dtype=jnp.int32)
    inp["batch_ids"] = jnp.sort(jax.random.randint(ks[2], (N,), 0, B, dtype=jnp.int32))
    inp["sequences"] = jax.random.normal(ks[3], (B, T, F), dtype=jnp.float32)
    # learned parameters
    inp["W_in"] = p(ks[4], (F, H)); inp["b_in"] = jnp.zeros((H,), jnp.float32)
    inp["W_g1"] = p(ks[5], (H, H)); inp["b_g1"] = jnp.zeros((H,), jnp.float32)
    inp["W_g2"] = p(ks[6], (H, H)); inp["b_g2"] = jnp.zeros((H,), jnp.float32)
    inp["ln1_g"] = jnp.ones((H,), jnp.float32); inp["ln1_b"] = jnp.zeros((H,), jnp.float32)
    inp["ln2_g"] = jnp.ones((H,), jnp.float32); inp["ln2_b"] = jnp.zeros((H,), jnp.float32)
    inp["W_ih"] = p(ks[7], (3 * H, H)); inp["W_hh"] = p(ks[8], (3 * H, H))
    inp["b_ih"] = jnp.zeros((3 * H,), jnp.float32); inp["b_hh"] = jnp.zeros((3 * H,), jnp.float32)
    inp["W_o1"] = p(ks[9], (2 * H, H)); inp["b_o1"] = jnp.zeros((H,), jnp.float32)
    inp["W_o2"] = p(ks[10], (H, O)); inp["b_o2"] = jnp.zeros((O,), jnp.float32)
    return inp


def _ln(x, g, b):
    m = x.mean(-1, keepdims=True)
    v = ((x - m) ** 2).mean(-1, keepdims=True)
    return (x - m) / jnp.sqrt(v + 1e-5) * g + b


def _gcn(h, src, dst, W, bias, n):
    # DGL GraphConv with norm='both': D^{-1/2} A D^{-1/2} (X W)
    h = h @ W
    ones = jnp.ones(src.shape, h.dtype)
    dout = jnp.clip(jax.ops.segment_sum(ones, src, n), 1.0)
    din = jnp.clip(jax.ops.segment_sum(ones, dst, n), 1.0)
    m = h[src] / jnp.sqrt(dout)[src, None]
    agg = jax.ops.segment_sum(m, dst, n)
    return agg / jnp.sqrt(din)[:, None] + bias


def reference(x, edge_index, batch_ids, sequences, W_in, b_in, W_g1, b_g1, W_g2, b_g2,
              ln1_g, ln1_b, ln2_g, ln2_b, W_ih, W_hh, b_ih, b_hh, W_o1, b_o1, W_o2, b_o2):
    src, dst = edge_index[0], edge_index[1]
    n = x.shape[0]
    # graph branch
    h = x @ W_in + b_in
    h = jax.nn.relu(_gcn(h, src, dst, W_g1, b_g1, n))
    h = jax.nn.relu(_gcn(h, src, dst, W_g2, b_g2, n))
    counts = jnp.clip(jax.ops.segment_sum(jnp.ones((n,), x.dtype), batch_ids, B), 1.0)
    gsum = jax.ops.segment_sum(h, batch_ids, B)
    gfeat = _ln(gsum / counts[:, None], ln1_g, ln1_b)
    # temporal branch (GRU, batch_first, take last hidden state)
    s = sequences @ W_in + b_in  # [B, T, H]

    def step(hc, xt):
        gx = xt @ W_ih.T + b_ih
        gh = hc @ W_hh.T + b_hh
        xr, xz, xn = jnp.split(gx, 3, axis=-1)
        hr, hz, hn = jnp.split(gh, 3, axis=-1)
        r = jax.nn.sigmoid(xr + hr)
        z = jax.nn.sigmoid(xz + hz)
        ng = jnp.tanh(xn + r * hn)
        hnew = (1.0 - z) * ng + z * hc
        return hnew, None

    h0 = jnp.zeros((sequences.shape[0], H), x.dtype)
    hT, _ = jax.lax.scan(step, h0, jnp.swapaxes(s, 0, 1))
    tfeat = _ln(hT, ln2_g, ln2_b)
    comb = jnp.concatenate([gfeat, tfeat], axis=1)
    out = jax.nn.relu(comb @ W_o1 + b_o1) @ W_o2 + b_o2
    return out

if __name__ == "__main__":
    import jax
    _d = setup_inputs()
    print(jax.jit(kernel)(*tuple(_d.values())))

</pallas_src>

<mosaic_0001>
#map = affine_map<(d0, d1) -> (0, 0)>
#map1 = affine_map<(d0, d1) -> (0, 0, 0)>
module attributes {stable_mosaic.version = 14 : i64} {
  func.func @sc_aggregate(%arg0: i32, %arg1: i32, %arg2: memref<20480x128xf32, #tpu.memory_space<hbm>>, %arg3: memref<32x160x128xi32, #tpu.memory_space<hbm>>, %arg4: memref<16x160x128xi32, #tpu.memory_space<hbm>>, %arg5: memref<128x128xf32, #tpu.memory_space<hbm>>, %arg6: memref<20480x128xf32, #tpu.memory_space<hbm>>, %arg7: memref<32x128xi32, #tpu.memory_space<vmem>>, %arg8: memref<32x128xi32, #tpu.memory_space<vmem>>, %arg9: memref<128x128xf32, #tpu.memory_space<vmem>>, %arg10: memref<128x128xf32, #tpu.memory_space<vmem>>, %arg11: memref<10240x128xf32, #tpu.memory_space<vmem_shared>>, %arg12: memref<!tpu.dma_semaphore, #tpu.memory_space<semaphore_mem>>, %arg13: memref<!tpu.dma_semaphore, #tpu.memory_space<semaphore_mem>>, %arg14: memref<!tpu.dma_semaphore, #tpu.memory_space<semaphore_mem>>, %arg15: memref<!tpu.dma_semaphore, #tpu.memory_space<semaphore_mem>>) attributes {dimension_semantics = [#tpu.dimension_semantics<core_parallel>, #tpu.dimension_semantics<subcore_parallel>], iteration_bounds = array<i64: 2, 16>, scalar_prefetch = 0 : i64, scratch_operands = 9 : i64, tpu.core_type = #tpu.core_type<sc_vector_subcore>, window_params = [{transform_indices = #map}, {transform_indices = #map1}, {transform_indices = #map1}, {transform_indices = #map}, {transform_indices = #map}]} {
    %mul3A = arith.constant 16 : i32
    %mul3A_0 = arith.muli %arg0, %mul3A : i32
    %add3A = arith.addi %mul3A_0, %arg1 : i32
    "tpu.region"() ({
      %run_scoped3A = tpu.sem_alloc : memref<!tpu.dma_semaphore, #tpu.memory_space<semaphore_mem>>
      tpu.enqueue_dma source(%arg5 : memref<128x128xf32, #tpu.memory_space<hbm>>) target(%arg9 : memref<128x128xf32, #tpu.memory_space<vmem>>) target_semaphore(%run_scoped3A : memref<!tpu.dma_semaphore, #tpu.memory_space<semaphore_mem>>)
      tpu.wait_dma2 semaphore(%run_scoped3A : memref<!tpu.dma_semaphore, #tpu.memory_space<semaphore_mem>>) src(%arg5 : memref<128x128xf32, #tpu.memory_space<hbm>>) dst(%arg9 : memref<128x128xf32, #tpu.memory_space<vmem>>)
      tpu.yield
    }) : () -> ()
    %mul3A_1 = arith.constant 640 : i32
    %mul3A_2 = arith.muli %arg1, %mul3A_1 : i32
    %add3A_3 = arith.constant 0 : i32
    %add3A_4 = arith.addi %mul3A_2, %add3A_3 : i32
    "tpu.region"() ({
      %run_scoped3A = tpu.sem_alloc : memref<!tpu.dma_semaphore, #tpu.memory_space<semaphore_mem>>
      %dma_start3A = arith.constant 0 : i32
      %dma_start3A_33 = tpu.memref_slice %arg11[%add3A_4, %dma_start3A] : memref<10240x128xf32, #tpu.memory_space<vmem_shared>> -> memref<128x128xf32, #tpu.memory_space<vmem_shared>>
      %dma_start3A_34 = arith.constant 0 : i32
      %dma_start3A_35 = tpu.memref_slice %arg11[%add3A_4, %dma_start3A_34] : memref<10240x128xf32, #tpu.memory_space<vmem_shared>> -> memref<128x128xf32, #tpu.memory_space<vmem_shared>>
      tpu.enqueue_dma source(%arg9 : memref<128x128xf32, #tpu.memory_space<vmem>>) target(%dma_start3A_35 : memref<128x128xf32, #tpu.memory_space<vmem_shared>>) target_semaphore(%run_scoped3A : memref<!tpu.dma_semaphore, #tpu.memory_space<semaphore_mem>>)
      %dma_wait3A = arith.constant 0 : i32
      %dma_wait3A_36 = tpu.memref_slice %arg11[%add3A_4, %dma_wait3A] : memref<10240x128xf32, #tpu.memory_space<vmem_shared>> -> memref<128x128xf32, #tpu.memory_space<vmem_shared>>
      %dma_wait3A_37 = arith.constant 0 : i32
      %dma_wait3A_38 = tpu.memref_slice %arg11[%add3A_4, %dma_wait3A_37] : memref<10240x128xf32, #tpu.memory_space<vmem_shared>> -> memref<128x128xf32, #tpu.memory_space<vmem_shared>>
      tpu.wait_dma2 semaphore(%run_scoped3A : memref<!tpu.dma_semaphore, #tpu.memory_space<semaphore_mem>>) src(%arg9 : memref<128x128xf32, #tpu.memory_space<vmem>>) dst(%dma_wait3A_38 : memref<128x128xf32, #tpu.memory_space<vmem_shared>>)
      tpu.yield
    }) : () -> ()
    %mul3A_5 = arith.constant 640 : i32
    %mul3A_6 = arith.muli %arg1, %mul3A_5 : i32
    %add3A_7 = arith.constant 128 : i32
    %add3A_8 = arith.addi %mul3A_6, %add3A_7 : i32
    "tpu.region"() ({
      %run_scoped3A = tpu.sem_alloc : memref<!tpu.dma_semaphore, #tpu.memory_space<semaphore_mem>>
      %dma_start3A = arith.constant 0 : i32
      %dma_start3A_33 = tpu.memref_slice %arg11[%add3A_8, %dma_start3A] : memref<10240x128xf32, #tpu.memory_space<vmem_shared>> -> memref<128x128xf32, #tpu.memory_space<vmem_shared>>
      %dma_start3A_34 = arith.constant 0 : i32
      %dma_start3A_35 = tpu.memref_slice %arg11[%add3A_8, %dma_start3A_34] : memref<10240x128xf32, #tpu.memory_space<vmem_shared>> -> memref<128x128xf32, #tpu.memory_space<vmem_shared>>
      tpu.enqueue_dma source(%arg9 : memref<128x128xf32, #tpu.memory_space<vmem>>) target(%dma_start3A_35 : memref<128x128xf32, #tpu.memory_space<vmem_shared>>) target_semaphore(%run_scoped3A : memref<!tpu.dma_semaphore, #tpu.memory_space<semaphore_mem>>)
      %dma_wait3A = arith.constant 0 : i32
      %dma_wait3A_36 = tpu.memref_slice %arg11[%add3A_8, %dma_wait3A] : memref<10240x128xf32, #tpu.memory_space<vmem_shared>> -> memref<128x128xf32, #tpu.memory_space<vmem_shared>>
      %dma_wait3A_37 = arith.constant 0 : i32
      %dma_wait3A_38 = tpu.memref_slice %arg11[%add3A_8, %dma_wait3A_37] : memref<10240x128xf32, #tpu.memory_space<vmem_shared>> -> memref<128x128xf32, #tpu.memory_space<vmem_shared>>
      tpu.wait_dma2 semaphore(%run_scoped3A : memref<!tpu.dma_semaphore, #tpu.memory_space<semaphore_mem>>) src(%arg9 : memref<128x128xf32, #tpu.memory_space<vmem>>) dst(%dma_wait3A_38 : memref<128x128xf32, #tpu.memory_space<vmem_shared>>)
      tpu.yield
    }) : () -> ()
    %mul3A_9 = arith.constant 640 : i32
    %mul3A_10 = arith.muli %arg1, %mul3A_9 : i32
    %add3A_11 = arith.constant 256 : i32
    %add3A_12 = arith.addi %mul3A_10, %add3A_11 : i32
    "tpu.region"() ({
      %run_scoped3A = tpu.sem_alloc : memref<!tpu.dma_semaphore, #tpu.memory_space<semaphore_mem>>
      %dma_start3A = arith.constant 0 : i32
      %dma_start3A_33 = tpu.memref_slice %arg11[%add3A_12, %dma_start3A] : memref<10240x128xf32, #tpu.memory_space<vmem_shared>> -> memref<128x128xf32, #tpu.memory_space<vmem_shared>>
      %dma_start3A_34 = arith.constant 0 : i32
      %dma_start3A_35 = tpu.memref_slice %arg11[%add3A_12, %dma_start3A_34] : memref<10240x128xf32, #tpu.memory_space<vmem_shared>> -> memref<128x128xf32, #tpu.memory_space<vmem_shared>>
      tpu.enqueue_dma source(%arg9 : memref<128x128xf32, #tpu.memory_space<vmem>>) target(%dma_start3A_35 : memref<128x128xf32, #tpu.memory_space<vmem_shared>>) target_semaphore(%run_scoped3A : memref<!tpu.dma_semaphore, #tpu.memory_space<semaphore_mem>>)
      %dma_wait3A = arith.constant 0 : i32
      %dma_wait3A_36 = tpu.memref_slice %arg11[%add3A_12, %dma_wait3A] : memref<10240x128xf32, #tpu.memory_space<vmem_shared>> -> memref<128x128xf32, #tpu.memory_space<vmem_shared>>
      %dma_wait3A_37 = arith.constant 0 : i32
      %dma_wait3A_38 = tpu.memref_slice %arg11[%add3A_12, %dma_wait3A_37] : memref<10240x128xf32, #tpu.memory_space<vmem_shared>> -> memref<128x128xf32, #tpu.memory_space<vmem_shared>>
      tpu.wait_dma2 semaphore(%run_scoped3A : memref<!tpu.dma_semaphore, #tpu.memory_space<semaphore_mem>>) src(%arg9 : memref<128x128xf32, #tpu.memory_space<vmem>>) dst(%dma_wait3A_38 : memref<128x128xf32, #tpu.memory_space<vmem_shared>>)
      tpu.yield
    }) : () -> ()
    %mul3A_13 = arith.constant 640 : i32
    %mul3A_14 = arith.muli %arg1, %mul3A_13 : i32
    %add3A_15 = arith.constant 384 : i32
    %add3A_16 = arith.addi %mul3A_14, %add3A_15 : i32
    "tpu.region"() ({
      %run_scoped3A = tpu.sem_alloc : memref<!tpu.dma_semaphore, #tpu.memory_space<semaphore_mem>>
      %dma_start3A = arith.constant 0 : i32
      %dma_start3A_33 = tpu.memref_slice %arg11[%add3A_16, %dma_start3A] : memref<10240x128xf32, #tpu.memory_space<vmem_shared>> -> memref<128x128xf32, #tpu.memory_space<vmem_shared>>
      %dma_start3A_34 = arith.constant 0 : i32
      %dma_start3A_35 = tpu.memref_slice %arg11[%add3A_16, %dma_start3A_34] : memref<10240x128xf32, #tpu.memory_space<vmem_shared>> -> memref<128x128xf32, #tpu.memory_space<vmem_shared>>
      tpu.enqueue_dma source(%arg9 : memref<128x128xf32, #tpu.memory_space<vmem>>) target(%dma_start3A_35 : memref<128x128xf32, #tpu.memory_space<vmem_shared>>) target_semaphore(%run_scoped3A : memref<!tpu.dma_semaphore, #tpu.memory_space<semaphore_mem>>)
      %dma_wait3A = arith.constant 0 : i32
      %dma_wait3A_36 = tpu.memref_slice %arg11[%add3A_16, %dma_wait3A] : memref<10240x128xf32, #tpu.memory_space<vmem_shared>> -> memref<128x128xf32, #tpu.memory_space<vmem_shared>>
      %dma_wait3A_37 = arith.constant 0 : i32
      %dma_wait3A_38 = tpu.memref_slice %arg11[%add3A_16, %dma_wait3A_37] : memref<10240x128xf32, #tpu.memory_space<vmem_shared>> -> memref<128x128xf32, #tpu.memory_space<vmem_shared>>
      tpu.wait_dma2 semaphore(%run_scoped3A : memref<!tpu.dma_semaphore, #tpu.memory_space<semaphore_mem>>) src(%arg9 : memref<128x128xf32, #tpu.memory_space<vmem>>) dst(%dma_wait3A_38 : memref<128x128xf32, #tpu.memory_space<vmem_shared>>)
      tpu.yield
    }) : () -> ()
    %mul3A_17 = arith.constant 640 : i32
    %mul3A_18 = arith.muli %arg1, %mul3A_17 : i32
    %add3A_19 = arith.constant 512 : i32
    %add3A_20 = arith.addi %mul3A_18, %add3A_19 : i32
    "tpu.region"() ({
      %run_scoped3A = tpu.sem_alloc : memref<!tpu.dma_semaphore, #tpu.memory_space<semaphore_mem>>
      %dma_start3A = arith.constant 0 : i32
      %dma_start3A_33 = tpu.memref_slice %arg11[%add3A_20, %dma_start3A] : memref<10240x128xf32, #tpu.memory_space<vmem_shared>> -> memref<128x128xf32, #tpu.memory_space<vmem_shared>>
      %dma_start3A_34 = arith.constant 0 : i32
      %dma_start3A_35 = tpu.memref_slice %arg11[%add3A_20, %dma_start3A_34] : memref<10240x128xf32, #tpu.memory_space<vmem_shared>> -> memref<128x128xf32, #tpu.memory_space<vmem_shared>>
      tpu.enqueue_dma source(%arg9 : memref<128x128xf32, #tpu.memory_space<vmem>>) target(%dma_start3A_35 : memref<128x128xf32, #tpu.memory_space<vmem_shared>>) target_semaphore(%run_scoped3A : memref<!tpu.dma_semaphore, #tpu.memory_space<semaphore_mem>>)
      %dma_wait3A = arith.constant 0 : i32
      %dma_wait3A_36 = tpu.memref_slice %arg11[%add3A_20, %dma_wait3A] : memref<10240x128xf32, #tpu.memory_space<vmem_shared>> -> memref<128x128xf32, #tpu.memory_space<vmem_shared>>
      %dma_wait3A_37 = arith.constant 0 : i32
      %dma_wait3A_38 = tpu.memref_slice %arg11[%add3A_20, %dma_wait3A_37] : memref<10240x128xf32, #tpu.memory_space<vmem_shared>> -> memref<128x128xf32, #tpu.memory_space<vmem_shared>>
      tpu.wait_dma2 semaphore(%run_scoped3A : memref<!tpu.dma_semaphore, #tpu.memory_space<semaphore_mem>>) src(%arg9 : memref<128x128xf32, #tpu.memory_space<vmem>>) dst(%dma_wait3A_38 : memref<128x128xf32, #tpu.memory_space<vmem_shared>>)
      tpu.yield
    }) : () -> ()
    %barrier3A = arith.constant 0 : index
    tpu.barrier barrier_id(%barrier3A)
    %scan3A = arith.constant 0 : i32
    %scan3A_21 = arith.constant 5 : i32
    %scan3A_22 = arith.addi %scan3A, %scan3A_21 : i32
    %scan3A_23 = arith.constant 1 : i32
    scf.for %scan3A_33 = %scan3A to %scan3A_22 step %scan3A_23  : i32 {
      %mul3A_34 = arith.constant 1 : i32
      %mul3A_35 = arith.muli %scan3A_33, %mul3A_34 : i32
      %add3A_36 = arith.constant 0 : i32
      %add3A_37 = arith.addi %add3A_36, %mul3A_35 : i32
      %mul3A_38 = arith.constant 32 : i32
      %mul3A_39 = arith.muli %add3A_37, %mul3A_38 : i32
      "tpu.region"() ({
        %run_scoped3A = tpu.sem_alloc : memref<!tpu.dma_semaphore, #tpu.memory_space<semaphore_mem>>
        %dma_start3A_66 = arith.constant 0 : i32
        %dma_start3A_67 = tpu.memref_slice %arg3[%add3A, %mul3A_39, %dma_start3A_66] : memref<32x160x128xi32, #tpu.memory_space<hbm>> -> memref<1x32x128xi32, #tpu.memory_space<hbm>>
        %dma_start3A_68 = tpu.memref_squeeze %dma_start3A_67 : memref<1x32x128xi32, #tpu.memory_space<hbm>> -> memref<32x128xi32, #tpu.memory_space<hbm>>
        %dma_start3A_69 = arith.constant 0 : i32
        %dma_start3A_70 = tpu.memref_slice %arg3[%add3A, %mul3A_39, %dma_start3A_69] : memref<32x160x128xi32, #tpu.memory_space<hbm>> -> memref<1x32x128xi32, #tpu.memory_space<hbm>>
        %dma_start3A_71 = tpu.memref_squeeze %dma_start3A_70 : memref<1x32x128xi32, #tpu.memory_space<hbm>> -> memref<32x128xi32, #tpu.memory_space<hbm>>
        tpu.enqueue_dma source(%dma_start3A_71 : memref<32x128xi32, #tpu.memory_space<hbm>>) target(%arg7 : memref<32x128xi32, #tpu.memory_space<vmem>>) target_semaphore(%run_scoped3A : memref<!tpu.dma_semaphore, #tpu.memory_space<semaphore_mem>>)
        %dma_wait3A = arith.constant 0 : i32
        %dma_wait3A_72 = tpu.memref_slice %arg3[%add3A, %mul3A_39, %dma_wait3A] : memref<32x160x128xi32, #tpu.memory_space<hbm>> -> memref<1x32x128xi32, #tpu.memory_space<hbm>>
        %dma_wait3A_73 = tpu.memref_squeeze %dma_wait3A_72 : memref<1x32x128xi32, #tpu.memory_space<hbm>> -> memref<32x128xi32, #tpu.memory_space<hbm>>
        %dma_wait3A_74 = arith.constant 0 : i32
        %dma_wait3A_75 = tpu.memref_slice %arg3[%add3A, %mul3A_39, %dma_wait3A_74] : memref<32x160x128xi32, #tpu.memory_space<hbm>> -> memref<1x32x128xi32, #tpu.memory_space<hbm>>
        %dma_wait3A_76 = tpu.memref_squeeze %dma_wait3A_75 : memref<1x32x128xi32, #tpu.memory_space<hbm>> -> memref<32x128xi32, #tpu.memory_space<hbm>>
        tpu.wait_dma2 semaphore(%run_scoped3A : memref<!tpu.dma_semaphore, #tpu.memory_space<semaphore_mem>>) src(%dma_wait3A_76 : memref<32x128xi32, #tpu.memory_space<hbm>>) dst(%arg7 : memref<32x128xi32, #tpu.memory_space<vmem>>)
        tpu.yield
      }) : () -> ()
      %mul3A_40 = arith.constant 32 : i32
      %mul3A_41 = arith.muli %add3A_37, %mul3A_40 : i32
      "tpu.region"() ({
        %run_scoped3A = tpu.sem_alloc : memref<!tpu.dma_semaphore, #tpu.memory_space<semaphore_mem>>
        %dma_start3A_66 = arith.constant 0 : i32
        %dma_start3A_67 = tpu.memref_slice %arg4[%arg1, %mul3A_41, %dma_start3A_66] : memref<16x160x128xi32, #tpu.memory_space<hbm>> -> memref<1x32x128xi32, #tpu.memory_space<hbm>>
        %dma_start3A_68 = tpu.memref_squeeze %dma_start3A_67 : memref<1x32x128xi32, #tpu.memory_space<hbm>> -> memref<32x128xi32, #tpu.memory_space<hbm>>
        %dma_start3A_69 = arith.constant 0 : i32
        %dma_start3A_70 = tpu.memref_slice %arg4[%arg1, %mul3A_41, %dma_start3A_69] : memref<16x160x128xi32, #tpu.memory_space<hbm>> -> memref<1x32x128xi32, #tpu.memory_space<hbm>>
        %dma_start3A_71 = tpu.memref_squeeze %dma_start3A_70 : memref<1x32x128xi32, #tpu.memory_space<hbm>> -> memref<32x128xi32, #tpu.memory_space<hbm>>
        tpu.enqueue_dma source(%dma_start3A_71 : memref<32x128xi32, #tpu.memory_space<hbm>>) target(%arg8 : memref<32x128xi32, #tpu.memory_space<vmem>>) target_semaphore(%run_scoped3A : memref<!tpu.dma_semaphore, #tpu.memory_space<semaphore_mem>>)
        %dma_wait3A = arith.constant 0 : i32
        %dma_wait3A_72 = tpu.memref_slice %arg4[%arg1, %mul3A_41, %dma_wait3A] : memref<16x160x128xi32, #tpu.memory_space<hbm>> -> memref<1x32x128xi32, #tpu.memory_space<hbm>>
        %dma_wait3A_73 = tpu.memref_squeeze %dma_wait3A_72 : memref<1x32x128xi32, #tpu.memory_space<hbm>> -> memref<32x128xi32, #tpu.memory_space<hbm>>
        %dma_wait3A_74 = arith.constant 0 : i32
        %dma_wait3A_75 = tpu.memref_slice %arg4[%arg1, %mul3A_41, %dma_wait3A_74] : memref<16x160x128xi32, #tpu.memory_space<hbm>> -> memref<1x32x128xi32, #tpu.memory_space<hbm>>
        %dma_wait3A_76 = tpu.memref_squeeze %dma_wait3A_75 : memref<1x32x128xi32, #tpu.memory_space<hbm>> -> memref<32x128xi32, #tpu.memory_space<hbm>>
        tpu.wait_dma2 semaphore(%run_scoped3A : memref<!tpu.dma_semaphore, #tpu.memory_space<semaphore_mem>>) src(%dma_wait3A_76 : memref<32x128xi32, #tpu.memory_space<hbm>>) dst(%arg8 : memref<32x128xi32, #tpu.memory_space<vmem>>)
        tpu.yield
      }) : () -> ()
      %dma_start3A = arith.constant 0 : i32
      %dma_start3A_42 = arith.constant 0 : i32
      %dma_start3A_43 = arith.constant 0 : i32
      %dma_start3A_44 = tpu.memref_slice %arg9[%dma_start3A_42, %dma_start3A_43] : memref<128x128xf32, #tpu.memory_space<vmem>> -> memref<64x128xf32, #tpu.memory_space<vmem>>
      %dma_start3A_45 = arith.constant 0 : i32
      %dma_start3A_46 = tpu.memref_slice %arg7[%dma_start3A, %dma_start3A_45] : memref<32x128xi32, #tpu.memory_space<vmem>> -> memref<1x64xi32, #tpu.memory_space<vmem>>
      %dma_start3A_47 = tpu.memref_squeeze %dma_start3A_46 : memref<1x64xi32, #tpu.memory_space<vmem>> -> memref<64xi32, #tpu.memory_space<vmem>>
      %dma_start3A_48 = arith.constant 0 : i32
      %dma_start3A_49 = arith.constant 0 : i32
      %dma_start3A_50 = tpu.memref_slice %arg2[%dma_start3A_48, %dma_start3A_49] : memref<20480x128xf32, #tpu.memory_space<hbm>> -> memref<20480x128xf32, #tpu.memory_space<hbm>>
      tpu.enqueue_indirect_dma source(%dma_start3A_50 : memref<20480x128xf32, #tpu.memory_space<hbm>>) target(%dma_start3A_44 : memref<64x128xf32, #tpu.memory_space<vmem>>) offsets(%dma_start3A_47 : memref<64xi32, #tpu.memory_space<vmem>>) semaphore(%arg12 : memref<!tpu.dma_semaphore, #tpu.memory_space<semaphore_mem>>)
      %dma_start3A_51 = arith.constant 0 : i32
      %dma_start3A_52 = arith.constant 64 : i32
      %dma_start3A_53 = arith.constant 0 : i32
      %dma_start3A_54 = tpu.memref_slice %arg9[%dma_start3A_52, %dma_start3A_53] : memref<128x128xf32, #tpu.memory_space<vmem>> -> memref<64x128xf32, #tpu.memory_space<vmem>>
      %dma_start3A_55 = arith.constant 64 : i32
      %dma_start3A_56 = tpu.memref_slice %arg7[%dma_start3A_51, %dma_start3A_55] : memref<32x128xi32, #tpu.memory_space<vmem>> -> memref<1x64xi32, #tpu.memory_space<vmem>>
      %dma_start3A_57 = tpu.memref_squeeze %dma_start3A_56 : memref<1x64xi32, #tpu.memory_space<vmem>> -> memref<64xi32, #tpu.memory_space<vmem>>
      %dma_start3A_58 = arith.constant 0 : i32
      %dma_start3A_59 = arith.constant 0 : i32
      %dma_start3A_60 = tpu.memref_slice %arg2[%dma_start3A_58, %dma_start3A_59] : memref<20480x128xf32, #tpu.memory_space<hbm>> -> memref<20480x128xf32, #tpu.memory_space<hbm>>
      tpu.enqueue_indirect_dma source(%dma_start3A_60 : memref<20480x128xf32, #tpu.memory_space<hbm>>) target(%dma_start3A_54 : memref<64x128xf32, #tpu.memory_space<vmem>>) offsets(%dma_start3A_57 : memref<64xi32, #tpu.memory_space<vmem>>) semaphore(%arg13 : memref<!tpu.dma_semaphore, #tpu.memory_space<semaphore_mem>>)
      %scan3A_61 = arith.constant 0 : i32
      %scan3A_62 = arith.constant 16 : i32
      %scan3A_63 = arith.addi %scan3A_61, %scan3A_62 : i32
      %scan3A_64 = arith.constant 1 : i32
      scf.for %scan3A_66 = %scan3A_61 to %scan3A_63 step %scan3A_64  : i32 {
        %mul3A_67 = arith.constant 2 : i32
        %mul3A_68 = arith.muli %scan3A_66, %mul3A_67 : i32
        %add3A_69 = arith.constant 0 : i32
        %add3A_70 = arith.addi %add3A_69, %mul3A_68 : i32
        %add3A_71 = arith.constant 1 : i32
        %add3A_72 = arith.addi %add3A_70, %add3A_71 : i32
        %dma_start3A_73 = arith.constant 0 : i32
        %dma_start3A_74 = arith.constant 0 : i32
        %dma_start3A_75 = tpu.memref_slice %arg10[%dma_start3A_73, %dma_start3A_74] : memref<128x128xf32, #tpu.memory_space<vmem>> -> memref<64x128xf32, #tpu.memory_space<vmem>>
        %dma_start3A_76 = arith.constant 0 : i32
        %dma_start3A_77 = tpu.memref_slice %arg7[%add3A_72, %dma_start3A_76] : memref<32x128xi32, #tpu.memory_space<vmem>> -> memref<1x64xi32, #tpu.memory_space<vmem>>
        %dma_start3A_78 = tpu.memref_squeeze %dma_start3A_77 : memref<1x64xi32, #tpu.memory_space<vmem>> -> memref<64xi32, #tpu.memory_space<vmem>>
        %dma_start3A_79 = arith.constant 0 : i32
        %dma_start3A_80 = arith.constant 0 : i32
        %dma_start3A_81 = tpu.memref_slice %arg2[%dma_start3A_79, %dma_start3A_80] : memref<20480x128xf32, #tpu.memory_space<hbm>> -> memref<20480x128xf32, #tpu.memory_space<hbm>>
        tpu.enqueue_indirect_dma source(%dma_start3A_81 : memref<20480x128xf32, #tpu.memory_space<hbm>>) target(%dma_start3A_75 : memref<64x128xf32, #tpu.memory_space<vmem>>) offsets(%dma_start3A_78 : memref<64xi32, #tpu.memory_space<vmem>>) semaphore(%arg14 : memref<!tpu.dma_semaphore, #tpu.memory_space<semaphore_mem>>)
        %dma_start3A_82 = arith.constant 64 : i32
        %dma_start3A_83 = arith.constant 0 : i32
        %dma_start3A_84 = tpu.memref_slice %arg10[%dma_start3A_82, %dma_start3A_83] : memref<128x128xf32, #tpu.memory_space<vmem>> -> memref<64x128xf32, #tpu.memory_space<vmem>>
        %dma_start3A_85 = arith.constant 64 : i32
        %dma_start3A_86 = tpu.memref_slice %arg7[%add3A_72, %dma_start3A_85] : memref<32x128xi32, #tpu.memory_space<vmem>> -> memref<1x64xi32, #tpu.memory_space<vmem>>
        %dma_start3A_87 = tpu.memref_squeeze %dma_start3A_86 : memref<1x64xi32, #tpu.memory_space<vmem>> -> memref<64xi32, #tpu.memory_space<vmem>>
        %dma_start3A_88 = arith.constant 0 : i32
        %dma_start3A_89 = arith.constant 0 : i32
        %dma_start3A_90 = tpu.memref_slice %arg2[%dma_start3A_88, %dma_start3A_89] : memref<20480x128xf32, #tpu.memory_space<hbm>> -> memref<20480x128xf32, #tpu.memory_space<hbm>>
        tpu.enqueue_indirect_dma source(%dma_start3A_90 : memref<20480x128xf32, #tpu.memory_space<hbm>>) target(%dma_start3A_84 : memref<64x128xf32, #tpu.memory_space<vmem>>) offsets(%dma_start3A_87 : memref<64xi32, #tpu.memory_space<vmem>>) semaphore(%arg15 : memref<!tpu.dma_semaphore, #tpu.memory_space<semaphore_mem>>)
        %dma_wait3A = arith.constant 0 : i32
        %dma_wait3A_91 = arith.constant 0 : i32
        %dma_wait3A_92 = tpu.memref_slice %arg9[%dma_wait3A, %dma_wait3A_91] : memref<128x128xf32, #tpu.memory_space<vmem>> -> memref<64x128xf32, #tpu.memory_space<vmem>>
        %dma_wait3A_93 = arith.constant 0 : i32
        %dma_wait3A_94 = arith.constant 0 : i32
        %dma_wait3A_95 = tpu.memref_slice %arg2[%dma_wait3A_93, %dma_wait3A_94] : memref<20480x128xf32, #tpu.memory_space<hbm>> -> memref<64x128xf32, #tpu.memory_space<hbm>>
        %dma_wait3A_96 = arith.constant 0 : i32
        %dma_wait3A_97 = arith.constant 0 : i32
        %dma_wait3A_98 = tpu.memref_slice %arg9[%dma_wait3A_96, %dma_wait3A_97] : memref<128x128xf32, #tpu.memory_space<vmem>> -> memref<64x128xf32, #tpu.memory_space<vmem>>
        %dma_wait3A_99 = arith.constant 0 : i32
        %dma_wait3A_100 = arith.constant 0 : i32
        %dma_wait3A_101 = tpu.memref_slice %arg2[%dma_wait3A_99, %dma_wait3A_100] : memref<20480x128xf32, #tpu.memory_space<hbm>> -> memref<64x128xf32, #tpu.memory_space<hbm>>
        tpu.wait_dma2 semaphore(%arg12 : memref<!tpu.dma_semaphore, #tpu.memory_space<semaphore_mem>>) src(%dma_wait3A_101 : memref<64x128xf32, #tpu.memory_space<hbm>>) dst(%dma_wait3A_98 : memref<64x128xf32, #tpu.memory_space<vmem>>)
        %dma_wait3A_102 = arith.constant 64 : i32
        %dma_wait3A_103 = arith.constant 0 : i32
        %dma_wait3A_104 = tpu.memref_slice %arg9[%dma_wait3A_102, %dma_wait3A_103] : memref<128x128xf32, #tpu.memory_space<vmem>> -> memref<64x128xf32, #tpu.memory_space<vmem>>
        %dma_wait3A_105 = arith.constant 0 : i32
        %dma_wait3A_106 = arith.constant 0 : i32
        %dma_wait3A_107 = tpu.memref_slice %arg2[%dma_wait3A_105, %dma_wait3A_106] : memref<20480x128xf32, #tpu.memory_space<hbm>> -> memref<64x128xf32, #tpu.memory_space<hbm>>
        %dma_wait3A_108 = arith.constant 64 : i32
        %dma_wait3A_109 = arith.constant 0 : i32
        %dma_wait3A_110 = tpu.memref_slice %arg9[%dma_wait3A_108, %dma_wait3A_109] : memref<128x128xf32, #tpu.memory_space<vmem>> -> memref<64x128xf32, #tpu.memory_space<vmem>>
        %dma_wait3A_111 = arith.constant 0 : i32
        %dma_wait3A_112 = arith.constant 0 : i32
        %dma_wait3A_113 = tpu.memref_slice %arg2[%dma_wait3A_111, %dma_wait3A_112] : memref<20480x128xf32, #tpu.memory_space<hbm>> -> memref<64x128xf32, #tpu.memory_space<hbm>>
        tpu.wait_dma2 semaphore(%arg13 : memref<!tpu.dma_semaphore, #tpu.memory_space<semaphore_mem>>) src(%dma_wait3A_113 : memref<64x128xf32, #tpu.memory_space<hbm>>) dst(%dma_wait3A_110 : memref<64x128xf32, #tpu.memory_space<vmem>>)
        "tpu.region"() ({
          %run_scoped3A = tpu.sem_alloc : memref<!tpu.dma_semaphore, #tpu.memory_space<semaphore_mem>>
          %dma_start3A_144 = arith.constant 0 : i32
          %dma_start3A_145 = tpu.memref_slice %arg8[%add3A_70, %dma_start3A_144] : memref<32x128xi32, #tpu.memory_space<vmem>> -> memref<1x128xi32, #tpu.memory_space<vmem>>
          %dma_start3A_146 = tpu.memref_squeeze %dma_start3A_145 : memref<1x128xi32, #tpu.memory_space<vmem>> -> memref<128xi32, #tpu.memory_space<vmem>>
          %dma_start3A_147 = arith.constant 0 : i32
          %dma_start3A_148 = arith.constant 0 : i32
          %dma_start3A_149 = tpu.memref_slice %arg11[%dma_start3A_147, %dma_start3A_148] : memref<10240x128xf32, #tpu.memory_space<vmem_shared>> -> memref<10240x128xf32, #tpu.memory_space<vmem_shared>>
          tpu.enqueue_indirect_dma source(%arg9 : memref<128x128xf32, #tpu.memory_space<vmem>>) target(%dma_start3A_149 : memref<10240x128xf32, #tpu.memory_space<vmem_shared>>) offsets(%dma_start3A_146 : memref<128xi32, #tpu.memory_space<vmem>>) semaphore(%run_scoped3A : memref<!tpu.dma_semaphore, #tpu.memory_space<semaphore_mem>>) {add = true}
          %dma_wait3A_150 = arith.constant 0 : i32
          %dma_wait3A_151 = tpu.memref_slice %arg8[%add3A_70, %dma_wait3A_150] : memref<32x128xi32, #tpu.memory_space<vmem>> -> memref<1x128xi32, #tpu.memory_space<vmem>>
          %dma_wait3A_152 = tpu.memref_squeeze %dma_wait3A_151 : memref<1x128xi32, #tpu.memory_space<vmem>> -> memref<128xi32, #tpu.memory_space<vmem>>
          %dma_wait3A_153 = arith.constant 0 : i32
          %dma_wait3A_154 = arith.constant 0 : i32
          %dma_wait3A_155 = tpu.memref_slice %arg11[%dma_wait3A_153, %dma_wait3A_154] : memref<10240x128xf32, #tpu.memory_space<vmem_shared>> -> memref<10240x128xf32, #tpu.memory_space<vmem_shared>>
          tpu.wait_indirect_dma semaphore(%run_scoped3A : memref<!tpu.dma_semaphore, #tpu.memory_space<semaphore_mem>>) src(%arg9 : memref<128x128xf32, #tpu.memory_space<vmem>>) dst(%dma_wait3A_155 : memref<10240x128xf32, #tpu.memory_space<vmem_shared>>)
          tpu.yield
        }) : () -> ()
        %add3A_114 = arith.constant 2 : i32
        %add3A_115 = arith.addi %add3A_70, %add3A_114 : i32
        %lt3A = arith.constant 32 : i32
        %lt3A_116 = arith.cmpi slt, %add3A_115, %lt3A : i32
        %convert_element_type3A = arith.extui %lt3A_116 : i1 to i32
        %cond3A = arith.constant 0 : i32
        %cond3A_117 = arith.cmpi ne, %convert_element_type3A, %cond3A : i32
        scf.if %cond3A_117 {
          %add3A_144 = arith.constant 2 : i32
          %add3A_145 = arith.addi %add3A_70, %add3A_144 : i32
          %dma_start3A_146 = arith.constant 0 : i32
          %dma_start3A_147 = arith.constant 0 : i32
          %dma_start3A_148 = tpu.memref_slice %arg9[%dma_start3A_146, %dma_start3A_147] : memref<128x128xf32, #tpu.memory_space<vmem>> -> memref<64x128xf32, #tpu.memory_space<vmem>>
          %dma_start3A_149 = arith.constant 0 : i32
          %dma_start3A_150 = tpu.memref_slice %arg7[%add3A_145, %dma_start3A_149] : memref<32x128xi32, #tpu.memory_space<vmem>> -> memref<1x64xi32, #tpu.memory_space<vmem>>
          %dma_start3A_151 = tpu.memref_squeeze %dma_start3A_150 : memref<1x64xi32, #tpu.memory_space<vmem>> -> memref<64xi32, #tpu.memory_space<vmem>>
          %dma_start3A_152 = arith.constant 0 : i32
          %dma_start3A_153 = arith.constant 0 : i32
          %dma_start3A_154 = tpu.memref_slice %arg2[%dma_start3A_152, %dma_start3A_153] : memref<20480x128xf32, #tpu.memory_space<hbm>> -> memref<20480x128xf32, #tpu.memory_space<hbm>>
          tpu.enqueue_indirect_dma source(%dma_start3A_154 : memref<20480x128xf32, #tpu.memory_space<hbm>>) target(%dma_start3A_148 : memref<64x128xf32, #tpu.memory_space<vmem>>) offsets(%dma_start3A_151 : memref<64xi32, #tpu.memory_space<vmem>>) semaphore(%arg12 : memref<!tpu.dma_semaphore, #tpu.memory_space<semaphore_mem>>)
          %dma_start3A_155 = arith.constant 64 : i32
          %dma_start3A_156 = arith.constant 0 : i32
          %dma_start3A_157 = tpu.memref_slice %arg9[%dma_start3A_155, %dma_start3A_156] : memref<128x128xf32, #tpu.memory_space<vmem>> -> memref<64x128xf32, #tpu.memory_space<vmem>>
          %dma_start3A_158 = arith.constant 64 : i32
          %dma_start3A_159 = tpu.memref_slice %arg7[%add3A_145, %dma_start3A_158] : memref<32x128xi32, #tpu.memory_space<vmem>> -> memref<1x64xi32, #tpu.memory_space<vmem>>
          %dma_start3A_160 = tpu.memref_squeeze %dma_start3A_159 : memref<1x64xi32, #tpu.memory_space<vmem>> -> memref<64xi32, #tpu.memory_space<vmem>>
          %dma_start3A_161 = arith.constant 0 : i32
          %dma_start3A_162 = arith.constant 0 : i32
          %dma_start3A_163 = tpu.memref_slice %arg2[%dma_start3A_161, %dma_start3A_162] : memref<20480x128xf32, #tpu.memory_space<hbm>> -> memref<20480x128xf32, #tpu.memory_space<hbm>>
          tpu.enqueue_indirect_dma source(%dma_start3A_163 : memref<20480x128xf32, #tpu.memory_space<hbm>>) target(%dma_start3A_157 : memref<64x128xf32, #tpu.memory_space<vmem>>) offsets(%dma_start3A_160 : memref<64xi32, #tpu.memory_space<vmem>>) semaphore(%arg13 : memref<!tpu.dma_semaphore, #tpu.memory_space<semaphore_mem>>)
        } else {
        }
        %dma_wait3A_118 = arith.constant 0 : i32
        %dma_wait3A_119 = arith.constant 0 : i32
        %dma_wait3A_120 = tpu.memref_slice %arg10[%dma_wait3A_118, %dma_wait3A_119] : memref<128x128xf32, #tpu.memory_space<vmem>> -> memref<64x128xf32, #tpu.memory_space<vmem>>
        %dma_wait3A_121 = arith.constant 0 : i32
        %dma_wait3A_122 = arith.constant 0 : i32
        %dma_wait3A_123 = tpu.memref_slice %arg2[%dma_wait3A_121, %dma_wait3A_122] : memref<20480x128xf32, #tpu.memory_space<hbm>> -> memref<64x128xf32, #tpu.memory_space<hbm>>
        %dma_wait3A_124 = arith.constant 0 : i32
        %dma_wait3A_125 = arith.constant 0 : i32
        %dma_wait3A_126 = tpu.memref_slice %arg10[%dma_wait3A_124, %dma_wait3A_125] : memref<128x128xf32, #tpu.memory_space<vmem>> -> memref<64x128xf32, #tpu.memory_space<vmem>>
        %dma_wait3A_127 = arith.constant 0 : i32
        %dma_wait3A_128 = arith.constant 0 : i32
        %dma_wait3A_129 = tpu.memref_slice %arg2[%dma_wait3A_127, %dma_wait3A_128] : memref<20480x128xf32, #tpu.memory_space<hbm>> -> memref<64x128xf32, #tpu.memory_space<hbm>>
        tpu.wait_dma2 semaphore(%arg14 : memref<!tpu.dma_semaphore, #tpu.memory_space<semaphore_mem>>) src(%dma_wait3A_129 : memref<64x128xf32, #tpu.memory_space<hbm>>) dst(%dma_wait3A_126 : memref<64x128xf32, #tpu.memory_space<vmem>>)
        %dma_wait3A_130 = arith.constant 64 : i32
        %dma_wait3A_131 = arith.constant 0 : i32
        %dma_wait3A_132 = tpu.memref_slice %arg10[%dma_wait3A_130, %dma_wait3A_131] : memref<128x128xf32, #tpu.memory_space<vmem>> -> memref<64x128xf32, #tpu.memory_space<vmem>>
        %dma_wait3A_133 = arith.constant 0 : i32
        %dma_wait3A_134 = arith.constant 0 : i32
        %dma_wait3A_135 = tpu.memref_slice %arg2[%dma_wait3A_133, %dma_wait3A_134] : memref<20480x128xf32, #tpu.memory_space<hbm>> -> memref<64x128xf32, #tpu.memory_space<hbm>>
        %dma_wait3A_136 = arith.constant 64 : i32
        %dma_wait3A_137 = arith.constant 0 : i32
        %dma_wait3A_138 = tpu.memref_slice %arg10[%dma_wait3A_136, %dma_wait3A_137] : memref<128x128xf32, #tpu.memory_space<vmem>> -> memref<64x128xf32, #tpu.memory_space<vmem>>
        %dma_wait3A_139 = arith.constant 0 : i32
        %dma_wait3A_140 = arith.constant 0 : i32
        %dma_wait3A_141 = tpu.memref_slice %arg2[%dma_wait3A_139, %dma_wait3A_140] : memref<20480x128xf32, #tpu.memory_space<hbm>> -> memref<64x128xf32, #tpu.memory_space<hbm>>
        tpu.wait_dma2 semaphore(%arg15 : memref<!tpu.dma_semaphore, #tpu.memory_space<semaphore_mem>>) src(%dma_wait3A_141 : memref<64x128xf32, #tpu.memory_space<hbm>>) dst(%dma_wait3A_138 : memref<64x128xf32, #tpu.memory_space<vmem>>)
        %add3A_142 = arith.constant 1 : i32
        %add3A_143 = arith.addi %add3A_70, %add3A_142 : i32
        "tpu.region"() ({
          %run_scoped3A = tpu.sem_alloc : memref<!tpu.dma_semaphore, #tpu.memory_space<semaphore_mem>>
          %dma_start3A_144 = arith.constant 0 : i32
          %dma_start3A_145 = tpu.memref_slice %arg8[%add3A_143, %dma_start3A_144] : memref<32x128xi32, #tpu.memory_space<vmem>> -> memref<1x128xi32, #tpu.memory_space<vmem>>
          %dma_start3A_146 = tpu.memref_squeeze %dma_start3A_145 : memref<1x128xi32, #tpu.memory_space<vmem>> -> memref<128xi32, #tpu.memory_space<vmem>>
          %dma_start3A_147 = arith.constant 0 : i32
          %dma_start3A_148 = arith.constant 0 : i32
          %dma_start3A_149 = tpu.memref_slice %arg11[%dma_start3A_147, %dma_start3A_148] : memref<10240x128xf32, #tpu.memory_space<vmem_shared>> -> memref<10240x128xf32, #tpu.memory_space<vmem_shared>>
          tpu.enqueue_indirect_dma source(%arg10 : memref<128x128xf32, #tpu.memory_space<vmem>>) target(%dma_start3A_149 : memref<10240x128xf32, #tpu.memory_space<vmem_shared>>) offsets(%dma_start3A_146 : memref<128xi32, #tpu.memory_space<vmem>>) semaphore(%run_scoped3A : memref<!tpu.dma_semaphore, #tpu.memory_space<semaphore_mem>>) {add = true}
          %dma_wait3A_150 = arith.constant 0 : i32
          %dma_wait3A_151 = tpu.memref_slice %arg8[%add3A_143, %dma_wait3A_150] : memref<32x128xi32, #tpu.memory_space<vmem>> -> memref<1x128xi32, #tpu.memory_space<vmem>>
          %dma_wait3A_152 = tpu.memref_squeeze %dma_wait3A_151 : memref<1x128xi32, #tpu.memory_space<vmem>> -> memref<128xi32, #tpu.memory_space<vmem>>
          %dma_wait3A_153 = arith.constant 0 : i32
          %dma_wait3A_154 = arith.constant 0 : i32
          %dma_wait3A_155 = tpu.memref_slice %arg11[%dma_wait3A_153, %dma_wait3A_154] : memref<10240x128xf32, #tpu.memory_space<vmem_shared>> -> memref<10240x128xf32, #tpu.memory_space<vmem_shared>>
          tpu.wait_indirect_dma semaphore(%run_scoped3A : memref<!tpu.dma_semaphore, #tpu.memory_space<semaphore_mem>>) src(%arg10 : memref<128x128xf32, #tpu.memory_space<vmem>>) dst(%dma_wait3A_155 : memref<10240x128xf32, #tpu.memory_space<vmem_shared>>)
          tpu.yield
        }) : () -> ()
      }
      %scan3A_65 = arith.constant 16 : i32
    }
    %scan3A_24 = arith.constant 5 : i32
    %barrier3A_25 = arith.constant 0 : index
    tpu.barrier barrier_id(%barrier3A_25)
    %mul3A_26 = arith.constant 640 : i32
    %mul3A_27 = arith.muli %arg1, %mul3A_26 : i32
    %mul3A_28 = arith.constant 10240 : i32
    %mul3A_29 = arith.muli %arg0, %mul3A_28 : i32
    %mul3A_30 = arith.constant 640 : i32
    %mul3A_31 = arith.muli %arg1, %mul3A_30 : i32
    %add3A_32 = arith.addi %mul3A_29, %mul3A_31 : i32
    "tpu.region"() ({
      %run_scoped3A = tpu.sem_alloc : memref<!tpu.dma_semaphore, #tpu.memory_space<semaphore_mem>>
      %dma_start3A = arith.constant 0 : i32
      %dma_start3A_33 = tpu.memref_slice %arg6[%add3A_32, %dma_start3A] : memref<20480x128xf32, #tpu.memory_space<hbm>> -> memref<640x128xf32, #tpu.memory_space<hbm>>
      %dma_start3A_34 = arith.constant 0 : i32
      %dma_start3A_35 = tpu.memref_slice %arg11[%mul3A_27, %dma_start3A_34] : memref<10240x128xf32, #tpu.memory_space<vmem_shared>> -> memref<640x128xf32, #tpu.memory_space<vmem_shared>>
      tpu.enqueue_dma source(%dma_start3A_35 : memref<640x128xf32, #tpu.memory_space<vmem_shared>>) target(%dma_start3A_33 : memref<640x128xf32, #tpu.memory_space<hbm>>) target_semaphore(%run_scoped3A : memref<!tpu.dma_semaphore, #tpu.memory_space<semaphore_mem>>)
      %dma_wait3A = arith.constant 0 : i32
      %dma_wait3A_36 = tpu.memref_slice %arg6[%add3A_32, %dma_wait3A] : memref<20480x128xf32, #tpu.memory_space<hbm>> -> memref<640x128xf32, #tpu.memory_space<hbm>>
      %dma_wait3A_37 = arith.constant 0 : i32
      %dma_wait3A_38 = tpu.memref_slice %arg11[%mul3A_27, %dma_wait3A_37] : memref<10240x128xf32, #tpu.memory_space<vmem_shared>> -> memref<640x128xf32, #tpu.memory_space<vmem_shared>>
      tpu.wait_dma2 semaphore(%run_scoped3A : memref<!tpu.dma_semaphore, #tpu.memory_space<semaphore_mem>>) src(%dma_wait3A_38 : memref<640x128xf32, #tpu.memory_space<vmem_shared>>) dst(%dma_wait3A_36 : memref<640x128xf32, #tpu.memory_space<hbm>>)
      tpu.yield
    }) : () -> ()
    return
  }
}

#map = affine_map<(d0, d1) -> (0, 0)>
#map1 = affine_map<(d0, d1) -> (0, 0, 0)>
module attributes {stable_mosaic.version = 14 : i64} {
  func.func @sc_aggregate(%arg0: i32, %arg1: i32, %arg2: memref<20480x128xf32, #tpu.memory_space<hbm>>, %arg3: memref<32x160x128xi32, #tpu.memory_space<hbm>>, %arg4: memref<16x160x128xi32, #tpu.memory_space<hbm>>, %arg5: memref<128x128xf32, #tpu.memory_space<hbm>>, %arg6: memref<20480x128xf32, #tpu.memory_space<hbm>>, %arg7: memref<32x128xi32, #tpu.memory_space<vmem>>, %arg8: memref<32x128xi32, #tpu.memory_space<vmem>>, %arg9: memref<128x128xf32, #tpu.memory_space<vmem>>, %arg10: memref<128x128xf32, #tpu.memory_space<vmem>>, %arg11: memref<10240x128xf32, #tpu.memory_space<vmem_shared>>, %arg12: memref<!tpu.dma_semaphore, #tpu.memory_space<semaphore_mem>>, %arg13: memref<!tpu.dma_semaphore, #tpu.memory_space<semaphore_mem>>, %arg14: memref<!tpu.dma_semaphore, #tpu.memory_space<semaphore_mem>>, %arg15: memref<!tpu.dma_semaphore, #tpu.memory_space<semaphore_mem>>) attributes {dimension_semantics = [#tpu.dimension_semantics<core_parallel>, #tpu.dimension_semantics<subcore_parallel>], iteration_bounds = array<i64: 2, 16>, scalar_prefetch = 0 : i64, scratch_operands = 9 : i64, tpu.core_type = #tpu.core_type<sc_vector_subcore>, window_params = [{transform_indices = #map}, {transform_indices = #map1}, {transform_indices = #map1}, {transform_indices = #map}, {transform_indices = #map}]} {
    %mul3A = arith.constant 16 : i32
    %mul3A_0 = arith.muli %arg0, %mul3A : i32
    %add3A = arith.addi %mul3A_0, %arg1 : i32
    "tpu.region"() ({
      %run_scoped3A = tpu.sem_alloc : memref<!tpu.dma_semaphore, #tpu.memory_space<semaphore_mem>>
      tpu.enqueue_dma source(%arg5 : memref<128x128xf32, #tpu.memory_space<hbm>>) target(%arg9 : memref<128x128xf32, #tpu.memory_space<vmem>>) target_semaphore(%run_scoped3A : memref<!tpu.dma_semaphore, #tpu.memory_space<semaphore_mem>>)
      tpu.wait_dma2 semaphore(%run_scoped3A : memref<!tpu.dma_semaphore, #tpu.memory_space<semaphore_mem>>) src(%arg5 : memref<128x128xf32, #tpu.memory_space<hbm>>) dst(%arg9 : memref<128x128xf32, #tpu.memory_space<vmem>>)
      tpu.yield
    }) : () -> ()
    %mul3A_1 = arith.constant 640 : i32
    %mul3A_2 = arith.muli %arg1, %mul3A_1 : i32
    %add3A_3 = arith.constant 0 : i32
    %add3A_4 = arith.addi %mul3A_2, %add3A_3 : i32
    "tpu.region"() ({
      %run_scoped3A = tpu.sem_alloc : memref<!tpu.dma_semaphore, #tpu.memory_space<semaphore_mem>>
      %dma_start3A = arith.constant 0 : i32
      %dma_start3A_33 = tpu.memref_slice %arg11[%add3A_4, %dma_start3A] : memref<10240x128xf32, #tpu.memory_space<vmem_shared>> -> memref<128x128xf32, #tpu.memory_space<vmem_shared>>
      %dma_start3A_34 = arith.constant 0 : i32
      %dma_start3A_35 = tpu.memref_slice %arg11[%add3A_4, %dma_start3A_34] : memref<10240x128xf32, #tpu.memory_space<vmem_shared>> -> memref<128x128xf32, #tpu.memory_space<vmem_shared>>
      tpu.enqueue_dma source(%arg9 : memref<128x128xf32, #tpu.memory_space<vmem>>) target(%dma_start3A_35 : memref<128x128xf32, #tpu.memory_space<vmem_shared>>) target_semaphore(%run_scoped3A : memref<!tpu.dma_semaphore, #tpu.memory_space<semaphore_mem>>)
      %dma_wait3A = arith.constant 0 : i32
      %dma_wait3A_36 = tpu.memref_slice %arg11[%add3A_4, %dma_wait3A] : memref<10240x128xf32, #tpu.memory_space<vmem_shared>> -> memref<128x128xf32, #tpu.memory_space<vmem_shared>>
      %dma_wait3A_37 = arith.constant 0 : i32
      %dma_wait3A_38 = tpu.memref_slice %arg11[%add3A_4, %dma_wait3A_37] : memref<10240x128xf32, #tpu.memory_space<vmem_shared>> -> memref<128x128xf32, #tpu.memory_space<vmem_shared>>
      tpu.wait_dma2 semaphore(%run_scoped3A : memref<!tpu.dma_semaphore, #tpu.memory_space<semaphore_mem>>) src(%arg9 : memref<128x128xf32, #tpu.memory_space<vmem>>) dst(%dma_wait3A_38 : memref<128x128xf32, #tpu.memory_space<vmem_shared>>)
      tpu.yield
    }) : () -> ()
    %mul3A_5 = arith.constant 640 : i32
    %mul3A_6 = arith.muli %arg1, %mul3A_5 : i32
    %add3A_7 = arith.constant 128 : i32
    %add3A_8 = arith.addi %mul3A_6, %add3A_7 : i32
    "tpu.region"() ({
      %run_scoped3A = tpu.sem_alloc : memref<!tpu.dma_semaphore, #tpu.memory_space<semaphore_mem>>
      %dma_start3A = arith.constant 0 : i32
      %dma_start3A_33 = tpu.memref_slice %arg11[%add3A_8, %dma_start3A] : memref<10240x128xf32, #tpu.memory_space<vmem_shared>> -> memref<128x128xf32, #tpu.memory_space<vmem_shared>>
      %dma_start3A_34 = arith.constant 0 : i32
      %dma_start3A_35 = tpu.memref_slice %arg11[%add3A_8, %dma_start3A_34] : memref<10240x128xf32, #tpu.memory_space<vmem_shared>> -> memref<128x128xf32, #tpu.memory_space<vmem_shared>>
      tpu.enqueue_dma source(%arg9 : memref<128x128xf32, #tpu.memory_space<vmem>>) target(%dma_start3A_35 : memref<128x128xf32, #tpu.memory_space<vmem_shared>>) target_semaphore(%run_scoped3A : memref<!tpu.dma_semaphore, #tpu.memory_space<semaphore_mem>>)
      %dma_wait3A = arith.constant 0 : i32
      %dma_wait3A_36 = tpu.memref_slice %arg11[%add3A_8, %dma_wait3A] : memref<10240x128xf32, #tpu.memory_space<vmem_shared>> -> memref<128x128xf32, #tpu.memory_space<vmem_shared>>
      %dma_wait3A_37 = arith.constant 0 : i32
      %dma_wait3A_38 = tpu.memref_slice %arg11[%add3A_8, %dma_wait3A_37] : memref<10240x128xf32, #tpu.memory_space<vmem_shared>> -> memref<128x128xf32, #tpu.memory_space<vmem_shared>>
      tpu.wait_dma2 semaphore(%run_scoped3A : memref<!tpu.dma_semaphore, #tpu.memory_space<semaphore_mem>>) src(%arg9 : memref<128x128xf32, #tpu.memory_space<vmem>>) dst(%dma_wait3A_38 : memref<128x128xf32, #tpu.memory_space<vmem_shared>>)
      tpu.yield
    }) : () -> ()
    %mul3A_9 = arith.constant 640 : i32
    %mul3A_10 = arith.muli %arg1, %mul3A_9 : i32
    %add3A_11 = arith.constant 256 : i32
    %add3A_12 = arith.addi %mul3A_10, %add3A_11 : i32
    "tpu.region"() ({
      %run_scoped3A = tpu.sem_alloc : memref<!tpu.dma_semaphore, #tpu.memory_space<semaphore_mem>>
      %dma_start3A = arith.constant 0 : i32
      %dma_start3A_33 = tpu.memref_slice %arg11[%add3A_12, %dma_start3A] : memref<10240x128xf32, #tpu.memory_space<vmem_shared>> -> memref<128x128xf32, #tpu.memory_space<vmem_shared>>
      %dma_start3A_34 = arith.constant 0 : i32
      %dma_start3A_35 = tpu.memref_slice %arg11[%add3A_12, %dma_start3A_34] : memref<10240x128xf32, #tpu.memory_space<vmem_shared>> -> memref<128x128xf32, #tpu.memory_space<vmem_shared>>
      tpu.enqueue_dma source(%arg9 : memref<128x128xf32, #tpu.memory_space<vmem>>) target(%dma_start3A_35 : memref<128x128xf32, #tpu.memory_space<vmem_shared>>) target_semaphore(%run_scoped3A : memref<!tpu.dma_semaphore, #tpu.memory_space<semaphore_mem>>)
      %dma_wait3A = arith.constant 0 : i32
      %dma_wait3A_36 = tpu.memref_slice %arg11[%add3A_12, %dma_wait3A] : memref<10240x128xf32, #tpu.memory_space<vmem_shared>> -> memref<128x128xf32, #tpu.memory_space<vmem_shared>>
      %dma_wait3A_37 = arith.constant 0 : i32
      %dma_wait3A_38 = tpu.memref_slice %arg11[%add3A_12, %dma_wait3A_37] : memref<10240x128xf32, #tpu.memory_space<vmem_shared>> -> memref<128x128xf32, #tpu.memory_space<vmem_shared>>
      tpu.wait_dma2 semaphore(%run_scoped3A : memref<!tpu.dma_semaphore, #tpu.memory_space<semaphore_mem>>) src(%arg9 : memref<128x128xf32, #tpu.memory_space<vmem>>) dst(%dma_wait3A_38 : memref<128x128xf32, #tpu.memory_space<vmem_shared>>)
      tpu.yield
    }) : () -> ()
    %mul3A_13 = arith.constant 640 : i32
    %mul3A_14 = arith.muli %arg1, %mul3A_13 : i32
    %add3A_15 = arith.constant 384 : i32
    %add3A_16 = arith.addi %mul3A_14, %add3A_15 : i32
    "tpu.region"() ({
      %run_scoped3A = tpu.sem_alloc : memref<!tpu.dma_semaphore, #tpu.memory_space<semaphore_mem>>
      %dma_start3A = arith.constant 0 : i32
      %dma_start3A_33 = tpu.memref_slice %arg11[%add3A_16, %dma_start3A] : memref<10240x128xf32, #tpu.memory_space<vmem_shared>> -> memref<128x128xf32, #tpu.memory_space<vmem_shared>>
      %dma_start3A_34 = arith.constant 0 : i32
      %dma_start3A_35 = tpu.memref_slice %arg11[%add3A_16, %dma_start3A_34] : memref<10240x128xf32, #tpu.memory_space<vmem_shared>> -> memref<128x128xf32, #tpu.memory_space<vmem_shared>>
      tpu.enqueue_dma source(%arg9 : memref<128x128xf32, #tpu.memory_space<vmem>>) target(%dma_start3A_35 : memref<128x128xf32, #tpu.memory_space<vmem_shared>>) target_semaphore(%run_scoped3A : memref<!tpu.dma_semaphore, #tpu.memory_space<semaphore_mem>>)
      %dma_wait3A = arith.constant 0 : i32
      %dma_wait3A_36 = tpu.memref_slice %arg11[%add3A_16, %dma_wait3A] : memref<10240x128xf32, #tpu.memory_space<vmem_shared>> -> memref<128x128xf32, #tpu.memory_space<vmem_shared>>
      %dma_wait3A_37 = arith.constant 0 : i32
      %dma_wait3A_38 = tpu.memref_slice %arg11[%add3A_16, %dma_wait3A_37] : memref<10240x128xf32, #tpu.memory_space<vmem_shared>> -> memref<128x128xf32, #tpu.memory_space<vmem_shared>>
      tpu.wait_dma2 semaphore(%run_scoped3A : memref<!tpu.dma_semaphore, #tpu.memory_space<semaphore_mem>>) src(%arg9 : memref<128x128xf32, #tpu.memory_space<vmem>>) dst(%dma_wait3A_38 : memref<128x128xf32, #tpu.memory_space<vmem_shared>>)
      tpu.yield
    }) : () -> ()
    %mul3A_17 = arith.constant 640 : i32
    %mul3A_18 = arith.muli %arg1, %mul3A_17 : i32
    %add3A_19 = arith.constant 512 : i32
    %add3A_20 = arith.addi %mul3A_18, %add3A_19 : i32
    "tpu.region"() ({
      %run_scoped3A = tpu.sem_alloc : memref<!tpu.dma_semaphore, #tpu.memory_space<semaphore_mem>>
      %dma_start3A = arith.constant 0 : i32
      %dma_start3A_33 = tpu.memref_slice %arg11[%add3A_20, %dma_start3A] : memref<10240x128xf32, #tpu.memory_space<vmem_shared>> -> memref<128x128xf32, #tpu.memory_space<vmem_shared>>
      %dma_start3A_34 = arith.constant 0 : i32
      %dma_start3A_35 = tpu.memref_slice %arg11[%add3A_20, %dma_start3A_34] : memref<10240x128xf32, #tpu.memory_space<vmem_shared>> -> memref<128x128xf32, #tpu.memory_space<vmem_shared>>
      tpu.enqueue_dma source(%arg9 : memref<128x128xf32, #tpu.memory_space<vmem>>) target(%dma_start3A_35 : memref<128x128xf32, #tpu.memory_space<vmem_shared>>) target_semaphore(%run_scoped3A : memref<!tpu.dma_semaphore, #tpu.memory_space<semaphore_mem>>)
      %dma_wait3A = arith.constant 0 : i32
      %dma_wait3A_36 = tpu.memref_slice %arg11[%add3A_20, %dma_wait3A] : memref<10240x128xf32, #tpu.memory_space<vmem_shared>> -> memref<128x128xf32, #tpu.memory_space<vmem_shared>>
      %dma_wait3A_37 = arith.constant 0 : i32
      %dma_wait3A_38 = tpu.memref_slice %arg11[%add3A_20, %dma_wait3A_37] : memref<10240x128xf32, #tpu.memory_space<vmem_shared>> -> memref<128x128xf32, #tpu.memory_space<vmem_shared>>
      tpu.wait_dma2 semaphore(%run_scoped3A : memref<!tpu.dma_semaphore, #tpu.memory_space<semaphore_mem>>) src(%arg9 : memref<128x128xf32, #tpu.memory_space<vmem>>) dst(%dma_wait3A_38 : memref<128x128xf32, #tpu.memory_space<vmem_shared>>)
      tpu.yield
    }) : () -> ()
    %barrier3A = arith.constant 0 : index
    tpu.barrier barrier_id(%barrier3A)
    %scan3A = arith.constant 0 : i32
    %scan3A_21 = arith.constant 5 : i32
    %scan3A_22 = arith.addi %scan3A, %scan3A_21 : i32
    %scan3A_23 = arith.constant 1 : i32
    scf.for %scan3A_33 = %scan3A to %scan3A_22 step %scan3A_23  : i32 {
      %mul3A_34 = arith.constant 1 : i32
      %mul3A_35 = arith.muli %scan3A_33, %mul3A_34 : i32
      %add3A_36 = arith.constant 0 : i32
      %add3A_37 = arith.addi %add3A_36, %mul3A_35 : i32
      %mul3A_38 = arith.constant 32 : i32
      %mul3A_39 = arith.muli %add3A_37, %mul3A_38 : i32
      "tpu.region"() ({
        %run_scoped3A = tpu.sem_alloc : memref<!tpu.dma_semaphore, #tpu.memory_space<semaphore_mem>>
        %dma_start3A_66 = arith.constant 0 : i32
        %dma_start3A_67 = tpu.memref_slice %arg3[%add3A, %mul3A_39, %dma_start3A_66] : memref<32x160x128xi32, #tpu.memory_space<hbm>> -> memref<1x32x128xi32, #tpu.memory_space<hbm>>
        %dma_start3A_68 = tpu.memref_squeeze %dma_start3A_67 : memref<1x32x128xi32, #tpu.memory_space<hbm>> -> memref<32x128xi32, #tpu.memory_space<hbm>>
        %dma_start3A_69 = arith.constant 0 : i32
        %dma_start3A_70 = tpu.memref_slice %arg3[%add3A, %mul3A_39, %dma_start3A_69] : memref<32x160x128xi32, #tpu.memory_space<hbm>> -> memref<1x32x128xi32, #tpu.memory_space<hbm>>
        %dma_start3A_71 = tpu.memref_squeeze %dma_start3A_70 : memref<1x32x128xi32, #tpu.memory_space<hbm>> -> memref<32x128xi32, #tpu.memory_space<hbm>>
        tpu.enqueue_dma source(%dma_start3A_71 : memref<32x128xi32, #tpu.memory_space<hbm>>) target(%arg7 : memref<32x128xi32, #tpu.memory_space<vmem>>) target_semaphore(%run_scoped3A : memref<!tpu.dma_semaphore, #tpu.memory_space<semaphore_mem>>)
        %dma_wait3A = arith.constant 0 : i32
        %dma_wait3A_72 = tpu.memref_slice %arg3[%add3A, %mul3A_39, %dma_wait3A] : memref<32x160x128xi32, #tpu.memory_space<hbm>> -> memref<1x32x128xi32, #tpu.memory_space<hbm>>
        %dma_wait3A_73 = tpu.memref_squeeze %dma_wait3A_72 : memref<1x32x128xi32, #tpu.memory_space<hbm>> -> memref<32x128xi32, #tpu.memory_space<hbm>>
        %dma_wait3A_74 = arith.constant 0 : i32
        %dma_wait3A_75 = tpu.memref_slice %arg3[%add3A, %mul3A_39, %dma_wait3A_74] : memref<32x160x128xi32, #tpu.memory_space<hbm>> -> memref<1x32x128xi32, #tpu.memory_space<hbm>>
        %dma_wait3A_76 = tpu.memref_squeeze %dma_wait3A_75 : memref<1x32x128xi32, #tpu.memory_space<hbm>> -> memref<32x128xi32, #tpu.memory_space<hbm>>
        tpu.wait_dma2 semaphore(%run_scoped3A : memref<!tpu.dma_semaphore, #tpu.memory_space<semaphore_mem>>) src(%dma_wait3A_76 : memref<32x128xi32, #tpu.memory_space<hbm>>) dst(%arg7 : memref<32x128xi32, #tpu.memory_space<vmem>>)
        tpu.yield
      }) : () -> ()
      %mul3A_40 = arith.constant 32 : i32
      %mul3A_41 = arith.muli %add3A_37, %mul3A_40 : i32
      "tpu.region"() ({
        %run_scoped3A = tpu.sem_alloc : memref<!tpu.dma_semaphore, #tpu.memory_space<semaphore_mem>>
        %dma_start3A_66 = arith.constant 0 : i32
        %dma_start3A_67 = tpu.memref_slice %arg4[%arg1, %mul3A_41, %dma_start3A_66] : memref<16x160x128xi32, #tpu.memory_space<hbm>> -> memref<1x32x128xi32, #tpu.memory_space<hbm>>
        %dma_start3A_68 = tpu.memref_squeeze %dma_start3A_67 : memref<1x32x128xi32, #tpu.memory_space<hbm>> -> memref<32x128xi32, #tpu.memory_space<hbm>>
        %dma_start3A_69 = arith.constant 0 : i32
        %dma_start3A_70 = tpu.memref_slice %arg4[%arg1, %mul3A_41, %dma_start3A_69] : memref<16x160x128xi32, #tpu.memory_space<hbm>> -> memref<1x32x128xi32, #tpu.memory_space<hbm>>
        %dma_start3A_71 = tpu.memref_squeeze %dma_start3A_70 : memref<1x32x128xi32, #tpu.memory_space<hbm>> -> memref<32x128xi32, #tpu.memory_space<hbm>>
        tpu.enqueue_dma source(%dma_start3A_71 : memref<32x128xi32, #tpu.memory_space<hbm>>) target(%arg8 : memref<32x128xi32, #tpu.memory_space<vmem>>) target_semaphore(%run_scoped3A : memref<!tpu.dma_semaphore, #tpu.memory_space<semaphore_mem>>)
        %dma_wait3A = arith.constant 0 : i32
        %dma_wait3A_72 = tpu.memref_slice %arg4[%arg1, %mul3A_41, %dma_wait3A] : memref<16x160x128xi32, #tpu.memory_space<hbm>> -> memref<1x32x128xi32, #tpu.memory_space<hbm>>
        %dma_wait3A_73 = tpu.memref_squeeze %dma_wait3A_72 : memref<1x32x128xi32, #tpu.memory_space<hbm>> -> memref<32x128xi32, #tpu.memory_space<hbm>>
        %dma_wait3A_74 = arith.constant 0 : i32
        %dma_wait3A_75 = tpu.memref_slice %arg4[%arg1, %mul3A_41, %dma_wait3A_74] : memref<16x160x128xi32, #tpu.memory_space<hbm>> -> memref<1x32x128xi32, #tpu.memory_space<hbm>>
        %dma_wait3A_76 = tpu.memref_squeeze %dma_wait3A_75 : memref<1x32x128xi32, #tpu.memory_space<hbm>> -> memref<32x128xi32, #tpu.memory_space<hbm>>
        tpu.wait_dma2 semaphore(%run_scoped3A : memref<!tpu.dma_semaphore, #tpu.memory_space<semaphore_mem>>) src(%dma_wait3A_76 : memref<32x128xi32, #tpu.memory_space<hbm>>) dst(%arg8 : memref<32x128xi32, #tpu.memory_space<vmem>>)
        tpu.yield
      }) : () -> ()
      %dma_start3A = arith.constant 0 : i32
      %dma_start3A_42 = arith.constant 0 : i32
      %dma_start3A_43 = arith.constant 0 : i32
      %dma_start3A_44 = tpu.memref_slice %arg9[%dma_start3A_42, %dma_start3A_43] : memref<128x128xf32, #tpu.memory_space<vmem>> -> memref<64x128xf32, #tpu.memory_space<vmem>>
      %dma_start3A_45 = arith.constant 0 : i32
      %dma_start3A_46 = tpu.memref_slice %arg7[%dma_start3A, %dma_start3A_45] : memref<32x128xi32, #tpu.memory_space<vmem>> -> memref<1x64xi32, #tpu.memory_space<vmem>>
      %dma_start3A_47 = tpu.memref_squeeze %dma_start3A_46 : memref<1x64xi32, #tpu.memory_space<vmem>> -> memref<64xi32, #tpu.memory_space<vmem>>
      %dma_start3A_48 = arith.constant 0 : i32
      %dma_start3A_49 = arith.constant 0 : i32
      %dma_start3A_50 = tpu.memref_slice %arg2[%dma_start3A_48, %dma_start3A_49] : memref<20480x128xf32, #tpu.memory_space<hbm>> -> memref<20480x128xf32, #tpu.memory_space<hbm>>
      tpu.enqueue_indirect_dma source(%dma_start3A_50 : memref<20480x128xf32, #tpu.memory_space<hbm>>) target(%dma_start3A_44 : memref<64x128xf32, #tpu.memory_space<vmem>>) offsets(%dma_start3A_47 : memref<64xi32, #tpu.memory_space<vmem>>) semaphore(%arg12 : memref<!tpu.dma_semaphore, #tpu.memory_space<semaphore_mem>>)
      %dma_start3A_51 = arith.constant 0 : i32
      %dma_start3A_52 = arith.constant 64 : i32
      %dma_start3A_53 = arith.constant 0 : i32
      %dma_start3A_54 = tpu.memref_slice %arg9[%dma_start3A_52, %dma_start3A_53] : memref<128x128xf32, #tpu.memory_space<vmem>> -> memref<64x128xf32, #tpu.memory_space<vmem>>
      %dma_start3A_55 = arith.constant 64 : i32
      %dma_start3A_56 = tpu.memref_slice %arg7[%dma_start3A_51, %dma_start3A_55] : memref<32x128xi32, #tpu.memory_space<vmem>> -> memref<1x64xi32, #tpu.memory_space<vmem>>
      %dma_start3A_57 = tpu.memref_squeeze %dma_start3A_56 : memref<1x64xi32, #tpu.memory_space<vmem>> -> memref<64xi32, #tpu.memory_space<vmem>>
      %dma_start3A_58 = arith.constant 0 : i32
      %dma_start3A_59 = arith.constant 0 : i32
      %dma_start3A_60 = tpu.memref_slice %arg2[%dma_start3A_58, %dma_start3A_59] : memref<20480x128xf32, #tpu.memory_space<hbm>> -> memref<20480x128xf32, #tpu.memory_space<hbm>>
      tpu.enqueue_indirect_dma source(%dma_start3A_60 : memref<20480x128xf32, #tpu.memory_space<hbm>>) target(%dma_start3A_54 : memref<64x128xf32, #tpu.memory_space<vmem>>) offsets(%dma_start3A_57 : memref<64xi32, #tpu.memory_space<vmem>>) semaphore(%arg13 : memref<!tpu.dma_semaphore, #tpu.memory_space<semaphore_mem>>)
      %scan3A_61 = arith.constant 0 : i32
      %scan3A_62 = arith.constant 16 : i32
      %scan3A_63 = arith.addi %scan3A_61, %scan3A_62 : i32
      %scan3A_64 = arith.constant 1 : i32
      scf.for %scan3A_66 = %scan3A_61 to %scan3A_63 step %scan3A_64  : i32 {
        %mul3A_67 = arith.constant 2 : i32
        %mul3A_68 = arith.muli %scan3A_66, %mul3A_67 : i32
        %add3A_69 = arith.constant 0 : i32
        %add3A_70 = arith.addi %add3A_69, %mul3A_68 : i32
        %add3A_71 = arith.constant 1 : i32
        %add3A_72 = arith.addi %add3A_70, %add3A_71 : i32
        %dma_start3A_73 = arith.constant 0 : i32
        %dma_start3A_74 = arith.constant 0 : i32
        %dma_start3A_75 = tpu.memref_slice %arg10[%dma_start3A_73, %dma_start3A_74] : memref<128x128xf32, #tpu.memory_space<vmem>> -> memref<64x128xf32, #tpu.memory_space<vmem>>
        %dma_start3A_76 = arith.constant 0 : i32
        %dma_start3A_77 = tpu.memref_slice %arg7[%add3A_72, %dma_start3A_76] : memref<32x128xi32, #tpu.memory_space<vmem>> -> memref<1x64xi32, #tpu.memory_space<vmem>>
        %dma_start3A_78 = tpu.memref_squeeze %dma_start3A_77 : memref<1x64xi32, #tpu.memory_space<vmem>> -> memref<64xi32, #tpu.memory_space<vmem>>
        %dma_start3A_79 = arith.constant 0 : i32
        %dma_start3A_80 = arith.constant 0 : i32
        %dma_start3A_81 = tpu.memref_slice %arg2[%dma_start3A_79, %dma_start3A_80] : memref<20480x128xf32, #tpu.memory_space<hbm>> -> memref<20480x128xf32, #tpu.memory_space<hbm>>
        tpu.enqueue_indirect_dma source(%dma_start3A_81 : memref<20480x128xf32, #tpu.memory_space<hbm>>) target(%dma_start3A_75 : memref<64x128xf32, #tpu.memory_space<vmem>>) offsets(%dma_start3A_78 : memref<64xi32, #tpu.memory_space<vmem>>) semaphore(%arg14 : memref<!tpu.dma_semaphore, #tpu.memory_space<semaphore_mem>>)
        %dma_start3A_82 = arith.constant 64 : i32
        %dma_start3A_83 = arith.constant 0 : i32
        %dma_start3A_84 = tpu.memref_slice %arg10[%dma_start3A_82, %dma_start3A_83] : memref<128x128xf32, #tpu.memory_space<vmem>> -> memref<64x128xf32, #tpu.memory_space<vmem>>
        %dma_start3A_85 = arith.constant 64 : i32
        %dma_start3A_86 = tpu.memref_slice %arg7[%add3A_72, %dma_start3A_85] : memref<32x128xi32, #tpu.memory_space<vmem>> -> memref<1x64xi32, #tpu.memory_space<vmem>>
        %dma_start3A_87 = tpu.memref_squeeze %dma_start3A_86 : memref<1x64xi32, #tpu.memory_space<vmem>> -> memref<64xi32, #tpu.memory_space<vmem>>
        %dma_start3A_88 = arith.constant 0 : i32
        %dma_start3A_89 = arith.constant 0 : i32
        %dma_start3A_90 = tpu.memref_slice %arg2[%dma_start3A_88, %dma_start3A_89] : memref<20480x128xf32, #tpu.memory_space<hbm>> -> memref<20480x128xf32, #tpu.memory_space<hbm>>
        tpu.enqueue_indirect_dma source(%dma_start3A_90 : memref<20480x128xf32, #tpu.memory_space<hbm>>) target(%dma_start3A_84 : memref<64x128xf32, #tpu.memory_space<vmem>>) offsets(%dma_start3A_87 : memref<64xi32, #tpu.memory_space<vmem>>) semaphore(%arg15 : memref<!tpu.dma_semaphore, #tpu.memory_space<semaphore_mem>>)
        %dma_wait3A = arith.constant 0 : i32
        %dma_wait3A_91 = arith.constant 0 : i32
        %dma_wait3A_92 = tpu.memref_slice %arg9[%dma_wait3A, %dma_wait3A_91] : memref<128x128xf32, #tpu.memory_space<vmem>> -> memref<64x128xf32, #tpu.memory_space<vmem>>
        %dma_wait3A_93 = arith.constant 0 : i32
        %dma_wait3A_94 = arith.constant 0 : i32
        %dma_wait3A_95 = tpu.memref_slice %arg2[%dma_wait3A_93, %dma_wait3A_94] : memref<20480x128xf32, #tpu.memory_space<hbm>> -> memref<64x128xf32, #tpu.memory_space<hbm>>
        %dma_wait3A_96 = arith.constant 0 : i32
        %dma_wait3A_97 = arith.constant 0 : i32
        %dma_wait3A_98 = tpu.memref_slice %arg9[%dma_wait3A_96, %dma_wait3A_97] : memref<128x128xf32, #tpu.memory_space<vmem>> -> memref<64x128xf32, #tpu.memory_space<vmem>>
        %dma_wait3A_99 = arith.constant 0 : i32
        %dma_wait3A_100 = arith.constant 0 : i32
        %dma_wait3A_101 = tpu.memref_slice %arg2[%dma_wait3A_99, %dma_wait3A_100] : memref<20480x128xf32, #tpu.memory_space<hbm>> -> memref<64x128xf32, #tpu.memory_space<hbm>>
        tpu.wait_dma2 semaphore(%arg12 : memref<!tpu.dma_semaphore, #tpu.memory_space<semaphore_mem>>) src(%dma_wait3A_101 : memref<64x128xf32, #tpu.memory_space<hbm>>) dst(%dma_wait3A_98 : memref<64x128xf32, #tpu.memory_space<vmem>>)
        %dma_wait3A_102 = arith.constant 64 : i32
        %dma_wait3A_103 = arith.constant 0 : i32
        %dma_wait3A_104 = tpu.memref_slice %arg9[%dma_wait3A_102, %dma_wait3A_103] : memref<128x128xf32, #tpu.memory_space<vmem>> -> memref<64x128xf32, #tpu.memory_space<vmem>>
        %dma_wait3A_105 = arith.constant 0 : i32
        %dma_wait3A_106 = arith.constant 0 : i32
        %dma_wait3A_107 = tpu.memref_slice %arg2[%dma_wait3A_105, %dma_wait3A_106] : memref<20480x128xf32, #tpu.memory_space<hbm>> -> memref<64x128xf32, #tpu.memory_space<hbm>>
        %dma_wait3A_108 = arith.constant 64 : i32
        %dma_wait3A_109 = arith.constant 0 : i32
        %dma_wait3A_110 = tpu.memref_slice %arg9[%dma_wait3A_108, %dma_wait3A_109] : memref<128x128xf32, #tpu.memory_space<vmem>> -> memref<64x128xf32, #tpu.memory_space<vmem>>
        %dma_wait3A_111 = arith.constant 0 : i32
        %dma_wait3A_112 = arith.constant 0 : i32
        %dma_wait3A_113 = tpu.memref_slice %arg2[%dma_wait3A_111, %dma_wait3A_112] : memref<20480x128xf32, #tpu.memory_space<hbm>> -> memref<64x128xf32, #tpu.memory_space<hbm>>
        tpu.wait_dma2 semaphore(%arg13 : memref<!tpu.dma_semaphore, #tpu.memory_space<semaphore_mem>>) src(%dma_wait3A_113 : memref<64x128xf32, #tpu.memory_space<hbm>>) dst(%dma_wait3A_110 : memref<64x128xf32, #tpu.memory_space<vmem>>)
        "tpu.region"() ({
          %run_scoped3A = tpu.sem_alloc : memref<!tpu.dma_semaphore, #tpu.memory_space<semaphore_mem>>
          %dma_start3A_144 = arith.constant 0 : i32
          %dma_start3A_145 = tpu.memref_slice %arg8[%add3A_70, %dma_start3A_144] : memref<32x128xi32, #tpu.memory_space<vmem>> -> memref<1x128xi32, #tpu.memory_space<vmem>>
          %dma_start3A_146 = tpu.memref_squeeze %dma_start3A_145 : memref<1x128xi32, #tpu.memory_space<vmem>> -> memref<128xi32, #tpu.memory_space<vmem>>
          %dma_start3A_147 = arith.constant 0 : i32
          %dma_start3A_148 = arith.constant 0 : i32
          %dma_start3A_149 = tpu.memref_slice %arg11[%dma_start3A_147, %dma_start3A_148] : memref<10240x128xf32, #tpu.memory_space<vmem_shared>> -> memref<10240x128xf32, #tpu.memory_space<vmem_shared>>
          tpu.enqueue_indirect_dma source(%arg9 : memref<128x128xf32, #tpu.memory_space<vmem>>) target(%dma_start3A_149 : memref<10240x128xf32, #tpu.memory_space<vmem_shared>>) offsets(%dma_start3A_146 : memref<128xi32, #tpu.memory_space<vmem>>) semaphore(%run_scoped3A : memref<!tpu.dma_semaphore, #tpu.memory_space<semaphore_mem>>) {add = true}
          %dma_wait3A_150 = arith.constant 0 : i32
          %dma_wait3A_151 = tpu.memref_slice %arg8[%add3A_70, %dma_wait3A_150] : memref<32x128xi32, #tpu.memory_space<vmem>> -> memref<1x128xi32, #tpu.memory_space<vmem>>
          %dma_wait3A_152 = tpu.memref_squeeze %dma_wait3A_151 : memref<1x128xi32, #tpu.memory_space<vmem>> -> memref<128xi32, #tpu.memory_space<vmem>>
          %dma_wait3A_153 = arith.constant 0 : i32
          %dma_wait3A_154 = arith.constant 0 : i32
          %dma_wait3A_155 = tpu.memref_slice %arg11[%dma_wait3A_153, %dma_wait3A_154] : memref<10240x128xf32, #tpu.memory_space<vmem_shared>> -> memref<10240x128xf32, #tpu.memory_space<vmem_shared>>
          tpu.wait_indirect_dma semaphore(%run_scoped3A : memref<!tpu.dma_semaphore, #tpu.memory_space<semaphore_mem>>) src(%arg9 : memref<128x128xf32, #tpu.memory_space<vmem>>) dst(%dma_wait3A_155 : memref<10240x128xf32, #tpu.memory_space<vmem_shared>>)
          tpu.yield
        }) : () -> ()
        %add3A_114 = arith.constant 2 : i32
        %add3A_115 = arith.addi %add3A_70, %add3A_114 : i32
        %lt3A = arith.constant 32 : i32
        %lt3A_116 = arith.cmpi slt, %add3A_115, %lt3A : i32
        %convert_element_type3A = arith.extui %lt3A_116 : i1 to i32
        %cond3A = arith.constant 0 : i32
        %cond3A_117 = arith.cmpi ne, %convert_element_type3A, %cond3A : i32
        scf.if %cond3A_117 {
          %add3A_144 = arith.constant 2 : i32
          %add3A_145 = arith.addi %add3A_70, %add3A_144 : i32
          %dma_start3A_146 = arith.constant 0 : i32
          %dma_start3A_147 = arith.constant 0 : i32
          %dma_start3A_148 = tpu.memref_slice %arg9[%dma_start3A_146, %dma_start3A_147] : memref<128x128xf32, #tpu.memory_space<vmem>> -> memref<64x128xf32, #tpu.memory_space<vmem>>
          %dma_start3A_149 = arith.constant 0 : i32
          %dma_start3A_150 = tpu.memref_slice %arg7[%add3A_145, %dma_start3A_149] : memref<32x128xi32, #tpu.memory_space<vmem>> -> memref<1x64xi32, #tpu.memory_space<vmem>>
          %dma_start3A_151 = tpu.memref_squeeze %dma_start3A_150 : memref<1x64xi32, #tpu.memory_space<vmem>> -> memref<64xi32, #tpu.memory_space<vmem>>
          %dma_start3A_152 = arith.constant 0 : i32
          %dma_start3A_153 = arith.constant 0 : i32
          %dma_start3A_154 = tpu.memref_slice %arg2[%dma_start3A_152, %dma_start3A_153] : memref<20480x128xf32, #tpu.memory_space<hbm>> -> memref<20480x128xf32, #tpu.memory_space<hbm>>
          tpu.enqueue_indirect_dma source(%dma_start3A_154 : memref<20480x128xf32, #tpu.memory_space<hbm>>) target(%dma_start3A_148 : memref<64x128xf32, #tpu.memory_space<vmem>>) offsets(%dma_start3A_151 : memref<64xi32, #tpu.memory_space<vmem>>) semaphore(%arg12 : memref<!tpu.dma_semaphore, #tpu.memory_space<semaphore_mem>>)
          %dma_start3A_155 = arith.constant 64 : i32
          %dma_start3A_156 = arith.constant 0 : i32
          %dma_start3A_157 = tpu.memref_slice %arg9[%dma_start3A_155, %dma_start3A_156] : memref<128x128xf32, #tpu.memory_space<vmem>> -> memref<64x128xf32, #tpu.memory_space<vmem>>
          %dma_start3A_158 = arith.constant 64 : i32
          %dma_start3A_159 = tpu.memref_slice %arg7[%add3A_145, %dma_start3A_158] : memref<32x128xi32, #tpu.memory_space<vmem>> -> memref<1x64xi32, #tpu.memory_space<vmem>>
          %dma_start3A_160 = tpu.memref_squeeze %dma_start3A_159 : memref<1x64xi32, #tpu.memory_space<vmem>> -> memref<64xi32, #tpu.memory_space<vmem>>
          %dma_start3A_161 = arith.constant 0 : i32
          %dma_start3A_162 = arith.constant 0 : i32
          %dma_start3A_163 = tpu.memref_slice %arg2[%dma_start3A_161, %dma_start3A_162] : memref<20480x128xf32, #tpu.memory_space<hbm>> -> memref<20480x128xf32, #tpu.memory_space<hbm>>
          tpu.enqueue_indirect_dma source(%dma_start3A_163 : memref<20480x128xf32, #tpu.memory_space<hbm>>) target(%dma_start3A_157 : memref<64x128xf32, #tpu.memory_space<vmem>>) offsets(%dma_start3A_160 : memref<64xi32, #tpu.memory_space<vmem>>) semaphore(%arg13 : memref<!tpu.dma_semaphore, #tpu.memory_space<semaphore_mem>>)
        } else {
        }
        %dma_wait3A_118 = arith.constant 0 : i32
        %dma_wait3A_119 = arith.constant 0 : i32
        %dma_wait3A_120 = tpu.memref_slice %arg10[%dma_wait3A_118, %dma_wait3A_119] : memref<128x128xf32, #tpu.memory_space<vmem>> -> memref<64x128xf32, #tpu.memory_space<vmem>>
        %dma_wait3A_121 = arith.constant 0 : i32
        %dma_wait3A_122 = arith.constant 0 : i32
        %dma_wait3A_123 = tpu.memref_slice %arg2[%dma_wait3A_121, %dma_wait3A_122] : memref<20480x128xf32, #tpu.memory_space<hbm>> -> memref<64x128xf32, #tpu.memory_space<hbm>>
        %dma_wait3A_124 = arith.constant 0 : i32
        %dma_wait3A_125 = arith.constant 0 : i32
        %dma_wait3A_126 = tpu.memref_slice %arg10[%dma_wait3A_124, %dma_wait3A_125] : memref<128x128xf32, #tpu.memory_space<vmem>> -> memref<64x128xf32, #tpu.memory_space<vmem>>
        %dma_wait3A_127 = arith.constant 0 : i32
        %dma_wait3A_128 = arith.constant 0 : i32
        %dma_wait3A_129 = tpu.memref_slice %arg2[%dma_wait3A_127, %dma_wait3A_128] : memref<20480x128xf32, #tpu.memory_space<hbm>> -> memref<64x128xf32, #tpu.memory_space<hbm>>
        tpu.wait_dma2 semaphore(%arg14 : memref<!tpu.dma_semaphore, #tpu.memory_space<semaphore_mem>>) src(%dma_wait3A_129 : memref<64x128xf32, #tpu.memory_space<hbm>>) dst(%dma_wait3A_126 : memref<64x128xf32, #tpu.memory_space<vmem>>)
        %dma_wait3A_130 = arith.constant 64 : i32
        %dma_wait3A_131 = arith.constant 0 : i32
        %dma_wait3A_132 = tpu.memref_slice %arg10[%dma_wait3A_130, %dma_wait3A_131] : memref<128x128xf32, #tpu.memory_space<vmem>> -> memref<64x128xf32, #tpu.memory_space<vmem>>
        %dma_wait3A_133 = arith.constant 0 : i32
        %dma_wait3A_134 = arith.constant 0 : i32
        %dma_wait3A_135 = tpu.memref_slice %arg2[%dma_wait3A_133, %dma_wait3A_134] : memref<20480x128xf32, #tpu.memory_space<hbm>> -> memref<64x128xf32, #tpu.memory_space<hbm>>
        %dma_wait3A_136 = arith.constant 64 : i32
        %dma_wait3A_137 = arith.constant 0 : i32
        %dma_wait3A_138 = tpu.memref_slice %arg10[%dma_wait3A_136, %dma_wait3A_137] : memref<128x128xf32, #tpu.memory_space<vmem>> -> memref<64x128xf32, #tpu.memory_space<vmem>>
        %dma_wait3A_139 = arith.constant 0 : i32
        %dma_wait3A_140 = arith.constant 0 : i32
        %dma_wait3A_141 = tpu.memref_slice %arg2[%dma_wait3A_139, %dma_wait3A_140] : memref<20480x128xf32, #tpu.memory_space<hbm>> -> memref<64x128xf32, #tpu.memory_space<hbm>>
        tpu.wait_dma2 semaphore(%arg15 : memref<!tpu.dma_semaphore, #tpu.memory_space<semaphore_mem>>) src(%dma_wait3A_141 : memref<64x128xf32, #tpu.memory_space<hbm>>) dst(%dma_wait3A_138 : memref<64x128xf32, #tpu.memory_space<vmem>>)
        %add3A_142 = arith.constant 1 : i32
        %add3A_143 = arith.addi %add3A_70, %add3A_142 : i32
        "tpu.region"() ({
          %run_scoped3A = tpu.sem_alloc : memref<!tpu.dma_semaphore, #tpu.memory_space<semaphore_mem>>
          %dma_start3A_144 = arith.constant 0 : i32
          %dma_start3A_145 = tpu.memref_slice %arg8[%add3A_143, %dma_start3A_144] : memref<32x128xi32, #tpu.memory_space<vmem>> -> memref<1x128xi32, #tpu.memory_space<vmem>>
          %dma_start3A_146 = tpu.memref_squeeze %dma_start3A_145 : memref<1x128xi32, #tpu.memory_space<vmem>> -> memref<128xi32, #tpu.memory_space<vmem>>
          %dma_start3A_147 = arith.constant 0 : i32
          %dma_start3A_148 = arith.constant 0 : i32
          %dma_start3A_149 = tpu.memref_slice %arg11[%dma_start3A_147, %dma_start3A_148] : memref<10240x128xf32, #tpu.memory_space<vmem_shared>> -> memref<10240x128xf32, #tpu.memory_space<vmem_shared>>
          tpu.enqueue_indirect_dma source(%arg10 : memref<128x128xf32, #tpu.memory_space<vmem>>) target(%dma_start3A_149 : memref<10240x128xf32, #tpu.memory_space<vmem_shared>>) offsets(%dma_start3A_146 : memref<128xi32, #tpu.memory_space<vmem>>) semaphore(%run_scoped3A : memref<!tpu.dma_semaphore, #tpu.memory_space<semaphore_mem>>) {add = true}
          %dma_wait3A_150 = arith.constant 0 : i32
          %dma_wait3A_151 = tpu.memref_slice %arg8[%add3A_143, %dma_wait3A_150] : memref<32x128xi32, #tpu.memory_space<vmem>> -> memref<1x128xi32, #tpu.memory_space<vmem>>
          %dma_wait3A_152 = tpu.memref_squeeze %dma_wait3A_151 : memref<1x128xi32, #tpu.memory_space<vmem>> -> memref<128xi32, #tpu.memory_space<vmem>>
          %dma_wait3A_153 = arith.constant 0 : i32
          %dma_wait3A_154 = arith.constant 0 : i32
          %dma_wait3A_155 = tpu.memref_slice %arg11[%dma_wait3A_153, %dma_wait3A_154] : memref<10240x128xf32, #tpu.memory_space<vmem_shared>> -> memref<10240x128xf32, #tpu.memory_space<vmem_shared>>
          tpu.wait_indirect_dma semaphore(%run_scoped3A : memref<!tpu.dma_semaphore, #tpu.memory_space<semaphore_mem>>) src(%arg10 : memref<128x128xf32, #tpu.memory_space<vmem>>) dst(%dma_wait3A_155 : memref<10240x128xf32, #tpu.memory_space<vmem_shared>>)
          tpu.yield
        }) : () -> ()
      }
      %scan3A_65 = arith.constant 16 : i32
    }
    %scan3A_24 = arith.constant 5 : i32
    %barrier3A_25 = arith.constant 0 : index
    tpu.barrier barrier_id(%barrier3A_25)
    %mul3A_26 = arith.constant 640 : i32
    %mul3A_27 = arith.muli %arg1, %mul3A_26 : i32
    %mul3A_28 = arith.constant 10240 : i32
    %mul3A_29 = arith.muli %arg0, %mul3A_28 : i32
    %mul3A_30 = arith.constant 640 : i32
    %mul3A_31 = arith.muli %arg1, %mul3A_30 : i32
    %add3A_32 = arith.addi %mul3A_29, %mul3A_31 : i32
    "tpu.region"() ({
      %run_scoped3A = tpu.sem_alloc : memref<!tpu.dma_semaphore, #tpu.memory_space<semaphore_mem>>
      %dma_start3A = arith.constant 0 : i32
      %dma_start3A_33 = tpu.memref_slice %arg6[%add3A_32, %dma_start3A] : memref<20480x128xf32, #tpu.memory_space<hbm>> -> memref<640x128xf32, #tpu.memory_space<hbm>>
      %dma_start3A_34 = arith.constant 0 : i32
      %dma_start3A_35 = tpu.memref_slice %arg11[%mul3A_27, %dma_start3A_34] : memref<10240x128xf32, #tpu.memory_space<vmem_shared>> -> memref<640x128xf32, #tpu.memory_space<vmem_shared>>
      tpu.enqueue_dma source(%dma_start3A_35 : memref<640x128xf32, #tpu.memory_space<vmem_shared>>) target(%dma_start3A_33 : memref<640x128xf32, #tpu.memory_space<hbm>>) target_semaphore(%run_scoped3A : memref<!tpu.dma_semaphore, #tpu.memory_space<semaphore_mem>>)
      %dma_wait3A = arith.constant 0 : i32
      %dma_wait3A_36 = tpu.memref_slice %arg6[%add3A_32, %dma_wait3A] : memref<20480x128xf32, #tpu.memory_space<hbm>> -> memref<640x128xf32, #tpu.memory_space<hbm>>
      %dma_wait3A_37 = arith.constant 0 : i32
      %dma_wait3A_38 = tpu.memref_slice %arg11[%mul3A_27, %dma_wait3A_37] : memref<10240x128xf32, #tpu.memory_space<vmem_shared>> -> memref<640x128xf32, #tpu.memory_space<vmem_shared>>
      tpu.wait_dma2 semaphore(%run_scoped3A : memref<!tpu.dma_semaphore, #tpu.memory_space<semaphore_mem>>) src(%dma_wait3A_38 : memref<640x128xf32, #tpu.memory_space<vmem_shared>>) dst(%dma_wait3A_36 : memref<640x128xf32, #tpu.memory_space<hbm>>)
      tpu.yield
    }) : () -> ()
    return
  }
}

#map = affine_map<(d0, d1) -> (0, 0, 0)>
#map1 = affine_map<(d0, d1) -> (0, 0)>
module attributes {stable_mosaic.version = 14 : i64} {
  func.func @sc_degrees(%arg0: i32, %arg1: i32, %arg2: memref<32x160x128xi32, #tpu.memory_space<hbm>>, %arg3: memref<16x5x128xi32, #tpu.memory_space<hbm>>, %arg4: memref<128x128xf32, #tpu.memory_space<hbm>>, %arg5: memref<128x128xf32, #tpu.memory_space<hbm>>, %arg6: memref<20480x128xf32, #tpu.memory_space<hbm>>, %arg7: memref<128x128xf32, #tpu.memory_space<hbm>>, %arg8: memref<32x128xi32, #tpu.memory_space<vmem>>, %arg9: memref<5x128xi32, #tpu.memory_space<vmem>>, %arg10: memref<128x128xf32, #tpu.memory_space<vmem>>, %arg11: memref<10240x128xf32, #tpu.memory_space<vmem_shared>>, %arg12: memref<64x128xf32, #tpu.memory_space<vmem_shared>>, %arg13: memref<!tpu.dma_semaphore, #tpu.memory_space<semaphore_mem>>) attributes {dimension_semantics = [#tpu.dimension_semantics<core_parallel>, #tpu.dimension_semantics<subcore_parallel>], iteration_bounds = array<i64: 2, 16>, scalar_prefetch = 0 : i64, scratch_operands = 6 : i64, tpu.core_type = #tpu.core_type<sc_vector_subcore>, window_params = [{transform_indices = #map}, {transform_indices = #map}, {transform_indices = #map1}, {transform_indices = #map1}, {transform_indices = #map1}, {transform_indices = #map1}]} {
    %mul3A = arith.constant 16 : i32
    %mul3A_0 = arith.muli %arg0, %mul3A : i32
    %add3A = arith.addi %mul3A_0, %arg1 : i32
    "tpu.region"() ({
      %run_scoped3A = tpu.sem_alloc : memref<!tpu.dma_semaphore, #tpu.memory_space<semaphore_mem>>
      tpu.enqueue_dma source(%arg5 : memref<128x128xf32, #tpu.memory_space<hbm>>) target(%arg10 : memref<128x128xf32, #tpu.memory_space<vmem>>) target_semaphore(%run_scoped3A : memref<!tpu.dma_semaphore, #tpu.memory_space<semaphore_mem>>)
      tpu.wait_dma2 semaphore(%run_scoped3A : memref<!tpu.dma_semaphore, #tpu.memory_space<semaphore_mem>>) src(%arg5 : memref<128x128xf32, #tpu.memory_space<hbm>>) dst(%arg10 : memref<128x128xf32, #tpu.memory_space<vmem>>)
      tpu.yield
    }) : () -> ()
    %mul3A_1 = arith.constant 640 : i32
    %mul3A_2 = arith.muli %arg1, %mul3A_1 : i32
    %add3A_3 = arith.constant 0 : i32
    %add3A_4 = arith.addi %mul3A_2, %add3A_3 : i32
    "tpu.region"() ({
      %run_scoped3A = tpu.sem_alloc : memref<!tpu.dma_semaphore, #tpu.memory_space<semaphore_mem>>
      %dma_start3A = arith.constant 0 : i32
      %dma_start3A_45 = tpu.memref_slice %arg11[%add3A_4, %dma_start3A] : memref<10240x128xf32, #tpu.memory_space<vmem_shared>> -> memref<128x128xf32, #tpu.memory_space<vmem_shared>>
      %dma_start3A_46 = arith.constant 0 : i32
      %dma_start3A_47 = tpu.memref_slice %arg11[%add3A_4, %dma_start3A_46] : memref<10240x128xf32, #tpu.memory_space<vmem_shared>> -> memref<128x128xf32, #tpu.memory_space<vmem_shared>>
      tpu.enqueue_dma source(%arg10 : memref<128x128xf32, #tpu.memory_space<vmem>>) target(%dma_start3A_47 : memref<128x128xf32, #tpu.memory_space<vmem_shared>>) target_semaphore(%run_scoped3A : memref<!tpu.dma_semaphore, #tpu.memory_space<semaphore_mem>>)
      %dma_wait3A = arith.constant 0 : i32
      %dma_wait3A_48 = tpu.memref_slice %arg11[%add3A_4, %dma_wait3A] : memref<10240x128xf32, #tpu.memory_space<vmem_shared>> -> memref<128x128xf32, #tpu.memory_space<vmem_shared>>
      %dma_wait3A_49 = arith.constant 0 : i32
      %dma_wait3A_50 = tpu.memref_slice %arg11[%add3A_4, %dma_wait3A_49] : memref<10240x128xf32, #tpu.memory_space<vmem_shared>> -> memref<128x128xf32, #tpu.memory_space<vmem_shared>>
      tpu.wait_dma2 semaphore(%run_scoped3A : memref<!tpu.dma_semaphore, #tpu.memory_space<semaphore_mem>>) src(%arg10 : memref<128x128xf32, #tpu.memory_space<vmem>>) dst(%dma_wait3A_50 : memref<128x128xf32, #tpu.memory_space<vmem_shared>>)
      tpu.yield
    }) : () -> ()
    %mul3A_5 = arith.constant 640 : i32
    %mul3A_6 = arith.muli %arg1, %mul3A_5 : i32
    %add3A_7 = arith.constant 128 : i32
    %add3A_8 = arith.addi %mul3A_6, %add3A_7 : i32
    "tpu.region"() ({
      %run_scoped3A = tpu.sem_alloc : memref<!tpu.dma_semaphore, #tpu.memory_space<semaphore_mem>>
      %dma_start3A = arith.constant 0 : i32
      %dma_start3A_45 = tpu.memref_slice %arg11[%add3A_8, %dma_start3A] : memref<10240x128xf32, #tpu.memory_space<vmem_shared>> -> memref<128x128xf32, #tpu.memory_space<vmem_shared>>
      %dma_start3A_46 = arith.constant 0 : i32
      %dma_start3A_47 = tpu.memref_slice %arg11[%add3A_8, %dma_start3A_46] : memref<10240x128xf32, #tpu.memory_space<vmem_shared>> -> memref<128x128xf32, #tpu.memory_space<vmem_shared>>
      tpu.enqueue_dma source(%arg10 : memref<128x128xf32, #tpu.memory_space<vmem>>) target(%dma_start3A_47 : memref<128x128xf32, #tpu.memory_space<vmem_shared>>) target_semaphore(%run_scoped3A : memref<!tpu.dma_semaphore, #tpu.memory_space<semaphore_mem>>)
      %dma_wait3A = arith.constant 0 : i32
      %dma_wait3A_48 = tpu.memref_slice %arg11[%add3A_8, %dma_wait3A] : memref<10240x128xf32, #tpu.memory_space<vmem_shared>> -> memref<128x128xf32, #tpu.memory_space<vmem_shared>>
      %dma_wait3A_49 = arith.constant 0 : i32
      %dma_wait3A_50 = tpu.memref_slice %arg11[%add3A_8, %dma_wait3A_49] : memref<10240x128xf32, #tpu.memory_space<vmem_shared>> -> memref<128x128xf32, #tpu.memory_space<vmem_shared>>
      tpu.wait_dma2 semaphore(%run_scoped3A : memref<!tpu.dma_semaphore, #tpu.memory_space<semaphore_mem>>) src(%arg10 : memref<128x128xf32, #tpu.memory_space<vmem>>) dst(%dma_wait3A_50 : memref<128x128xf32, #tpu.memory_space<vmem_shared>>)
      tpu.yield
    }) : () -> ()
    %mul3A_9 = arith.constant 640 : i32
    %mul3A_10 = arith.muli %arg1, %mul3A_9 : i32
    %add3A_11 = arith.constant 256 : i32
    %add3A_12 = arith.addi %mul3A_10, %add3A_11 : i32
    "tpu.region"() ({
      %run_scoped3A = tpu.sem_alloc : memref<!tpu.dma_semaphore, #tpu.memory_space<semaphore_mem>>
      %dma_start3A = arith.constant 0 : i32
      %dma_start3A_45 = tpu.memref_slice %arg11[%add3A_12, %dma_start3A] : memref<10240x128xf32, #tpu.memory_space<vmem_shared>> -> memref<128x128xf32, #tpu.memory_space<vmem_shared>>
      %dma_start3A_46 = arith.constant 0 : i32
      %dma_start3A_47 = tpu.memref_slice %arg11[%add3A_12, %dma_start3A_46] : memref<10240x128xf32, #tpu.memory_space<vmem_shared>> -> memref<128x128xf32, #tpu.memory_space<vmem_shared>>
      tpu.enqueue_dma source(%arg10 : memref<128x128xf32, #tpu.memory_space<vmem>>) target(%dma_start3A_47 : memref<128x128xf32, #tpu.memory_space<vmem_shared>>) target_semaphore(%run_scoped3A : memref<!tpu.dma_semaphore, #tpu.memory_space<semaphore_mem>>)
      %dma_wait3A = arith.constant 0 : i32
      %dma_wait3A_48 = tpu.memref_slice %arg11[%add3A_12, %dma_wait3A] : memref<10240x128xf32, #tpu.memory_space<vmem_shared>> -> memref<128x128xf32, #tpu.memory_space<vmem_shared>>
      %dma_wait3A_49 = arith.constant 0 : i32
      %dma_wait3A_50 = tpu.memref_slice %arg11[%add3A_12, %dma_wait3A_49] : memref<10240x128xf32, #tpu.memory_space<vmem_shared>> -> memref<128x128xf32, #tpu.memory_space<vmem_shared>>
      tpu.wait_dma2 semaphore(%run_scoped3A : memref<!tpu.dma_semaphore, #tpu.memory_space<semaphore_mem>>) src(%arg10 : memref<128x128xf32, #tpu.memory_space<vmem>>) dst(%dma_wait3A_50 : memref<128x128xf32, #tpu.memory_space<vmem_shared>>)
      tpu.yield
    }) : () -> ()
    %mul3A_13 = arith.constant 640 : i32
    %mul3A_14 = arith.muli %arg1, %mul3A_13 : i32
    %add3A_15 = arith.constant 384 : i32
    %add3A_16 = arith.addi %mul3A_14, %add3A_15 : i32
    "tpu.region"() ({
      %run_scoped3A = tpu.sem_alloc : memref<!tpu.dma_semaphore, #tpu.memory_space<semaphore_mem>>
      %dma_start3A = arith.constant 0 : i32
      %dma_start3A_45 = tpu.memref_slice %arg11[%add3A_16, %dma_start3A] : memref<10240x128xf32, #tpu.memory_space<vmem_shared>> -> memref<128x128xf32, #tpu.memory_space<vmem_shared>>
      %dma_start3A_46 = arith.constant 0 : i32
      %dma_start3A_47 = tpu.memref_slice %arg11[%add3A_16, %dma_start3A_46] : memref<10240x128xf32, #tpu.memory_space<vmem_shared>> -> memref<128x128xf32, #tpu.memory_space<vmem_shared>>
      tpu.enqueue_dma source(%arg10 : memref<128x128xf32, #tpu.memory_space<vmem>>) target(%dma_start3A_47 : memref<128x128xf32, #tpu.memory_space<vmem_shared>>) target_semaphore(%run_scoped3A : memref<!tpu.dma_semaphore, #tpu.memory_space<semaphore_mem>>)
      %dma_wait3A = arith.constant 0 : i32
      %dma_wait3A_48 = tpu.memref_slice %arg11[%add3A_16, %dma_wait3A] : memref<10240x128xf32, #tpu.memory_space<vmem_shared>> -> memref<128x128xf32, #tpu.memory_space<vmem_shared>>
      %dma_wait3A_49 = arith.constant 0 : i32
      %dma_wait3A_50 = tpu.memref_slice %arg11[%add3A_16, %dma_wait3A_49] : memref<10240x128xf32, #tpu.memory_space<vmem_shared>> -> memref<128x128xf32, #tpu.memory_space<vmem_shared>>
      tpu.wait_dma2 semaphore(%run_scoped3A : memref<!tpu.dma_semaphore, #tpu.memory_space<semaphore_mem>>) src(%arg10 : memref<128x128xf32, #tpu.memory_space<vmem>>) dst(%dma_wait3A_50 : memref<128x128xf32, #tpu.memory_space<vmem_shared>>)
      tpu.yield
    }) : () -> ()
    %mul3A_17 = arith.constant 640 : i32
    %mul3A_18 = arith.muli %arg1, %mul3A_17 : i32
    %add3A_19 = arith.constant 512 : i32
    %add3A_20 = arith.addi %mul3A_18, %add3A_19 : i32
    "tpu.region"() ({
      %run_scoped3A = tpu.sem_alloc : memref<!tpu.dma_semaphore, #tpu.memory_space<semaphore_mem>>
      %dma_start3A = arith.constant 0 : i32
      %dma_start3A_45 = tpu.memref_slice %arg11[%add3A_20, %dma_start3A] : memref<10240x128xf32, #tpu.memory_space<vmem_shared>> -> memref<128x128xf32, #tpu.memory_space<vmem_shared>>
      %dma_start3A_46 = arith.constant 0 : i32
      %dma_start3A_47 = tpu.memref_slice %arg11[%add3A_20, %dma_start3A_46] : memref<10240x128xf32, #tpu.memory_space<vmem_shared>> -> memref<128x128xf32, #tpu.memory_space<vmem_shared>>
      tpu.enqueue_dma source(%arg10 : memref<128x128xf32, #tpu.memory_space<vmem>>) target(%dma_start3A_47 : memref<128x128xf32, #tpu.memory_space<vmem_shared>>) target_semaphore(%run_scoped3A : memref<!tpu.dma_semaphore, #tpu.memory_space<semaphore_mem>>)
      %dma_wait3A = arith.constant 0 : i32
      %dma_wait3A_48 = tpu.memref_slice %arg11[%add3A_20, %dma_wait3A] : memref<10240x128xf32, #tpu.memory_space<vmem_shared>> -> memref<128x128xf32, #tpu.memory_space<vmem_shared>>
      %dma_wait3A_49 = arith.constant 0 : i32
      %dma_wait3A_50 = tpu.memref_slice %arg11[%add3A_20, %dma_wait3A_49] : memref<10240x128xf32, #tpu.memory_space<vmem_shared>> -> memref<128x128xf32, #tpu.memory_space<vmem_shared>>
      tpu.wait_dma2 semaphore(%run_scoped3A : memref<!tpu.dma_semaphore, #tpu.memory_space<semaphore_mem>>) src(%arg10 : memref<128x128xf32, #tpu.memory_space<vmem>>) dst(%dma_wait3A_50 : memref<128x128xf32, #tpu.memory_space<vmem_shared>>)
      tpu.yield
    }) : () -> ()
    %eq3A = arith.constant 0 : i32
    %eq3A_21 = arith.cmpi eq, %arg1, %eq3A : i32
    %convert_element_type3A = arith.extui %eq3A_21 : i1 to i32
    %cond3A = arith.constant 0 : i32
    %cond3A_22 = arith.cmpi ne, %convert_element_type3A, %cond3A : i32
    scf.if %cond3A_22 {
      "tpu.region"() ({
        %run_scoped3A = tpu.sem_alloc : memref<!tpu.dma_semaphore, #tpu.memory_space<semaphore_mem>>
        %dma_start3A = arith.constant 0 : i32
        %dma_start3A_45 = arith.constant 0 : i32
        %dma_start3A_46 = tpu.memref_slice %arg10[%dma_start3A, %dma_start3A_45] : memref<128x128xf32, #tpu.memory_space<vmem>> -> memref<64x128xf32, #tpu.memory_space<vmem>>
        %dma_start3A_47 = arith.constant 0 : i32
        %dma_start3A_48 = arith.constant 0 : i32
        %dma_start3A_49 = tpu.memref_slice %arg10[%dma_start3A_47, %dma_start3A_48] : memref<128x128xf32, #tpu.memory_space<vmem>> -> memref<64x128xf32, #tpu.memory_space<vmem>>
        tpu.enqueue_dma source(%dma_start3A_49 : memref<64x128xf32, #tpu.memory_space<vmem>>) target(%arg12 : memref<64x128xf32, #tpu.memory_space<vmem_shared>>) target_semaphore(%run_scoped3A : memref<!tpu.dma_semaphore, #tpu.memory_space<semaphore_mem>>)
        %dma_wait3A = arith.constant 0 : i32
        %dma_wait3A_50 = arith.constant 0 : i32
        %dma_wait3A_51 = tpu.memref_slice %arg10[%dma_wait3A, %dma_wait3A_50] : memref<128x128xf32, #tpu.memory_space<vmem>> -> memref<64x128xf32, #tpu.memory_space<vmem>>
        %dma_wait3A_52 = arith.constant 0 : i32
        %dma_wait3A_53 = arith.constant 0 : i32
        %dma_wait3A_54 = tpu.memref_slice %arg10[%dma_wait3A_52, %dma_wait3A_53] : memref<128x128xf32, #tpu.memory_space<vmem>> -> memref<64x128xf32, #tpu.memory_space<vmem>>
        tpu.wait_dma2 semaphore(%run_scoped3A : memref<!tpu.dma_semaphore, #tpu.memory_space<semaphore_mem>>) src(%dma_wait3A_54 : memref<64x128xf32, #tpu.memory_space<vmem>>) dst(%arg12 : memref<64x128xf32, #tpu.memory_space<vmem_shared>>)
        tpu.yield
      }) : () -> ()
    } else {
    }
    %barrier3A = arith.constant 0 : index
    tpu.barrier barrier_id(%barrier3A)
    "tpu.region"() ({
      %run_scoped3A = tpu.sem_alloc : memref<!tpu.dma_semaphore, #tpu.memory_space<semaphore_mem>>
      tpu.enqueue_dma source(%arg4 : memref<128x128xf32, #tpu.memory_space<hbm>>) target(%arg10 : memref<128x128xf32, #tpu.memory_space<vmem>>) target_semaphore(%run_scoped3A : memref<!tpu.dma_semaphore, #tpu.memory_space<semaphore_mem>>)
      tpu.wait_dma2 semaphore(%run_scoped3A : memref<!tpu.dma_semaphore, #tpu.memory_space<semaphore_mem>>) src(%arg4 : memref<128x128xf32, #tpu.memory_space<hbm>>) dst(%arg10 : memref<128x128xf32, #tpu.memory_space<vmem>>)
      tpu.yield
    }) : () -> ()
    "tpu.region"() ({
      %run_scoped3A = tpu.sem_alloc : memref<!tpu.dma_semaphore, #tpu.memory_space<semaphore_mem>>
      %dma_start3A = arith.constant 0 : i32
      %dma_start3A_45 = arith.constant 0 : i32
      %dma_start3A_46 = tpu.memref_slice %arg3[%arg1, %dma_start3A, %dma_start3A_45] : memref<16x5x128xi32, #tpu.memory_space<hbm>> -> memref<1x5x128xi32, #tpu.memory_space<hbm>>
      %dma_start3A_47 = tpu.memref_squeeze %dma_start3A_46 : memref<1x5x128xi32, #tpu.memory_space<hbm>> -> memref<5x128xi32, #tpu.memory_space<hbm>>
      %dma_start3A_48 = arith.constant 0 : i32
      %dma_start3A_49 = arith.constant 0 : i32
      %dma_start3A_50 = tpu.memref_slice %arg3[%arg1, %dma_start3A_48, %dma_start3A_49] : memref<16x5x128xi32, #tpu.memory_space<hbm>> -> memref<1x5x128xi32, #tpu.memory_space<hbm>>
      %dma_start3A_51 = tpu.memref_squeeze %dma_start3A_50 : memref<1x5x128xi32, #tpu.memory_space<hbm>> -> memref<5x128xi32, #tpu.memory_space<hbm>>
      tpu.enqueue_dma source(%dma_start3A_51 : memref<5x128xi32, #tpu.memory_space<hbm>>) target(%arg9 : memref<5x128xi32, #tpu.memory_space<vmem>>) target_semaphore(%run_scoped3A : memref<!tpu.dma_semaphore, #tpu.memory_space<semaphore_mem>>)
      %dma_wait3A = arith.constant 0 : i32
      %dma_wait3A_52 = arith.constant 0 : i32
      %dma_wait3A_53 = tpu.memref_slice %arg3[%arg1, %dma_wait3A, %dma_wait3A_52] : memref<16x5x128xi32, #tpu.memory_space<hbm>> -> memref<1x5x128xi32, #tpu.memory_space<hbm>>
      %dma_wait3A_54 = tpu.memref_squeeze %dma_wait3A_53 : memref<1x5x128xi32, #tpu.memory_space<hbm>> -> memref<5x128xi32, #tpu.memory_space<hbm>>
      %dma_wait3A_55 = arith.constant 0 : i32
      %dma_wait3A_56 = arith.constant 0 : i32
      %dma_wait3A_57 = tpu.memref_slice %arg3[%arg1, %dma_wait3A_55, %dma_wait3A_56] : memref<16x5x128xi32, #tpu.memory_space<hbm>> -> memref<1x5x128xi32, #tpu.memory_space<hbm>>
      %dma_wait3A_58 = tpu.memref_squeeze %dma_wait3A_57 : memref<1x5x128xi32, #tpu.memory_space<hbm>> -> memref<5x128xi32, #tpu.memory_space<hbm>>
      tpu.wait_dma2 semaphore(%run_scoped3A : memref<!tpu.dma_semaphore, #tpu.memory_space<semaphore_mem>>) src(%dma_wait3A_58 : memref<5x128xi32, #tpu.memory_space<hbm>>) dst(%arg9 : memref<5x128xi32, #tpu.memory_space<vmem>>)
      tpu.yield
    }) : () -> ()
    %scan3A = arith.constant 0 : i32
    %scan3A_23 = arith.constant 5 : i32
    %scan3A_24 = arith.addi %scan3A, %scan3A_23 : i32
    %scan3A_25 = arith.constant 1 : i32
    scf.for %scan3A_45 = %scan3A to %scan3A_24 step %scan3A_25  : i32 {
      %mul3A_46 = arith.constant 1 : i32
      %mul3A_47 = arith.muli %scan3A_45, %mul3A_46 : i32
      %add3A_48 = arith.constant 0 : i32
      %add3A_49 = arith.addi %add3A_48, %mul3A_47 : i32
      %mul3A_50 = arith.constant 32 : i32
      %mul3A_51 = arith.muli %add3A_49, %mul3A_50 : i32
      "tpu.region"() ({
        %run_scoped3A = tpu.sem_alloc : memref<!tpu.dma_semaphore, #tpu.memory_space<semaphore_mem>>
        %dma_start3A = arith.constant 0 : i32
        %dma_start3A_62 = tpu.memref_slice %arg2[%add3A, %mul3A_51, %dma_start3A] : memref<32x160x128xi32, #tpu.memory_space<hbm>> -> memref<1x32x128xi32, #tpu.memory_space<hbm>>
        %dma_start3A_63 = tpu.memref_squeeze %dma_start3A_62 : memref<1x32x128xi32, #tpu.memory_space<hbm>> -> memref<32x128xi32, #tpu.memory_space<hbm>>
        %dma_start3A_64 = arith.constant 0 : i32
        %dma_start3A_65 = tpu.memref_slice %arg2[%add3A, %mul3A_51, %dma_start3A_64] : memref<32x160x128xi32, #tpu.memory_space<hbm>> -> memref<1x32x128xi32, #tpu.memory_space<hbm>>
        %dma_start3A_66 = tpu.memref_squeeze %dma_start3A_65 : memref<1x32x128xi32, #tpu.memory_space<hbm>> -> memref<32x128xi32, #tpu.memory_space<hbm>>
        tpu.enqueue_dma source(%dma_start3A_66 : memref<32x128xi32, #tpu.memory_space<hbm>>) target(%arg8 : memref<32x128xi32, #tpu.memory_space<vmem>>) target_semaphore(%run_scoped3A : memref<!tpu.dma_semaphore, #tpu.memory_space<semaphore_mem>>)
        %dma_wait3A = arith.constant 0 : i32
        %dma_wait3A_67 = tpu.memref_slice %arg2[%add3A, %mul3A_51, %dma_wait3A] : memref<32x160x128xi32, #tpu.memory_space<hbm>> -> memref<1x32x128xi32, #tpu.memory_space<hbm>>
        %dma_wait3A_68 = tpu.memref_squeeze %dma_wait3A_67 : memref<1x32x128xi32, #tpu.memory_space<hbm>> -> memref<32x128xi32, #tpu.memory_space<hbm>>
        %dma_wait3A_69 = arith.constant 0 : i32
        %dma_wait3A_70 = tpu.memref_slice %arg2[%add3A, %mul3A_51, %dma_wait3A_69] : memref<32x160x128xi32, #tpu.memory_space<hbm>> -> memref<1x32x128xi32, #tpu.memory_space<hbm>>
        %dma_wait3A_71 = tpu.memref_squeeze %dma_wait3A_70 : memref<1x32x128xi32, #tpu.memory_space<hbm>> -> memref<32x128xi32, #tpu.memory_space<hbm>>
        tpu.wait_dma2 semaphore(%run_scoped3A : memref<!tpu.dma_semaphore, #tpu.memory_space<semaphore_mem>>) src(%dma_wait3A_71 : memref<32x128xi32, #tpu.memory_space<hbm>>) dst(%arg8 : memref<32x128xi32, #tpu.memory_space<vmem>>)
        tpu.yield
      }) : () -> ()
      %scan3A_52 = arith.constant 0 : i32
      %scan3A_53 = arith.constant 32 : i32
      %scan3A_54 = arith.addi %scan3A_52, %scan3A_53 : i32
      %scan3A_55 = arith.constant 1 : i32
      scf.for %scan3A_62 = %scan3A_52 to %scan3A_54 step %scan3A_55  : i32 {
        %mul3A_63 = arith.constant 1 : i32
        %mul3A_64 = arith.muli %scan3A_62, %mul3A_63 : i32
        %add3A_65 = arith.constant 0 : i32
        %add3A_66 = arith.addi %add3A_65, %mul3A_64 : i32
        %dma_start3A = arith.constant 0 : i32
        %dma_start3A_67 = tpu.memref_slice %arg8[%add3A_66, %dma_start3A] : memref<32x128xi32, #tpu.memory_space<vmem>> -> memref<1x128xi32, #tpu.memory_space<vmem>>
        %dma_start3A_68 = tpu.memref_squeeze %dma_start3A_67 : memref<1x128xi32, #tpu.memory_space<vmem>> -> memref<128xi32, #tpu.memory_space<vmem>>
        %dma_start3A_69 = arith.constant 0 : i32
        %dma_start3A_70 = arith.constant 0 : i32
        %dma_start3A_71 = tpu.memref_slice %arg11[%dma_start3A_69, %dma_start3A_70] : memref<10240x128xf32, #tpu.memory_space<vmem_shared>> -> memref<10240x128xf32, #tpu.memory_space<vmem_shared>>
        tpu.enqueue_indirect_dma source(%arg10 : memref<128x128xf32, #tpu.memory_space<vmem>>) target(%dma_start3A_71 : memref<10240x128xf32, #tpu.memory_space<vmem_shared>>) offsets(%dma_start3A_68 : memref<128xi32, #tpu.memory_space<vmem>>) semaphore(%arg13 : memref<!tpu.dma_semaphore, #tpu.memory_space<semaphore_mem>>) {add = true}
      }
      %scan3A_56 = arith.constant 32 : i32
      %scan3A_57 = arith.constant 0 : i32
      %scan3A_58 = arith.constant 32 : i32
      %scan3A_59 = arith.addi %scan3A_57, %scan3A_58 : i32
      %scan3A_60 = arith.constant 1 : i32
      scf.for %scan3A_62 = %scan3A_57 to %scan3A_59 step %scan3A_60  : i32 {
        %mul3A_63 = arith.constant 1 : i32
        %mul3A_64 = arith.muli %scan3A_62, %mul3A_63 : i32
        %add3A_65 = arith.constant 0 : i32
        %add3A_66 = arith.addi %add3A_65, %mul3A_64 : i32
        tpu.wait_dma2 semaphore(%arg13 : memref<!tpu.dma_semaphore, #tpu.memory_space<semaphore_mem>>) src(%arg5 : memref<128x128xf32, #tpu.memory_space<hbm>>) dst(%arg10 : memref<128x128xf32, #tpu.memory_space<vmem>>)
      }
      %scan3A_61 = arith.constant 32 : i32
    }
    %scan3A_26 = arith.constant 5 : i32
    %scan3A_27 = arith.constant 0 : i32
    %scan3A_28 = arith.constant 5 : i32
    %scan3A_29 = arith.addi %scan3A_27, %scan3A_28 : i32
    %scan3A_30 = arith.constant 1 : i32
    scf.for %scan3A_45 = %scan3A_27 to %scan3A_29 step %scan3A_30  : i32 {
      %mul3A_46 = arith.constant 1 : i32
      %mul3A_47 = arith.muli %scan3A_45, %mul3A_46 : i32
      %add3A_48 = arith.constant 0 : i32
      %add3A_49 = arith.addi %add3A_48, %mul3A_47 : i32
      "tpu.region"() ({
        %run_scoped3A = tpu.sem_alloc : memref<!tpu.dma_semaphore, #tpu.memory_space<semaphore_mem>>
        %dma_start3A = arith.constant 0 : i32
        %dma_start3A_50 = tpu.memref_slice %arg9[%add3A_49, %dma_start3A] : memref<5x128xi32, #tpu.memory_space<vmem>> -> memref<1x128xi32, #tpu.memory_space<vmem>>
        %dma_start3A_51 = tpu.memref_squeeze %dma_start3A_50 : memref<1x128xi32, #tpu.memory_space<vmem>> -> memref<128xi32, #tpu.memory_space<vmem>>
        %dma_start3A_52 = arith.constant 0 : i32
        %dma_start3A_53 = arith.constant 0 : i32
        %dma_start3A_54 = tpu.memref_slice %arg12[%dma_start3A_52, %dma_start3A_53] : memref<64x128xf32, #tpu.memory_space<vmem_shared>> -> memref<64x128xf32, #tpu.memory_space<vmem_shared>>
        tpu.enqueue_indirect_dma source(%arg10 : memref<128x128xf32, #tpu.memory_space<vmem>>) target(%dma_start3A_54 : memref<64x128xf32, #tpu.memory_space<vmem_shared>>) offsets(%dma_start3A_51 : memref<128xi32, #tpu.memory_space<vmem>>) semaphore(%run_scoped3A : memref<!tpu.dma_semaphore, #tpu.memory_space<semaphore_mem>>) {add = true}
        %dma_wait3A = arith.constant 0 : i32
        %dma_wait3A_55 = tpu.memref_slice %arg9[%add3A_49, %dma_wait3A] : memref<5x128xi32, #tpu.memory_space<vmem>> -> memref<1x128xi32, #tpu.memory_space<vmem>>
        %dma_wait3A_56 = tpu.memref_squeeze %dma_wait3A_55 : memref<1x128xi32, #tpu.memory_space<vmem>> -> memref<128xi32, #tpu.memory_space<vmem>>
        %dma_wait3A_57 = arith.constant 0 : i32
        %dma_wait3A_58 = arith.constant 0 : i32
        %dma_wait3A_59 = tpu.memref_slice %arg12[%dma_wait3A_57, %dma_wait3A_58] : memref<64x128xf32, #tpu.memory_space<vmem_shared>> -> memref<64x128xf32, #tpu.memory_space<vmem_shared>>
        tpu.wait_indirect_dma semaphore(%run_scoped3A : memref<!tpu.dma_semaphore, #tpu.memory_space<semaphore_mem>>) src(%arg10 : memref<128x128xf32, #tpu.memory_space<vmem>>) dst(%dma_wait3A_59 : memref<64x128xf32, #tpu.memory_space<vmem_shared>>)
        tpu.yield
      }) : () -> ()
    }
    %scan3A_31 = arith.constant 5 : i32
    %barrier3A_32 = arith.constant 0 : index
    tpu.barrier barrier_id(%barrier3A_32)
    %mul3A_33 = arith.constant 640 : i32
    %mul3A_34 = arith.muli %arg1, %mul3A_33 : i32
    %mul3A_35 = arith.constant 10240 : i32
    %mul3A_36 = arith.muli %arg0, %mul3A_35 : i32
    %mul3A_37 = arith.constant 640 : i32
    %mul3A_38 = arith.muli %arg1, %mul3A_37 : i32
    %add3A_39 = arith.addi %mul3A_36, %mul3A_38 : i32
    "tpu.region"() ({
      %run_scoped3A = tpu.sem_alloc : memref<!tpu.dma_semaphore, #tpu.memory_space<semaphore_mem>>
      %dma_start3A = arith.constant 0 : i32
      %dma_start3A_45 = tpu.memref_slice %arg6[%add3A_39, %dma_start3A] : memref<20480x128xf32, #tpu.memory_space<hbm>> -> memref<640x128xf32, #tpu.memory_space<hbm>>
      %dma_start3A_46 = arith.constant 0 : i32
      %dma_start3A_47 = tpu.memref_slice %arg11[%mul3A_34, %dma_start3A_46] : memref<10240x128xf32, #tpu.memory_space<vmem_shared>> -> memref<640x128xf32, #tpu.memory_space<vmem_shared>>
      tpu.enqueue_dma source(%dma_start3A_47 : memref<640x128xf32, #tpu.memory_space<vmem_shared>>) target(%dma_start3A_45 : memref<640x128xf32, #tpu.memory_space<hbm>>) target_semaphore(%run_scoped3A : memref<!tpu.dma_semaphore, #tpu.memory_space<semaphore_mem>>)
      %dma_wait3A = arith.constant 0 : i32
      %dma_wait3A_48 = tpu.memref_slice %arg6[%add3A_39, %dma_wait3A] : memref<20480x128xf32, #tpu.memory_space<hbm>> -> memref<640x128xf32, #tpu.memory_space<hbm>>
      %dma_wait3A_49 = arith.constant 0 : i32
      %dma_wait3A_50 = tpu.memref_slice %arg11[%mul3A_34, %dma_wait3A_49] : memref<10240x128xf32, #tpu.memory_space<vmem_shared>> -> memref<640x128xf32, #tpu.memory_space<vmem_shared>>
      tpu.wait_dma2 semaphore(%run_scoped3A : memref<!tpu.dma_semaphore, #tpu.memory_space<semaphore_mem>>) src(%dma_wait3A_50 : memref<640x128xf32, #tpu.memory_space<vmem_shared>>) dst(%dma_wait3A_48 : memref<640x128xf32, #tpu.memory_space<hbm>>)
      tpu.yield
    }) : () -> ()
    %eq3A_40 = arith.constant 0 : i32
    %eq3A_41 = arith.cmpi eq, %arg1, %eq3A_40 : i32
    %convert_element_type3A_42 = arith.extui %eq3A_41 : i1 to i32
    %cond3A_43 = arith.constant 0 : i32
    %cond3A_44 = arith.cmpi ne, %convert_element_type3A_42, %cond3A_43 : i32
    scf.if %cond3A_44 {
      %mul3A_45 = arith.constant 64 : i32
      %mul3A_46 = arith.muli %arg0, %mul3A_45 : i32
      "tpu.region"() ({
        %run_scoped3A = tpu.sem_alloc : memref<!tpu.dma_semaphore, #tpu.memory_space<semaphore_mem>>
        %dma_start3A = arith.constant 0 : i32
        %dma_start3A_47 = tpu.memref_slice %arg7[%mul3A_46, %dma_start3A] : memref<128x128xf32, #tpu.memory_space<hbm>> -> memref<64x128xf32, #tpu.memory_space<hbm>>
        tpu.enqueue_dma source(%arg12 : memref<64x128xf32, #tpu.memory_space<vmem_shared>>) target(%dma_start3A_47 : memref<64x128xf32, #tpu.memory_space<hbm>>) target_semaphore(%run_scoped3A : memref<!tpu.dma_semaphore, #tpu.memory_space<semaphore_mem>>)
        %dma_wait3A = arith.constant 0 : i32
        %dma_wait3A_48 = tpu.memref_slice %arg7[%mul3A_46, %dma_wait3A] : memref<128x128xf32, #tpu.memory_space<hbm>> -> memref<64x128xf32, #tpu.memory_space<hbm>>
        tpu.wait_dma2 semaphore(%run_scoped3A : memref<!tpu.dma_semaphore, #tpu.memory_space<semaphore_mem>>) src(%arg12 : memref<64x128xf32, #tpu.memory_space<vmem_shared>>) dst(%dma_wait3A_48 : memref<64x128xf32, #tpu.memory_space<hbm>>)
        tpu.yield
      }) : () -> ()
    } else {
    }
    return
  }
}

module attributes {stable_mosaic.version = 14 : i64} {
  func.func @_tc_in_body(%arg0: i32, %arg1: memref<1024x128xf32, #tpu.memory_space<vmem>>, %arg2: memref<128x256xf32, #tpu.memory_space<vmem>>, %arg3: memref<1x256xf32, #tpu.memory_space<vmem>>, %arg4: memref<256x256xf32, #tpu.memory_space<vmem>>, %arg5: memref<1024x128xf32, #tpu.memory_space<vmem>>, %arg6: memref<2x1024x128xf32, #tpu.memory_space<vmem>>) attributes {dimension_semantics = [#tpu.dimension_semantics<arbitrary>], iteration_bounds = array<i64: 10>, scalar_prefetch = 0 : i64, scratch_operands = 0 : i64, tpu.core_type = #tpu.core_type<tc>, window_params = [{transform_indices = @transform_0, window_bounds = array<i64: 1024, 128>}, {pipeline_mode = #tpu.pipeline_mode<synchronous>, transform_indices = @transform_1, window_bounds = array<i64: 128, 256>}, {pipeline_mode = #tpu.pipeline_mode<synchronous>, transform_indices = @transform_2, window_bounds = array<i64: 1, 256>}, {pipeline_mode = #tpu.pipeline_mode<synchronous>, transform_indices = @transform_3, window_bounds = array<i64: 256, 256>}, {transform_indices = @transform_4, window_bounds = array<i64: 1024, 128>}, {transform_indices = @transform_5, window_bounds = array<i64: 2, 1024, 128>}]} {
    %get3A = arith.constant 0 : index
    %get3A_0 = arith.constant 0 : index
    %get3A_1 = vector.load %arg1[%get3A, %get3A_0] : memref<1024x128xf32, #tpu.memory_space<vmem>>, vector<1024x128xf32>
    %get3A_2 = arith.constant 0 : index
    %get3A_3 = arith.constant 0 : index
    %get3A_4 = vector.load %arg2[%get3A_2, %get3A_3] : memref<128x256xf32, #tpu.memory_space<vmem>>, vector<128x256xf32>
    %dot_general3A = arith.constant dense<0.000000e+00> : vector<1024x256xf32>
    %dot_general3A_5 = tpu.matmul %get3A_1, %get3A_4, %dot_general3A {dimension_numbers = #tpu.dot_dimension_numbers<[1], [0], [0], [1], [0, 0, 1, 1], [], []>, transpose_lhs_hint = false} : vector<1024x128xf32>, vector<128x256xf32>, vector<1024x256xf32> -> vector<1024x256xf32>
    %get3A_6 = arith.constant 0 : index
    %get3A_7 = arith.constant 0 : index
    %get3A_8 = vector.load %arg3[%get3A_6, %get3A_7] : memref<1x256xf32, #tpu.memory_space<vmem>>, vector<1x256xf32>
    %add3A = vector.broadcast %get3A_8 : vector<1x256xf32> to vector<1024x256xf32>
    %add3A_9 = arith.addf %dot_general3A_5, %add3A : vector<1024x256xf32>
    %get3A_10 = arith.constant 0 : index
    %get3A_11 = arith.constant 0 : index
    %get3A_12 = vector.load %arg4[%get3A_10, %get3A_11] : memref<256x256xf32, #tpu.memory_space<vmem>>, vector<256x256xf32>
    %dot_general3A_13 = arith.constant dense<0.000000e+00> : vector<1024x256xf32>
    %dot_general3A_14 = tpu.matmul %add3A_9, %get3A_12, %dot_general3A_13 {dimension_numbers = #tpu.dot_dimension_numbers<[1], [0], [0], [1], [0, 0, 1, 1], [], []>, transpose_lhs_hint = false} : vector<1024x256xf32>, vector<256x256xf32>, vector<1024x256xf32> -> vector<1024x256xf32>
    %get3A_15 = arith.constant 0 : index
    %get3A_16 = arith.constant 0 : index
    %get3A_17 = vector.load %arg5[%get3A_15, %get3A_16] : memref<1024x128xf32, #tpu.memory_space<vmem>>, vector<1024x1xf32>
    %max3A = arith.constant 1.000000e+00 : f32
    %max3A_18 = vector.broadcast %max3A : f32 to vector<1024x1xf32>
    %max3A_19 = arith.maximumf %get3A_17, %max3A_18 : vector<1024x1xf32>
    %rsqrt3A = math.rsqrt %max3A_19 : vector<1024x1xf32>
    %mul3A = vector.broadcast %rsqrt3A : vector<1024x1xf32> to vector<1024x256xf32>
    %mul3A_20 = arith.mulf %dot_general3A_14, %mul3A : vector<1024x256xf32>
    %slice3A = vector.extract_strided_slice %mul3A_20 {offsets = [0, 0], sizes = [1024, 128], strides = [1, 1]} : vector<1024x256xf32> to vector<1024x128xf32>
    %swap3A = arith.constant 0 : index
    %swap3A_21 = arith.constant 0 : index
    %swap3A_22 = arith.constant 0 : index
    %swap3A_23 = vector.load %arg6[%swap3A, %swap3A_21, %swap3A_22] : memref<2x1024x128xf32, #tpu.memory_space<vmem>>, vector<1x1024x128xf32>
    %swap3A_24 = vector.shape_cast %swap3A_23 : vector<1x1024x128xf32> to vector<1024x128xf32>
    %swap3A_25 = vector.shape_cast %slice3A : vector<1024x128xf32> to vector<1x1024x128xf32>
    tpu.vector_store %arg6[%swap3A, %swap3A_21, %swap3A_22], %swap3A_25 {strides = array<i32>} : memref<2x1024x128xf32, #tpu.memory_space<vmem>>, vector<1x1024x128xf32>,
    %slice3A_26 = vector.extract_strided_slice %mul3A_20 {offsets = [0, 128], sizes = [1024, 128], strides = [1, 1]} : vector<1024x256xf32> to vector<1024x128xf32>
    %swap3A_27 = arith.constant 1 : index
    %swap3A_28 = arith.constant 0 : index
    %swap3A_29 = arith.constant 0 : index
    %swap3A_30 = vector.load %arg6[%swap3A_27, %swap3A_28, %swap3A_29] : memref<2x1024x128xf32, #tpu.memory_space<vmem>>, vector<1x1024x128xf32>
    %swap3A_31 = vector.shape_cast %swap3A_30 : vector<1x1024x128xf32> to vector<1024x128xf32>
    %swap3A_32 = vector.shape_cast %slice3A_26 : vector<1024x128xf32> to vector<1x1024x128xf32>
    tpu.vector_store %arg6[%swap3A_27, %swap3A_28, %swap3A_29], %swap3A_32 {strides = array<i32>} : memref<2x1024x128xf32, #tpu.memory_space<vmem>>, vector<1x1024x128xf32>,
    return
  }
  func.func @transform_0(%arg0: i32) -> (i32, i32) {
    %c0_i32 = arith.constant 0 : i32
    %c0_i32_0 = arith.constant 0 : i32
    return %arg0, %c0_i32 : i32, i32
  }
  func.func @transform_1(%arg0: i32) -> (i32, i32) {
    %c0_i32 = arith.constant 0 : i32
    %c0_i32_0 = arith.constant 0 : i32
    %c0_i32_1 = arith.constant 0 : i32
    return %c0_i32, %c0_i32_0 : i32, i32
  }
  func.func @transform_2(%arg0: i32) -> (i32, i32) {
    %c0_i32 = arith.constant 0 : i32
    %c0_i32_0 = arith.constant 0 : i32
    %c0_i32_1 = arith.constant 0 : i32
    return %c0_i32, %c0_i32_0 : i32, i32
  }
  func.func @transform_3(%arg0: i32) -> (i32, i32) {
    %c0_i32 = arith.constant 0 : i32
    %c0_i32_0 = arith.constant 0 : i32
    %c0_i32_1 = arith.constant 0 : i32
    return %c0_i32, %c0_i32_0 : i32, i32
  }
  func.func @transform_4(%arg0: i32) -> (i32, i32) {
    %c0_i32 = arith.constant 0 : i32
    %c0_i32_0 = arith.constant 0 : i32
    return %arg0, %c0_i32 : i32, i32
  }
  func.func @transform_5(%arg0: i32) -> (i32, i32, i32) {
    %c0_i32 = arith.constant 0 : i32
    %c0_i32_0 = arith.constant 0 : i32
    %c0_i32_1 = arith.constant 0 : i32
    return %c0_i32, %arg0, %c0_i32_0 : i32, i32, i32
  }
}

module attributes {stable_mosaic.version = 14 : i64} {
  func.func @_tc_mid_body(%arg0: i32, %arg1: memref<2x1024x128xf32, #tpu.memory_space<vmem>>, %arg2: memref<1024x128xf32, #tpu.memory_space<vmem>>, %arg3: memref<1x256xf32, #tpu.memory_space<vmem>>, %arg4: memref<256x256xf32, #tpu.memory_space<vmem>>, %arg5: memref<1024x128xf32, #tpu.memory_space<vmem>>, %arg6: memref<2x1024x128xf32, #tpu.memory_space<vmem>>) attributes {dimension_semantics = [#tpu.dimension_semantics<arbitrary>], iteration_bounds = array<i64: 10>, scalar_prefetch = 0 : i64, scratch_operands = 0 : i64, tpu.core_type = #tpu.core_type<tc>, window_params = [{transform_indices = @transform_0, window_bounds = array<i64: 2, 1024, 128>}, {transform_indices = @transform_1, window_bounds = array<i64: 1024, 128>}, {pipeline_mode = #tpu.pipeline_mode<synchronous>, transform_indices = @transform_2, window_bounds = array<i64: 1, 256>}, {pipeline_mode = #tpu.pipeline_mode<synchronous>, transform_indices = @transform_3, window_bounds = array<i64: 256, 256>}, {transform_indices = @transform_4, window_bounds = array<i64: 1024, 128>}, {transform_indices = @transform_5, window_bounds = array<i64: 2, 1024, 128>}]} {
    %get3A = arith.constant 0 : index
    %get3A_0 = arith.constant 0 : index
    %get3A_1 = arith.constant 0 : index
    %get3A_2 = vector.load %arg1[%get3A, %get3A_0, %get3A_1] : memref<2x1024x128xf32, #tpu.memory_space<vmem>>, vector<1x1024x128xf32>
    %get3A_3 = vector.shape_cast %get3A_2 : vector<1x1024x128xf32> to vector<1024x128xf32>
    %get3A_4 = arith.constant 1 : index
    %get3A_5 = arith.constant 0 : index
    %get3A_6 = arith.constant 0 : index
    %get3A_7 = vector.load %arg1[%get3A_4, %get3A_5, %get3A_6] : memref<2x1024x128xf32, #tpu.memory_space<vmem>>, vector<1x1024x128xf32>
    %get3A_8 = vector.shape_cast %get3A_7 : vector<1x1024x128xf32> to vector<1024x128xf32>
    %concatenate3A = tpu.concatenate %get3A_3, %get3A_8 in 1 : vector<1024x128xf32>, vector<1024x128xf32> -> vector<1024x256xf32>
    %get3A_9 = arith.constant 0 : index
    %get3A_10 = arith.constant 0 : index
    %get3A_11 = vector.load %arg2[%get3A_9, %get3A_10] : memref<1024x128xf32, #tpu.memory_space<vmem>>, vector<1024x1xf32>
    %max3A = arith.constant 1.000000e+00 : f32
    %max3A_12 = vector.broadcast %max3A : f32 to vector<1024x1xf32>
    %max3A_13 = arith.maximumf %get3A_11, %max3A_12 : vector<1024x1xf32>
    %rsqrt3A = math.rsqrt %max3A_13 : vector<1024x1xf32>
    %mul3A = vector.broadcast %rsqrt3A : vector<1024x1xf32> to vector<1024x256xf32>
    %mul3A_14 = arith.mulf %concatenate3A, %mul3A : vector<1024x256xf32>
    %get3A_15 = arith.constant 0 : index
    %get3A_16 = arith.constant 0 : index
    %get3A_17 = vector.load %arg3[%get3A_15, %get3A_16] : memref<1x256xf32, #tpu.memory_space<vmem>>, vector<1x256xf32>
    %add3A = vector.broadcast %get3A_17 : vector<1x256xf32> to vector<1024x256xf32>
    %add3A_18 = arith.addf %mul3A_14, %add3A : vector<1024x256xf32>
    %max3A_19 = arith.constant 0.000000e+00 : f32
    %max3A_20 = vector.broadcast %max3A_19 : f32 to vector<1024x256xf32>
    %max3A_21 = arith.maximumf %add3A_18, %max3A_20 : vector<1024x256xf32>
    %get3A_22 = arith.constant 0 : index
    %get3A_23 = arith.constant 0 : index
    %get3A_24 = vector.load %arg4[%get3A_22, %get3A_23] : memref<256x256xf32, #tpu.memory_space<vmem>>, vector<256x256xf32>
    %dot_general3A = arith.constant dense<0.000000e+00> : vector<1024x256xf32>
    %dot_general3A_25 = tpu.matmul %max3A_21, %get3A_24, %dot_general3A {dimension_numbers = #tpu.dot_dimension_numbers<[1], [0], [0], [1], [0, 0, 1, 1], [], []>, transpose_lhs_hint = false} : vector<1024x256xf32>, vector<256x256xf32>, vector<1024x256xf32> -> vector<1024x256xf32>
    %get3A_26 = arith.constant 0 : index
    %get3A_27 = arith.constant 0 : index
    %get3A_28 = vector.load %arg5[%get3A_26, %get3A_27] : memref<1024x128xf32, #tpu.memory_space<vmem>>, vector<1024x1xf32>
    %max3A_29 = arith.constant 1.000000e+00 : f32
    %max3A_30 = vector.broadcast %max3A_29 : f32 to vector<1024x1xf32>
    %max3A_31 = arith.maximumf %get3A_28, %max3A_30 : vector<1024x1xf32>
    %rsqrt3A_32 = math.rsqrt %max3A_31 : vector<1024x1xf32>
    %mul3A_33 = vector.broadcast %rsqrt3A_32 : vector<1024x1xf32> to vector<1024x256xf32>
    %mul3A_34 = arith.mulf %dot_general3A_25, %mul3A_33 : vector<1024x256xf32>
    %slice3A = vector.extract_strided_slice %mul3A_34 {offsets = [0, 0], sizes = [1024, 128], strides = [1, 1]} : vector<1024x256xf32> to vector<1024x128xf32>
    %swap3A = arith.constant 0 : index
    %swap3A_35 = arith.constant 0 : index
    %swap3A_36 = arith.constant 0 : index
    %swap3A_37 = vector.load %arg6[%swap3A, %swap3A_35, %swap3A_36] : memref<2x1024x128xf32, #tpu.memory_space<vmem>>, vector<1x1024x128xf32>
    %swap3A_38 = vector.shape_cast %swap3A_37 : vector<1x1024x128xf32> to vector<1024x128xf32>
    %swap3A_39 = vector.shape_cast %slice3A : vector<1024x128xf32> to vector<1x1024x128xf32>
    tpu.vector_store %arg6[%swap3A, %swap3A_35, %swap3A_36], %swap3A_39 {strides = array<i32>} : memref<2x1024x128xf32, #tpu.memory_space<vmem>>, vector<1x1024x128xf32>,
    %slice3A_40 = vector.extract_strided_slice %mul3A_34 {offsets = [0, 128], sizes = [1024, 128], strides = [1, 1]} : vector<1024x256xf32> to vector<1024x128xf32>
    %swap3A_41 = arith.constant 1 : index
    %swap3A_42 = arith.constant 0 : index
    %swap3A_43 = arith.constant 0 : index
    %swap3A_44 = vector.load %arg6[%swap3A_41, %swap3A_42, %swap3A_43] : memref<2x1024x128xf32, #tpu.memory_space<vmem>>, vector<1x1024x128xf32>
    %swap3A_45 = vector.shape_cast %swap3A_44 : vector<1x1024x128xf32> to vector<1024x128xf32>
    %swap3A_46 = vector.shape_cast %slice3A_40 : vector<1024x128xf32> to vector<1x1024x128xf32>
    tpu.vector_store %arg6[%swap3A_41, %swap3A_42, %swap3A_43], %swap3A_46 {strides = array<i32>} : memref<2x1024x128xf32, #tpu.memory_space<vmem>>, vector<1x1024x128xf32>,
    return
  }
  func.func @transform_0(%arg0: i32) -> (i32, i32, i32) {
    %c0_i32 = arith.constant 0 : i32
    %c0_i32_0 = arith.constant 0 : i32
    %c0_i32_1 = arith.constant 0 : i32
    return %c0_i32, %arg0, %c0_i32_0 : i32, i32, i32
  }
  func.func @transform_1(%arg0: i32) -> (i32, i32) {
    %c0_i32 = arith.constant 0 : i32
    %c0_i32_0 = arith.constant 0 : i32
    return %arg0, %c0_i32 : i32, i32
  }
  func.func @transform_2(%arg0: i32) -> (i32, i32) {
    %c0_i32 = arith.constant 0 : i32
    %c0_i32_0 = arith.constant 0 : i32
    %c0_i32_1 = arith.constant 0 : i32
    return %c0_i32, %c0_i32_0 : i32, i32
  }
  func.func @transform_3(%arg0: i32) -> (i32, i32) {
    %c0_i32 = arith.constant 0 : i32
    %c0_i32_0 = arith.constant 0 : i32
    %c0_i32_1 = arith.constant 0 : i32
    return %c0_i32, %c0_i32_0 : i32, i32
  }
  func.func @transform_4(%arg0: i32) -> (i32, i32) {
    %c0_i32 = arith.constant 0 : i32
    %c0_i32_0 = arith.constant 0 : i32
    return %arg0, %c0_i32 : i32, i32
  }
  func.func @transform_5(%arg0: i32) -> (i32, i32, i32) {
    %c0_i32 = arith.constant 0 : i32
    %c0_i32_0 = arith.constant 0 : i32
    %c0_i32_1 = arith.constant 0 : i32
    return %c0_i32, %arg0, %c0_i32_0 : i32, i32, i32
  }
}

module attributes {stable_mosaic.version = 14 : i64} {
  func.func @_tc_gru_pre_body(%arg0: memref<50x32x128xf32, #tpu.memory_space<vmem>>, %arg1: memref<128x256xf32, #tpu.memory_space<vmem>>, %arg2: memref<1x256xf32, #tpu.memory_space<vmem>>, %arg3: memref<768x256xf32, #tpu.memory_space<vmem>>, %arg4: memref<1x768xf32, #tpu.memory_space<vmem>>, %arg5: memref<1600x768xf32, #tpu.memory_space<vmem>>) attributes {dimension_semantics = [], scalar_prefetch = 0 : i64, scratch_operands = 0 : i64, tpu.core_type = #tpu.core_type<tc>} {
    %get3A = arith.constant 0 : index
    %get3A_0 = arith.constant 0 : index
    %get3A_1 = arith.constant 0 : index
    %get3A_2 = vector.load %arg0[%get3A, %get3A_0, %get3A_1] : memref<50x32x128xf32, #tpu.memory_space<vmem>>, vector<50x32x128xf32>
    %reshape3A = vector.shape_cast %get3A_2 : vector<50x32x128xf32> to vector<1600x128xf32>
    %get3A_3 = arith.constant 0 : index
    %get3A_4 = arith.constant 0 : index
    %get3A_5 = vector.load %arg1[%get3A_3, %get3A_4] : memref<128x256xf32, #tpu.memory_space<vmem>>, vector<128x256xf32>
    %dot_general3A = arith.constant dense<0.000000e+00> : vector<1600x256xf32>
    %dot_general3A_6 = tpu.matmul %reshape3A, %get3A_5, %dot_general3A {dimension_numbers = #tpu.dot_dimension_numbers<[1], [0], [0], [1], [0, 0, 1, 1], [], []>, transpose_lhs_hint = false} : vector<1600x128xf32>, vector<128x256xf32>, vector<1600x256xf32> -> vector<1600x256xf32>
    %get3A_7 = arith.constant 0 : index
    %get3A_8 = arith.constant 0 : index
    %get3A_9 = vector.load %arg2[%get3A_7, %get3A_8] : memref<1x256xf32, #tpu.memory_space<vmem>>, vector<1x256xf32>
    %add3A = vector.broadcast %get3A_9 : vector<1x256xf32> to vector<1600x256xf32>
    %add3A_10 = arith.addf %dot_general3A_6, %add3A : vector<1600x256xf32>
    %get3A_11 = arith.constant 0 : index
    %get3A_12 = arith.constant 0 : index
    %get3A_13 = vector.load %arg3[%get3A_11, %get3A_12] : memref<768x256xf32, #tpu.memory_space<vmem>>, vector<768x256xf32>
    %dot_general3A_14 = arith.constant dense<0.000000e+00> : vector<1600x768xf32>
    %dot_general3A_15 = tpu.matmul %add3A_10, %get3A_13, %dot_general3A_14 {dimension_numbers = #tpu.dot_dimension_numbers<[1], [1], [0], [0], [0, 0, 1, 0], [], []>, transpose_lhs_hint = false} : vector<1600x256xf32>, vector<768x256xf32>, vector<1600x768xf32> -> vector<1600x768xf32>
    %get3A_16 = arith.constant 0 : index
    %get3A_17 = arith.constant 0 : index
    %get3A_18 = vector.load %arg4[%get3A_16, %get3A_17] : memref<1x768xf32, #tpu.memory_space<vmem>>, vector<1x768xf32>
    %add3A_19 = vector.broadcast %get3A_18 : vector<1x768xf32> to vector<1600x768xf32>
    %add3A_20 = arith.addf %dot_general3A_15, %add3A_19 : vector<1600x768xf32>
    %swap3A = arith.constant 0 : index
    %swap3A_21 = arith.constant 0 : index
    %swap3A_22 = vector.load %arg5[%swap3A, %swap3A_21] : memref<1600x768xf32, #tpu.memory_space<vmem>>, vector<1600x768xf32>
    tpu.vector_store %arg5[%swap3A, %swap3A_21], %add3A_20 {strides = array<i32>} : memref<1600x768xf32, #tpu.memory_space<vmem>>, vector<1600x768xf32>,
    return
  }
}

module attributes {stable_mosaic.version = 14 : i64} {
  func.func @_tc_gru_scan_body(%arg0: i32, %arg1: memref<32x768xf32, #tpu.memory_space<vmem>>, %arg2: memref<768x256xf32, #tpu.memory_space<vmem>>, %arg3: memref<1x768xf32, #tpu.memory_space<vmem>>, %arg4: memref<1x256xf32, #tpu.memory_space<vmem>>, %arg5: memref<1x256xf32, #tpu.memory_space<vmem>>, %arg6: memref<32x256xf32, #tpu.memory_space<vmem>>, %arg7: memref<32x256xf32, #tpu.memory_space<vmem>>) attributes {dimension_semantics = [#tpu.dimension_semantics<arbitrary>], iteration_bounds = array<i64: 50>, scalar_prefetch = 0 : i64, scratch_operands = 1 : i64, tpu.core_type = #tpu.core_type<tc>, window_params = [{transform_indices = @transform_0, window_bounds = array<i64: 32, 768>}, {pipeline_mode = #tpu.pipeline_mode<synchronous>, transform_indices = @transform_1, window_bounds = array<i64: 768, 256>}, {pipeline_mode = #tpu.pipeline_mode<synchronous>, transform_indices = @transform_2, window_bounds = array<i64: 1, 768>}, {pipeline_mode = #tpu.pipeline_mode<synchronous>, transform_indices = @transform_3, window_bounds = array<i64: 1, 256>}, {pipeline_mode = #tpu.pipeline_mode<synchronous>, transform_indices = @transform_4, window_bounds = array<i64: 1, 256>}, {pipeline_mode = #tpu.pipeline_mode<synchronous>, transform_indices = @transform_5, window_bounds = array<i64: 32, 256>}]} {
    %eq3A = arith.constant 0 : i32
    %eq3A_0 = arith.cmpi eq, %arg0, %eq3A : i32
    %convert_element_type3A = arith.extui %eq3A_0 : i1 to i32
    %cond3A = arith.constant 0 : i32
    %cond3A_1 = arith.cmpi ne, %convert_element_type3A, %cond3A : i32
    scf.if %cond3A_1 {
      %broadcast_in_dim3A = arith.constant 0.000000e+00 : f32
      %broadcast_in_dim3A_46 = vector.broadcast %broadcast_in_dim3A : f32 to vector<32x256xf32>
      %swap3A_47 = arith.constant 0 : index
      %swap3A_48 = arith.constant 0 : index
      %swap3A_49 = vector.load %arg7[%swap3A_47, %swap3A_48] : memref<32x256xf32, #tpu.memory_space<vmem>>, vector<32x256xf32>
      tpu.vector_store %arg7[%swap3A_47, %swap3A_48], %broadcast_in_dim3A_46 {strides = array<i32>} : memref<32x256xf32, #tpu.memory_space<vmem>>, vector<32x256xf32>,
    } else {
    }
    %get3A = arith.constant 0 : index
    %get3A_2 = arith.constant 0 : index
    %get3A_3 = vector.load %arg7[%get3A, %get3A_2] : memref<32x256xf32, #tpu.memory_space<vmem>>, vector<32x256xf32>
    %get3A_4 = arith.constant 0 : index
    %get3A_5 = arith.constant 0 : index
    %get3A_6 = vector.load %arg1[%get3A_4, %get3A_5] : memref<32x768xf32, #tpu.memory_space<vmem>>, vector<32x768xf32>
    %get3A_7 = arith.constant 0 : index
    %get3A_8 = arith.constant 0 : index
    %get3A_9 = vector.load %arg2[%get3A_7, %get3A_8] : memref<768x256xf32, #tpu.memory_space<vmem>>, vector<768x256xf32>
    %dot_general3A = arith.constant dense<0.000000e+00> : vector<32x768xf32>
    %dot_general3A_10 = tpu.matmul %get3A_3, %get3A_9, %dot_general3A {dimension_numbers = #tpu.dot_dimension_numbers<[1], [1], [0], [0], [0, 0, 1, 0], [], []>, transpose_lhs_hint = false} : vector<32x256xf32>, vector<768x256xf32>, vector<32x768xf32> -> vector<32x768xf32>
    %get3A_11 = arith.constant 0 : index
    %get3A_12 = arith.constant 0 : index
    %get3A_13 = vector.load %arg3[%get3A_11, %get3A_12] : memref<1x768xf32, #tpu.memory_space<vmem>>, vector<1x768xf32>
    %add3A = vector.broadcast %get3A_13 : vector<1x768xf32> to vector<32x768xf32>
    %add3A_14 = arith.addf %dot_general3A_10, %add3A : vector<32x768xf32>
    %slice3A = vector.extract_strided_slice %get3A_6 {offsets = [0, 0], sizes = [32, 256], strides = [1, 1]} : vector<32x768xf32> to vector<32x256xf32>
    %slice3A_15 = vector.extract_strided_slice %add3A_14 {offsets = [0, 0], sizes = [32, 256], strides = [1, 1]} : vector<32x768xf32> to vector<32x256xf32>
    %add3A_16 = arith.addf %slice3A, %slice3A_15 : vector<32x256xf32>
    %logistic3A = arith.negf %add3A_16 : vector<32x256xf32>
    %logistic3A_17 = math.exp %logistic3A : vector<32x256xf32>
    %logistic3A_18 = arith.constant 1.000000e+00 : f32
    %logistic3A_19 = vector.broadcast %logistic3A_18 : f32 to vector<32x256xf32>
    %logistic3A_20 = arith.addf %logistic3A_19, %logistic3A_17 : vector<32x256xf32>
    %logistic3A_21 = arith.divf %logistic3A_19, %logistic3A_20 : vector<32x256xf32>
    %slice3A_22 = vector.extract_strided_slice %get3A_6 {offsets = [0, 256], sizes = [32, 256], strides = [1, 1]} : vector<32x768xf32> to vector<32x256xf32>
    %slice3A_23 = vector.extract_strided_slice %add3A_14 {offsets = [0, 256], sizes = [32, 256], strides = [1, 1]} : vector<32x768xf32> to vector<32x256xf32>
    %add3A_24 = arith.addf %slice3A_22, %slice3A_23 : vector<32x256xf32>
    %logistic3A_25 = arith.negf %add3A_24 : vector<32x256xf32>
    %logistic3A_26 = math.exp %logistic3A_25 : vector<32x256xf32>
    %logistic3A_27 = arith.constant 1.000000e+00 : f32
    %logistic3A_28 = vector.broadcast %logistic3A_27 : f32 to vector<32x256xf32>
    %logistic3A_29 = arith.addf %logistic3A_28, %logistic3A_26 : vector<32x256xf32>
    %logistic3A_30 = arith.divf %logistic3A_28, %logistic3A_29 : vector<32x256xf32>
    %slice3A_31 = vector.extract_strided_slice %get3A_6 {offsets = [0, 512], sizes = [32, 256], strides = [1, 1]} : vector<32x768xf32> to vector<32x256xf32>
    %slice3A_32 = vector.extract_strided_slice %add3A_14 {offsets = [0, 512], sizes = [32, 256], strides = [1, 1]} : vector<32x768xf32> to vector<32x256xf32>
    %mul3A = arith.mulf %logistic3A_21, %slice3A_32 : vector<32x256xf32>
    %add3A_33 = arith.addf %slice3A_31, %mul3A : vector<32x256xf32>
    %tanh3A = math.tanh %add3A_33 : vector<32x256xf32>
    %sub3A = arith.constant 1.000000e+00 : f32
    %sub3A_34 = vector.broadcast %sub3A : f32 to vector<32x256xf32>
    %sub3A_35 = arith.subf %sub3A_34, %logistic3A_30 : vector<32x256xf32>
    %mul3A_36 = arith.mulf %sub3A_35, %tanh3A : vector<32x256xf32>
    %mul3A_37 = arith.mulf %logistic3A_30, %get3A_3 : vector<32x256xf32>
    %add3A_38 = arith.addf %mul3A_36, %mul3A_37 : vector<32x256xf32>
    %swap3A = arith.constant 0 : index
    %swap3A_39 = arith.constant 0 : index
    %swap3A_40 = vector.load %arg7[%swap3A, %swap3A_39] : memref<32x256xf32, #tpu.memory_space<vmem>>, vector<32x256xf32>
    tpu.vector_store %arg7[%swap3A, %swap3A_39], %add3A_38 {strides = array<i32>} : memref<32x256xf32, #tpu.memory_space<vmem>>, vector<32x256xf32>,
    %eq3A_41 = arith.constant 49 : i32
    %eq3A_42 = arith.cmpi eq, %arg0, %eq3A_41 : i32
    %convert_element_type3A_43 = arith.extui %eq3A_42 : i1 to i32
    %cond3A_44 = arith.constant 0 : i32
    %cond3A_45 = arith.cmpi ne, %convert_element_type3A_43, %cond3A_44 : i32
    scf.if %cond3A_45 {
      %reduce_sum3A = arith.constant dense<0.000000e+00> : vector<32xf32>
      %reduce_sum3A_46 = vector.multi_reduction <add>, %add3A_38, %reduce_sum3A [1] : vector<32x256xf32> to vector<32xf32>
      %broadcast_in_dim3A = vector.shape_cast %reduce_sum3A_46 : vector<32xf32> to vector<32x1xf32>
      %div3A = arith.constant 2.560000e+02 : f32
      %div3A_47 = vector.broadcast %div3A : f32 to vector<32x1xf32>
      %div3A_48 = arith.divf %broadcast_in_dim3A, %div3A_47 : vector<32x1xf32>
      %sub3A_49 = vector.broadcast %div3A_48 : vector<32x1xf32> to vector<32x256xf32>
      %sub3A_50 = arith.subf %add3A_38, %sub3A_49 : vector<32x256xf32>
      %integer_pow3A = arith.mulf %sub3A_50, %sub3A_50 : vector<32x256xf32>
      %reduce_sum3A_51 = arith.constant dense<0.000000e+00> : vector<32xf32>
      %reduce_sum3A_52 = vector.multi_reduction <add>, %integer_pow3A, %reduce_sum3A_51 [1] : vector<32x256xf32> to vector<32xf32>
      %broadcast_in_dim3A_53 = vector.shape_cast %reduce_sum3A_52 : vector<32xf32> to vector<32x1xf32>
      %div3A_54 = arith.constant 2.560000e+02 : f32
      %div3A_55 = vector.broadcast %div3A_54 : f32 to vector<32x1xf32>
      %div3A_56 = arith.divf %broadcast_in_dim3A_53, %div3A_55 : vector<32x1xf32>
      %sub3A_57 = vector.broadcast %div3A_48 : vector<32x1xf32> to vector<32x256xf32>
      %sub3A_58 = arith.subf %add3A_38, %sub3A_57 : vector<32x256xf32>
      %add3A_59 = arith.constant 9.99999974E-6 : f32
      %add3A_60 = vector.broadcast %add3A_59 : f32 to vector<32x1xf32>
      %add3A_61 = arith.addf %div3A_56, %add3A_60 : vector<32x1xf32>
      %rsqrt3A = math.rsqrt %add3A_61 : vector<32x1xf32>
      %mul3A_62 = vector.broadcast %rsqrt3A : vector<32x1xf32> to vector<32x256xf32>
      %mul3A_63 = arith.mulf %sub3A_58, %mul3A_62 : vector<32x256xf32>
      %get3A_64 = arith.constant 0 : index
      %get3A_65 = arith.constant 0 : index
      %get3A_66 = vector.load %arg4[%get3A_64, %get3A_65] : memref<1x256xf32, #tpu.memory_space<vmem>>, vector<1x256xf32>
      %mul3A_67 = vector.broadcast %get3A_66 : vector<1x256xf32> to vector<32x256xf32>
      %mul3A_68 = arith.mulf %mul3A_63, %mul3A_67 : vector<32x256xf32>
      %get3A_69 = arith.constant 0 : index
      %get3A_70 = arith.constant 0 : index
      %get3A_71 = vector.load %arg5[%get3A_69, %get3A_70] : memref<1x256xf32, #tpu.memory_space<vmem>>, vector<1x256xf32>
      %add3A_72 = vector.broadcast %get3A_71 : vector<1x256xf32> to vector<32x256xf32>
      %add3A_73 = arith.addf %mul3A_68, %add3A_72 : vector<32x256xf32>
      %swap3A_74 = arith.constant 0 : index
      %swap3A_75 = arith.constant 0 : index
      %swap3A_76 = vector.load %arg6[%swap3A_74, %swap3A_75] : memref<32x256xf32, #tpu.memory_space<vmem>>, vector<32x256xf32>
      tpu.vector_store %arg6[%swap3A_74, %swap3A_75], %add3A_73 {strides = array<i32>} : memref<32x256xf32, #tpu.memory_space<vmem>>, vector<32x256xf32>,
    } else {
    }
    return
  }
  func.func @transform_0(%arg0: i32) -> (i32, i32) {
    %c0_i32 = arith.constant 0 : i32
    %c0_i32_0 = arith.constant 0 : i32
    return %arg0, %c0_i32 : i32, i32
  }
  func.func @transform_1(%arg0: i32) -> (i32, i32) {
    %c0_i32 = arith.constant 0 : i32
    %c0_i32_0 = arith.constant 0 : i32
    %c0_i32_1 = arith.constant 0 : i32
    return %c0_i32, %c0_i32_0 : i32, i32
  }
  func.func @transform_2(%arg0: i32) -> (i32, i32) {
    %c0_i32 = arith.constant 0 : i32
    %c0_i32_0 = arith.constant 0 : i32
    %c0_i32_1 = arith.constant 0 : i32
    return %c0_i32, %c0_i32_0 : i32, i32
  }
  func.func @transform_3(%arg0: i32) -> (i32, i32) {
    %c0_i32 = arith.constant 0 : i32
    %c0_i32_0 = arith.constant 0 : i32
    %c0_i32_1 = arith.constant 0 : i32
    return %c0_i32, %c0_i32_0 : i32, i32
  }
  func.func @transform_4(%arg0: i32) -> (i32, i32) {
    %c0_i32 = arith.constant 0 : i32
    %c0_i32_0 = arith.constant 0 : i32
    %c0_i32_1 = arith.constant 0 : i32
    return %c0_i32, %c0_i32_0 : i32, i32
  }
  func.func @transform_5(%arg0: i32) -> (i32, i32) {
    %c0_i32 = arith.constant 0 : i32
    %c0_i32_0 = arith.constant 0 : i32
    %c0_i32_1 = arith.constant 0 : i32
    return %c0_i32, %c0_i32_0 : i32, i32
  }
}

module attributes {stable_mosaic.version = 14 : i64} {
  func.func @_tc_pool_body(%arg0: i32, %arg1: memref<2x1024x128xf32, #tpu.memory_space<vmem>>, %arg2: memref<1024x128xf32, #tpu.memory_space<vmem>>, %arg3: memref<1x256xf32, #tpu.memory_space<vmem>>, %arg4: memref<1024x1xi32, #tpu.memory_space<vmem>>, %arg5: memref<64x128xf32, #tpu.memory_space<vmem>>, %arg6: memref<1x256xf32, #tpu.memory_space<vmem>>, %arg7: memref<1x256xf32, #tpu.memory_space<vmem>>, %arg8: memref<32x256xf32, #tpu.memory_space<vmem>>, %arg9: memref<32x256xf32, #tpu.memory_space<vmem>>) attributes {dimension_semantics = [#tpu.dimension_semantics<arbitrary>], iteration_bounds = array<i64: 10>, scalar_prefetch = 0 : i64, scratch_operands = 0 : i64, tpu.core_type = #tpu.core_type<tc>, window_params = [{transform_indices = @transform_0, window_bounds = array<i64: 2, 1024, 128>}, {transform_indices = @transform_1, window_bounds = array<i64: 1024, 128>}, {pipeline_mode = #tpu.pipeline_mode<synchronous>, transform_indices = @transform_2, window_bounds = array<i64: 1, 256>}, {transform_indices = @transform_3, window_bounds = array<i64: 1024, 1>}, {pipeline_mode = #tpu.pipeline_mode<synchronous>, transform_indices = @transform_4, window_bounds = array<i64: 64, 128>}, {pipeline_mode = #tpu.pipeline_mode<synchronous>, transform_indices = @transform_5, window_bounds = array<i64: 1, 256>}, {pipeline_mode = #tpu.pipeline_mode<synchronous>, transform_indices = @transform_6, window_bounds = array<i64: 1, 256>}, {pipeline_mode = #tpu.pipeline_mode<synchronous>, transform_indices = @transform_7, window_bounds = array<i64: 32, 256>}, {pipeline_mode = #tpu.pipeline_mode<synchronous>, transform_indices = @transform_8, window_bounds = array<i64: 32, 256>}]} {
    %get3A = arith.constant 0 : index
    %get3A_0 = arith.constant 0 : index
    %get3A_1 = arith.constant 0 : index
    %get3A_2 = vector.load %arg1[%get3A, %get3A_0, %get3A_1] : memref<2x1024x128xf32, #tpu.memory_space<vmem>>, vector<1x1024x128xf32>
    %get3A_3 = vector.shape_cast %get3A_2 : vector<1x1024x128xf32> to vector<1024x128xf32>
    %get3A_4 = arith.constant 1 : index
    %get3A_5 = arith.constant 0 : index
    %get3A_6 = arith.constant 0 : index
    %get3A_7 = vector.load %arg1[%get3A_4, %get3A_5, %get3A_6] : memref<2x1024x128xf32, #tpu.memory_space<vmem>>, vector<1x1024x128xf32>
    %get3A_8 = vector.shape_cast %get3A_7 : vector<1x1024x128xf32> to vector<1024x128xf32>
    %concatenate3A = tpu.concatenate %get3A_3, %get3A_8 in 1 : vector<1024x128xf32>, vector<1024x128xf32> -> vector<1024x256xf32>
    %get3A_9 = arith.constant 0 : index
    %get3A_10 = arith.constant 0 : index
    %get3A_11 = vector.load %arg2[%get3A_9, %get3A_10] : memref<1024x128xf32, #tpu.memory_space<vmem>>, vector<1024x1xf32>
    %max3A = arith.constant 1.000000e+00 : f32
    %max3A_12 = vector.broadcast %max3A : f32 to vector<1024x1xf32>
    %max3A_13 = arith.maximumf %get3A_11, %max3A_12 : vector<1024x1xf32>
    %rsqrt3A = math.rsqrt %max3A_13 : vector<1024x1xf32>
    %mul3A = vector.broadcast %rsqrt3A : vector<1024x1xf32> to vector<1024x256xf32>
    %mul3A_14 = arith.mulf %concatenate3A, %mul3A : vector<1024x256xf32>
    %get3A_15 = arith.constant 0 : index
    %get3A_16 = arith.constant 0 : index
    %get3A_17 = vector.load %arg3[%get3A_15, %get3A_16] : memref<1x256xf32, #tpu.memory_space<vmem>>, vector<1x256xf32>
    %add3A = vector.broadcast %get3A_17 : vector<1x256xf32> to vector<1024x256xf32>
    %add3A_18 = arith.addf %mul3A_14, %add3A : vector<1024x256xf32>
    %max3A_19 = arith.constant 0.000000e+00 : f32
    %max3A_20 = vector.broadcast %max3A_19 : f32 to vector<1024x256xf32>
    %max3A_21 = arith.maximumf %add3A_18, %max3A_20 : vector<1024x256xf32>
    %get3A_22 = arith.constant 0 : index
    %get3A_23 = arith.constant 0 : index
    %get3A_24 = vector.load %arg4[%get3A_22, %get3A_23] : memref<1024x1xi32, #tpu.memory_space<vmem>>, vector<1024x1xi32>
    %iota3A = tpu.iota {dimensions = array<i32: 1>} : vector<1x32xi32>
    %eq3A = vector.broadcast %get3A_24 : vector<1024x1xi32> to vector<1024x32xi32>
    %eq3A_25 = vector.broadcast %iota3A : vector<1x32xi32> to vector<1024x32xi32>
    %eq3A_26 = arith.cmpi eq, %eq3A, %eq3A_25 : vector<1024x32xi32>
    %convert_element_type3A = arith.extui %eq3A_26 : vector<1024x32xi1> to vector<1024x32xi32>
    %convert_element_type3A_27 = arith.sitofp %convert_element_type3A : vector<1024x32xi32> to vector<1024x32xf32>
    %dot_general3A = arith.constant dense<0.000000e+00> : vector<32x256xf32>
    %dot_general3A_28 = tpu.matmul %convert_element_type3A_27, %max3A_21, %dot_general3A {dimension_numbers = #tpu.dot_dimension_numbers<[0], [0], [1], [1], [0, 1, 1, 1], [], []>, transpose_lhs_hint = false} : vector<1024x32xf32>, vector<1024x256xf32>, vector<32x256xf32> -> vector<32x256xf32>
    %eq3A_29 = arith.constant 0 : i32
    %eq3A_30 = arith.cmpi eq, %arg0, %eq3A_29 : i32
    %convert_element_type3A_31 = arith.extui %eq3A_30 : i1 to i32
    %cond3A = arith.constant 0 : i32
    %cond3A_32 = arith.cmpi ne, %convert_element_type3A_31, %cond3A : i32
    scf.if %cond3A_32 {
      %swap3A = arith.constant 0 : index
      %swap3A_42 = arith.constant 0 : index
      %swap3A_43 = vector.load %arg8[%swap3A, %swap3A_42] : memref<32x256xf32, #tpu.memory_space<vmem>>, vector<32x256xf32>
      tpu.vector_store %arg8[%swap3A, %swap3A_42], %dot_general3A_28 {strides = array<i32>} : memref<32x256xf32, #tpu.memory_space<vmem>>, vector<32x256xf32>,
    } else {
    }
    %gt3A = arith.constant 0 : i32
    %gt3A_33 = arith.cmpi sgt, %arg0, %gt3A : i32
    %convert_element_type3A_34 = arith.extui %gt3A_33 : i1 to i32
    %cond3A_35 = arith.constant 0 : i32
    %cond3A_36 = arith.cmpi ne, %convert_element_type3A_34, %cond3A_35 : i32
    scf.if %cond3A_36 {
      %get3A_42 = arith.constant 0 : index
      %get3A_43 = arith.constant 0 : index
      %get3A_44 = vector.load %arg8[%get3A_42, %get3A_43] : memref<32x256xf32, #tpu.memory_space<vmem>>, vector<32x256xf32>
      %add3A_45 = arith.addf %get3A_44, %dot_general3A_28 : vector<32x256xf32>
      %swap3A = arith.constant 0 : index
      %swap3A_46 = arith.constant 0 : index
      %swap3A_47 = vector.load %arg8[%swap3A, %swap3A_46] : memref<32x256xf32, #tpu.memory_space<vmem>>, vector<32x256xf32>
      tpu.vector_store %arg8[%swap3A, %swap3A_46], %add3A_45 {strides = array<i32>} : memref<32x256xf32, #tpu.memory_space<vmem>>, vector<32x256xf32>,
    } else {
    }
    %eq3A_37 = arith.constant 9 : i32
    %eq3A_38 = arith.cmpi eq, %arg0, %eq3A_37 : i32
    %convert_element_type3A_39 = arith.extui %eq3A_38 : i1 to i32
    %cond3A_40 = arith.constant 0 : i32
    %cond3A_41 = arith.cmpi ne, %convert_element_type3A_39, %cond3A_40 : i32
    scf.if %cond3A_41 {
      %get3A_42 = arith.constant 0 : index
      %get3A_43 = arith.constant 0 : index
      %get3A_44 = vector.load %arg5[%get3A_42, %get3A_43] : memref<64x128xf32, #tpu.memory_space<vmem>>, vector<32x1xf32>
      %max3A_45 = arith.constant 1.000000e+00 : f32
      %max3A_46 = vector.broadcast %max3A_45 : f32 to vector<32x1xf32>
      %max3A_47 = arith.maximumf %get3A_44, %max3A_46 : vector<32x1xf32>
      %get3A_48 = arith.constant 0 : index
      %get3A_49 = arith.constant 0 : index
      %get3A_50 = vector.load %arg8[%get3A_48, %get3A_49] : memref<32x256xf32, #tpu.memory_space<vmem>>, vector<32x256xf32>
      %div3A = vector.broadcast %max3A_47 : vector<32x1xf32> to vector<32x256xf32>
      %div3A_51 = arith.divf %get3A_50, %div3A : vector<32x256xf32>
      %reduce_sum3A = arith.constant dense<0.000000e+00> : vector<32xf32>
      %reduce_sum3A_52 = vector.multi_reduction <add>, %div3A_51, %reduce_sum3A [1] : vector<32x256xf32> to vector<32xf32>
      %broadcast_in_dim3A = vector.shape_cast %reduce_sum3A_52 : vector<32xf32> to vector<32x1xf32>
      %div3A_53 = arith.constant 2.560000e+02 : f32
      %div3A_54 = vector.broadcast %div3A_53 : f32 to vector<32x1xf32>
      %div3A_55 = arith.divf %broadcast_in_dim3A, %div3A_54 : vector<32x1xf32>
      %sub3A = vector.broadcast %div3A_55 : vector<32x1xf32> to vector<32x256xf32>
      %sub3A_56 = arith.subf %div3A_51, %sub3A : vector<32x256xf32>
      %integer_pow3A = arith.mulf %sub3A_56, %sub3A_56 : vector<32x256xf32>
      %reduce_sum3A_57 = arith.constant dense<0.000000e+00> : vector<32xf32>
      %reduce_sum3A_58 = vector.multi_reduction <add>, %integer_pow3A, %reduce_sum3A_57 [1] : vector<32x256xf32> to vector<32xf32>
      %broadcast_in_dim3A_59 = vector.shape_cast %reduce_sum3A_58 : vector<32xf32> to vector<32x1xf32>
      %div3A_60 = arith.constant 2.560000e+02 : f32
      %div3A_61 = vector.broadcast %div3A_60 : f32 to vector<32x1xf32>
      %div3A_62 = arith.divf %broadcast_in_dim3A_59, %div3A_61 : vector<32x1xf32>
      %sub3A_63 = vector.broadcast %div3A_55 : vector<32x1xf32> to vector<32x256xf32>
      %sub3A_64 = arith.subf %div3A_51, %sub3A_63 : vector<32x256xf32>
      %add3A_65 = arith.constant 9.99999974E-6 : f32
      %add3A_66 = vector.broadcast %add3A_65 : f32 to vector<32x1xf32>
      %add3A_67 = arith.addf %div3A_62, %add3A_66 : vector<32x1xf32>
      %rsqrt3A_68 = math.rsqrt %add3A_67 : vector<32x1xf32>
      %mul3A_69 = vector.broadcast %rsqrt3A_68 : vector<32x1xf32> to vector<32x256xf32>
      %mul3A_70 = arith.mulf %sub3A_64, %mul3A_69 : vector<32x256xf32>
      %get3A_71 = arith.constant 0 : index
      %get3A_72 = arith.constant 0 : index
      %get3A_73 = vector.load %arg6[%get3A_71, %get3A_72] : memref<1x256xf32, #tpu.memory_space<vmem>>, vector<1x256xf32>
      %mul3A_74 = vector.broadcast %get3A_73 : vector<1x256xf32> to vector<32x256xf32>
      %mul3A_75 = arith.mulf %mul3A_70, %mul3A_74 : vector<32x256xf32>
      %get3A_76 = arith.constant 0 : index
      %get3A_77 = arith.constant 0 : index
      %get3A_78 = vector.load %arg7[%get3A_76, %get3A_77] : memref<1x256xf32, #tpu.memory_space<vmem>>, vector<1x256xf32>
      %add3A_79 = vector.broadcast %get3A_78 : vector<1x256xf32> to vector<32x256xf32>
      %add3A_80 = arith.addf %mul3A_75, %add3A_79 : vector<32x256xf32>
      %swap3A = arith.constant 0 : index
      %swap3A_81 = arith.constant 0 : index
      %swap3A_82 = vector.load %arg9[%swap3A, %swap3A_81] : memref<32x256xf32, #tpu.memory_space<vmem>>, vector<32x256xf32>
      tpu.vector_store %arg9[%swap3A, %swap3A_81], %add3A_80 {strides = array<i32>} : memref<32x256xf32, #tpu.memory_space<vmem>>, vector<32x256xf32>,
    } else {
    }
    return
  }
  func.func @transform_0(%arg0: i32) -> (i32, i32, i32) {
    %c0_i32 = arith.constant 0 : i32
    %c0_i32_0 = arith.constant 0 : i32
    %c0_i32_1 = arith.constant 0 : i32
    return %c0_i32, %arg0, %c0_i32_0 : i32, i32, i32
  }
  func.func @transform_1(%arg0: i32) -> (i32, i32) {
    %c0_i32 = arith.constant 0 : i32
    %c0_i32_0 = arith.constant 0 : i32
    return %arg0, %c0_i32 : i32, i32
  }
  func.func @transform_2(%arg0: i32) -> (i32, i32) {
    %c0_i32 = arith.constant 0 : i32
    %c0_i32_0 = arith.constant 0 : i32
    %c0_i32_1 = arith.constant 0 : i32
    return %c0_i32, %c0_i32_0 : i32, i32
  }
  func.func @transform_3(%arg0: i32) -> (i32, i32) {
    %c0_i32 = arith.constant 0 : i32
    %c0_i32_0 = arith.constant 0 : i32
    return %arg0, %c0_i32 : i32, i32
  }
  func.func @transform_4(%arg0: i32) -> (i32, i32) {
    %c0_i32 = arith.constant 0 : i32
    %c0_i32_0 = arith.constant 0 : i32
    %c0_i32_1 = arith.constant 0 : i32
    return %c0_i32, %c0_i32_0 : i32, i32
  }
  func.func @transform_5(%arg0: i32) -> (i32, i32) {
    %c0_i32 = arith.constant 0 : i32
    %c0_i32_0 = arith.constant 0 : i32
    %c0_i32_1 = arith.constant 0 : i32
    return %c0_i32, %c0_i32_0 : i32, i32
  }
  func.func @transform_6(%arg0: i32) -> (i32, i32) {
    %c0_i32 = arith.constant 0 : i32
    %c0_i32_0 = arith.constant 0 : i32
    %c0_i32_1 = arith.constant 0 : i32
    return %c0_i32, %c0_i32_0 : i32, i32
  }
  func.func @transform_7(%arg0: i32) -> (i32, i32) {
    %c0_i32 = arith.constant 0 : i32
    %c0_i32_0 = arith.constant 0 : i32
    %c0_i32_1 = arith.constant 0 : i32
    return %c0_i32, %c0_i32_0 : i32, i32
  }
  func.func @transform_8(%arg0: i32) -> (i32, i32) {
    %c0_i32 = arith.constant 0 : i32
    %c0_i32_0 = arith.constant 0 : i32
    %c0_i32_1 = arith.constant 0 : i32
    return %c0_i32, %c0_i32_0 : i32, i32
  }
}

module attributes {stable_mosaic.version = 14 : i64} {
  func.func @_tc_out_body(%arg0: memref<32x256xf32, #tpu.memory_space<vmem>>, %arg1: memref<32x256xf32, #tpu.memory_space<vmem>>, %arg2: memref<512x256xf32, #tpu.memory_space<vmem>>, %arg3: memref<1x256xf32, #tpu.memory_space<vmem>>, %arg4: memref<256x512xf32, #tpu.memory_space<vmem>>, %arg5: memref<1x512xf32, #tpu.memory_space<vmem>>, %arg6: memref<32x512xf32, #tpu.memory_space<vmem>>) attributes {dimension_semantics = [], scalar_prefetch = 0 : i64, scratch_operands = 0 : i64, tpu.core_type = #tpu.core_type<tc>} {
    %get3A = arith.constant 0 : index
    %get3A_0 = arith.constant 0 : index
    %get3A_1 = vector.load %arg0[%get3A, %get3A_0] : memref<32x256xf32, #tpu.memory_space<vmem>>, vector<32x256xf32>
    %get3A_2 = arith.constant 0 : index
    %get3A_3 = arith.constant 0 : index
    %get3A_4 = vector.load %arg1[%get3A_2, %get3A_3] : memref<32x256xf32, #tpu.memory_space<vmem>>, vector<32x256xf32>
    %concatenate3A = tpu.concatenate %get3A_1, %get3A_4 in 1 : vector<32x256xf32>, vector<32x256xf32> -> vector<32x512xf32>
    %get3A_5 = arith.constant 0 : index
    %get3A_6 = arith.constant 0 : index
    %get3A_7 = vector.load %arg2[%get3A_5, %get3A_6] : memref<512x256xf32, #tpu.memory_space<vmem>>, vector<512x256xf32>
    %dot_general3A = arith.constant dense<0.000000e+00> : vector<32x256xf32>
    %dot_general3A_8 = tpu.matmul %concatenate3A, %get3A_7, %dot_general3A {dimension_numbers = #tpu.dot_dimension_numbers<[1], [0], [0], [1], [0, 0, 1, 1], [], []>, transpose_lhs_hint = false} : vector<32x512xf32>, vector<512x256xf32>, vector<32x256xf32> -> vector<32x256xf32>
    %get3A_9 = arith.constant 0 : index
    %get3A_10 = arith.constant 0 : index
    %get3A_11 = vector.load %arg3[%get3A_9, %get3A_10] : memref<1x256xf32, #tpu.memory_space<vmem>>, vector<1x256xf32>
    %add3A = vector.broadcast %get3A_11 : vector<1x256xf32> to vector<32x256xf32>
    %add3A_12 = arith.addf %dot_general3A_8, %add3A : vector<32x256xf32>
    %max3A = arith.constant 0.000000e+00 : f32
    %max3A_13 = vector.broadcast %max3A : f32 to vector<32x256xf32>
    %max3A_14 = arith.maximumf %add3A_12, %max3A_13 : vector<32x256xf32>
    %get3A_15 = arith.constant 0 : index
    %get3A_16 = arith.constant 0 : index
    %get3A_17 = vector.load %arg4[%get3A_15, %get3A_16] : memref<256x512xf32, #tpu.memory_space<vmem>>, vector<256x512xf32>
    %dot_general3A_18 = arith.constant dense<0.000000e+00> : vector<32x512xf32>
    %dot_general3A_19 = tpu.matmul %max3A_14, %get3A_17, %dot_general3A_18 {dimension_numbers = #tpu.dot_dimension_numbers<[1], [0], [0], [1], [0, 0, 1, 1], [], []>, transpose_lhs_hint = false} : vector<32x256xf32>, vector<256x512xf32>, vector<32x512xf32> -> vector<32x512xf32>
    %get3A_20 = arith.constant 0 : index
    %get3A_21 = arith.constant 0 : index
    %get3A_22 = vector.load %arg5[%get3A_20, %get3A_21] : memref<1x512xf32, #tpu.memory_space<vmem>>, vector<1x512xf32>
    %add3A_23 = vector.broadcast %get3A_22 : vector<1x512xf32> to vector<32x512xf32>
    %add3A_24 = arith.addf %dot_general3A_19, %add3A_23 : vector<32x512xf32>
    %swap3A = arith.constant 0 : index
    %swap3A_25 = arith.constant 0 : index
    %swap3A_26 = vector.load %arg6[%swap3A, %swap3A_25] : memref<32x512xf32, #tpu.memory_space<vmem>>, vector<32x512xf32>
    tpu.vector_store %arg6[%swap3A, %swap3A_25], %add3A_24 {strides = array<i32>} : memref<32x512xf32, #tpu.memory_space<vmem>>, vector<32x512xf32>,
    return
  }
}

</mosaic_0001>

<sc_bundles>
// kernel: kernel.11.cloned.1.call-start
scs
__scs_entry_jumppad:
0x0: {  	(pc) =	sbr.rel $0x88, $3  }
0x1: {  	(tag) =	ssettag $0x0;
	lr =	simm.s32 $0x1  }
0x2: {  	[smem:$0x3F8B] =	sst lr;
	_ =	strace $0xD0000000  }
0x3: {  	_ = 	snop  }
0x4: {  	_ = 	snop  }
0x5: {  	_ = 	snop  }
0x6: {  	_ = 	snop  }
0x7: {  	_ = 	snop  }
__scs_overlays_trampoline_lowered:
0x8: {  	[smem:$0x3F9A] =	sst s0  }
0x9: {  	[smem:$0x3F9B] =	sst s1  }
0xa: {  	[smem:$0x3F9C] =	sst s2  }
0xb: {  	[smem:$0x3F9D] =	sst s3  }
0xc: {  	[smem:$0x3F9E] =	sst s4  }
0xd: {  	[smem:$0x3F9F] =	sst s5  }
0xe: {  	[smem:$0x3FA0] =	sst s6  }
0xf: {  	[smem:$0x3FA1] =	sst s7  }
0x10: {  	[smem:$0x3FA2] =	sst s8  }
0x11: {  	[smem:$0x3FA3] =	sst s9;
	s0 =	simm.s32 @!p0 $0x0  }
0x12: {  	s1 =	sld [smem:$0x3F89];
	s0 =	simm.s32 @p0 $0x1  }
0x13: {  	[smem:$0x3FA4] =	sst s0;
	s0 =	simm.s32 @!p1 $0x0  }
0x14: {  	s2 =	sld [smem:$0x3F88];
	s0 =	simm.s32 @p1 $0x1  }
0x15: {  	[smem:$0x3FA5] =	sst s0;
	s0 =	simm.s32 @!p2 $0x0  }
0x16: {  	s3 =	sld [smem:$0x3FDB];
	s0 =	simm.s32 @p2 $0x1  }
0x17: {  	s4 =	simm.s32 $0x1BF5;
	[smem:$0x3FA7] =	sst s0  }
0x18: {  	s0 =	sld [smem:$0x3F8A];
	_ =	swait.ge [sflag:s4], $0x0  }
0x19: {  	s7 =	sld [smem:$0x3F8B]  }
0x1a: {  	s8 =	sadd.s32 $0xFFFFE003, lr  }
0x1b: {  	s9 =	sadd.s32 $0xFFFFFEF7, lr;
	s5 =	simm.s32 $0xFFFFFFFF;
	p2 =	slt.u32 s8, $0xFFFFF086  }
0x1c: {  	p1 =	slt.u32 s9, $0xF7A;
	s5 =	simm.s32 @!p2 $0x0  }
0x1d: {  	s5 =	simm.s32 @p1 $0x1;
	p0 =	seq.s32 s7, s2  }
0x1e: {  	s7 =	smul.u32 @!p0 $0xF7A, s2;
	p2 =	seq.s32 @!p0 s5, $0x0  }
0x1f: {  	s9 =	smul.u32 $0xF7A, s1;
	s8 =	simm.s32 @!p0 $0x1BF5;
	p2 =	por !p2, p0  }
0x20: {  	[sflag:s8] =	ssyncset.s32 @!p0 $0xFFFFF086;
	s6 =	sadd.s32 @!p0 s3, s7;
	s7 =	simm.s32 @!p0 $0x108  }
0x21: {  	s3 =	sadd.s32 s3, s9;
	s6 =	sadd.s32 @!p0 $0x88, s6;
	s7 =	simm.s32 @p2 $0x1082  }
0x22: {  	[simem:s7], [sflag:s8] =	dma.local @!p0 [hbm:s6], $0xF7A  }
0x23: {  	s9 =	sor.u32 $0xD0000000, s2;
	s6 =	simm.s32 $0x108;
	_ =	swait.ge @!p0 [sflag:s8], $0x0  }
0x24: {  	s3 =	sadd.s32 $0x88, s3;
	s6 =	simm.s32 @!p1 $0x1082;
	[sflag:s4] =	ssyncset.s32 $0xFFFFF086  }
0x25: {  	[simem:s6], [sflag:s4] =	dma.local [hbm:s3], $0xF7A  }
0x26: {  	[smem:$0x3F8B] =	sst s1;
	(tag) =	ssettag s2;
	_ =	strace s9  }
0x27: {  	s1 =	sld [smem:$0x3F9B]  }
0x28: {  	s2 =	sld [smem:$0x3F9C]  }
0x29: {  	s4 =	sld [smem:$0x3F9E]  }
0x2a: {  	p0 =	seq.s32 s5, $0x0;
	s5 =	sld [smem:$0x3F9F]  }
0x2b: {  	s6 =	sld [smem:$0x3FA0]  }
0x2c: {  	s7 =	sld [smem:$0x3FA1]  }
0x2d: {  	s3 =	simm.s32 $0x108;
	s8 =	sld [smem:$0x3FA2]  }
0x2e: {  	s3 =	simm.s32 @!p0 $0x1082;
	s9 =	sld [smem:$0x3FA3]  }
0x2f: {  	lr =	sadd.s32 s0, s3;
	s0 =	sld [smem:$0x3F9A]  }
0x30: {  	s3 =	sld [smem:$0x3F9D]  }
0x31: {  	[smem:$0x3FA6] =	sst s10  }
0x32: {  	s10 =	sld [smem:$0x3FA4];
	_ =	sdelay $0x3  }
0x33: {  	p0 =	seq.s32 s10, $0x1;
	s10 =	sld [smem:$0x3FA6];
	_ =	sdelay $0x3  }
0x34: {  	[smem:$0x3FA6] =	sst s10  }
0x35: {  	s10 =	sld [smem:$0x3FA5];
	_ =	sdelay $0x3  }
0x36: {  	p1 =	seq.s32 s10, $0x1;
	s10 =	sld [smem:$0x3FA6];
	_ =	sdelay $0x3  }
0x37: {  	[smem:$0x3FA6] =	sst s10  }
0x38: {  	s10 =	sld [smem:$0x3FA7]  }
0x39: {  	_ = 	snop;
	(pc) =	sbr.ind lr, $3  }
0x3a: {  	_ = 	snop  }
0x3b: {  	_ = 	snop  }
0x3c: {  	p2 =	seq.s32 s10, $0x1;
	s10 =	sld [smem:$0x3FA6]  }
0x3d: {  	_ =	shalt  }
0x3e: {  	_ =	shalt  }
0x3f: {  	_ =	shalt  }
0x40: {  	_ =	shalt  }
0x41: {  	_ =	shalt  }
0x42: {  	_ =	shalt  }
0x43: {  	_ =	shalt  }
0x44: {  	_ =	shalt  }
0x45: {  	_ =	shalt  }
0x46: {  	_ =	shalt  }
0x47: {  	_ =	shalt  }
0x48: {  	_ =	shalt  }
0x49: {  	_ =	shalt  }
0x4a: {  	_ =	shalt  }
0x4b: {  	_ =	shalt  }
0x4c: {  	_ =	shalt  }
0x4d: {  	_ =	shalt  }
0x4e: {  	_ =	shalt  }
0x4f: {  	_ =	shalt  }
0x50: {  	_ =	shalt  }
0x51: {  	_ =	shalt  }
0x52: {  	_ =	shalt  }
0x53: {  	_ =	shalt  }
0x54: {  	_ =	shalt  }
0x55: {  	_ =	shalt  }
0x56: {  	_ =	shalt  }
0x57: {  	_ =	shalt  }
0x58: {  	_ =	shalt  }
0x59: {  	_ =	shalt  }
0x5a: {  	_ =	shalt  }
0x5b: {  	_ =	shalt  }
0x5c: {  	_ =	shalt  }
0x5d: {  	_ =	shalt  }
0x5e: {  	_ =	shalt  }
0x5f: {  	_ =	shalt  }
0x60: {  	_ =	shalt  }
0x61: {  	_ =	shalt  }
0x62: {  	_ =	shalt  }
0x63: {  	_ =	shalt  }
0x64: {  	_ =	shalt  }
0x65: {  	_ =	shalt  }
0x66: {  	_ =	shalt  }
0x67: {  	_ =	shalt  }
0x68: {  	_ =	shalt  }
0x69: {  	_ =	shalt  }
0x6a: {  	_ =	shalt  }
0x6b: {  	_ =	shalt  }
0x6c: {  	_ =	shalt  }
0x6d: {  	_ =	shalt  }
0x6e: {  	_ =	shalt  }
0x6f: {  	_ =	shalt  }
0x70: {  	_ =	shalt  }
0x71: {  	_ =	shalt  }
0x72: {  	_ =	shalt  }
0x73: {  	_ =	shalt  }
0x74: {  	_ =	shalt  }
0x75: {  	_ =	shalt  }
0x76: {  	_ =	shalt  }
0x77: {  	_ =	shalt  }
0x78: {  	_ =	shalt  }
0x79: {  	_ =	shalt  }
0x7a: {  	_ =	shalt  }
0x7b: {  	_ =	shalt  }
0x7c: {  	_ =	shalt  }
0x7d: {  	_ =	shalt  }
0x7e: {  	_ =	shalt  }
0x7f: {  	_ =	shalt  }
0x80: {  	_ =	shalt  }
0x81: {  	_ =	shalt  }
0x82: {  	_ =	shalt  }
0x83: {  	_ =	shalt  }
0x84: {  	_ =	shalt  }
0x85: {  	_ =	shalt  }
0x86: {  	_ =	shalt  }
0x87: {  	_ =	shalt  }
.Lfunc_end0:
.L_simem_size_0:
called_computation_lowered:
.L_overlay_start_0:
0x88: {  	s2 =	sld [smem:$0x3FD9]  }
0x89: {  	s3 =	sld [smem:$0x3FFE];
	_ =	sdelay $0x1  }
0x8a: {  	s1 =	srdreg.scid  }
0x8b: {  	s0 =	sand.u32 $0x1, s1  }
0x8c: {  	s17 =	sshll.u32 s0, $0xA;
	s2 =	sadd.s32 s3, s2  }
0x8d: {  	s2 =	sadd.s32 s2, s17  }
0x8e: {  	[smem:$0x3FB2] =	sst s2  }
0x8f: {  	_ = 	snop  }
0x90: {  	s2 =	sld [smem:$0x3FD0];
	(tm) =	ssettm $0x1  }
0x91: {  	s18 =	sld [smem:$0x3FFB];
	_ =	sdelay $0x3  }
0x92: {  	_ =	strace s18  }
0x93: {  	s3 =	sld [smem:$0x3FFC];
	_ =	sdelay $0x3  }
0x94: {  	_ =	strace s3  }
0x95: {  	s3 =	sld [smem:$0x3FFD];
	_ =	sdelay $0x3  }
0x96: {  	_ =	strace s3  }
0x97: {  	_ =	strace $0x8FFFFFFF  }
0x98: {  	s19 =	sld [smem:$0x3FDB];
	_ =	sdelay $0x1  }
0x99: {  	s4 =	simm.s32 $_scs_section_size  }
0x9a: {  	s5 =	simm.s32 $_size__tile_overlayer_lowered;
	s6 =	simm.s32 $_tile_overlayer_lowered  }
0x9b: {  	s22 =	simm.s32 $0x1BFF;
	s21 =	sshll.u32 s6, $0x1;
	s3 =	sadd.s32 s4, s19  }
0x9c: {  	s7 =	simm.s32 $0x0;
	s20 =	sshll.u32 s5, $0x1;
	s5 =	sadd.s32 s21, s3  }
0x9d: {  	[timem:s7], [sflag:s22] =	dma.local [hbm:s5], s20  }
0x9e: {  	_ =	swait.ge [sflag:s22], s20  }
0x9f: {  	s4 =	ssub.s32 $0x0, s20;
	[sflag:s22] =	ssyncset.done $0x0  }
0xa0: {  	[sflag:s22] =	ssyncadd.s32 s4;
	_ =	sdelay $0x1  }
0xa1: {  	s23 =	simm.s32 $0x1B8B  }
0xa2: {  	_ =	swait.ge [sflag:s23], $0x1  }
0xa3: {  	[sflag:s23] =	ssyncset.done $0x0  }
0xa4: {  	s25 =	simm.s32 $0x1B8E;
	s24 =	sld [smem:$0x3FFE];
	[sflag:s23] =	ssyncadd.s32 $0xFFFFFFFF  }
0xa5: {  	s26 =	simm.s32 $execute0_lowered;
	[smem:$0x3FD2] =	sst s25  }
0xa6: {  	s5 =	sshll.u32 s26, $0x1;
	_ =	strace $0x80000046;
	[dreg:$0x1] =	wrdreg $0xFFFFFFFF  }
0xa7: {  	s28 =	simm.s32 $_size_execute0_lowered;
	s3 =	sadd.s32 s3, s5;
	[dreg:$0x0] =	wrdreg $0x0  }
0xa8: {  	s5 =	sshll.u32 s28, $0x1;
	[dreg:$0x2] =	wrdreg s3  }
0xa9: {  	[dreg:$0x3] =	wrdreg s5  }
0xaa: {  	[dreg:$0x4] =	wrdreg $0xC0  }
0xab: {  	_ =	task [dreg:s7], $0x5FFFF  }
0xac: {  	[dreg:$0x1] =	wrdreg $0xFFFFFFFF  }
0xad: {  	[dreg:$0x0] =	wrdreg $0x60  }
0xae: {  	[dreg:$0x2] =	wrdreg s24  }
0xaf: {  	[dreg:$0x3] =	wrdreg s2  }
0xb0: {  	[dreg:$0x4] =	wrdreg $0x54000  }
0xb1: {  	[dreg:$0x5] =	wrdreg $0x194000  }
0xb2: {  	[dreg:$0x6] =	wrdreg $0x9  }
0xb3: {  	_ =	task.clear_ibuf [dreg:s7], $0x7FFFF;
	_ =	strace $0x90000046  }
0xb4: {  	s29 =	simm.s32 $0x9;
	_ =	strace $0x80000048  }
0xb5: {  	_ =	swait.ge [sflag:s29], $0x1  }
0xb6: {  	[sflag:s29] =	ssyncadd.s32 $0xFFFFFFFF  }
0xb7: {  	_ =	strace $0x90000048  }
0xb8: {  	_ =	sfence  }
0xb9: {  	s30 =	sld [smem:$0x0];
	_ =	sdelay $0x2  }
0xba: {  	s31 =	sshll.u32 s1, $0xD;
	s1 =	sshrl.u32 s1, $0x2  }
0xbb: {  	s3 =	sand.u32 $0x4000, s31;
	s1 =	sadd.s32 s1, s30  }
0xbc: {  	s0 =	sor.u32 s3, s0;
	s1 =	sshll.u32 s1, $0x11  }
0xbd: {  	s0 =	sor.u32 s1, s0  }
0xbe: {  	s0 =	sadd.s32 $0x8F2B, s0  }
0xbf: {  	[sflag:s0] =	ssyncadd.remote.s32 $0x1  }
0xc0: {  	_ =	sfence.sel $0xFFFF  }
0xc1: {  	[dreg:$0x0] =	wrdreg $0xFFFFFFFF;
	(pc) =	sbr.abs _section_cstart, $3  }
0xc2: {  	[dreg:$0x1] =	wrdreg $0xFFFFFFFF  }
0xc3: {  	_ =	task.clear_ibuf [dreg:s7], $0x2FFFF;
	_ =	strace $0x9FFFFFFF  }
0xc4: {  	(tm) =	ssettm $0x7FFFFFFF  }
0xc5: {  	_ =	shalt  }
tec
execute0_lowered:
.L_overlay_start_1:
0x0: {  	(tag) =	ssettag $0x1  }
0x1: {  	s1 =	rddreg [dreg:$0x0]  }
0x2: {  	s2 =	rddreg [dreg:$0x1];
	s3 =	srdreg.scid  }
0x3: {  	s0 =	rddreg [dreg:$0x2];
	s10 =	stileid.u32  }
0x4: {  	s18 =	rddreg [dreg:$0x3];
	s4 =	simm.s32 $0x0;
	s16 =	simm.s32 $0x100  }
0x5: {  	s19 =	simm.s32 $0x180;
	s20 =	simm.s32 $0x200;
	s22 =	simm.s32 $0x280  }
0x6: {  	s28 =	simm.s32 $0x880;
	s29 =	simm.s32 $0x900;
	s30 =	simm.s32 $0x980  }
0x7: {  	s31 =	simm.s32 $0xA00;
	s3 =	sand.u32 $0x1, s3;
	s6 =	smul.u32 $0x5000, s10  }
0x8: {  	s23 =	smul.u32 $0x2800, s10;
	[smem:$0x7FF] =	sst s4;
	s8 =	sadd.s32 $0x23200, s1  }
0x9: {  	s25 =	sadd.s32 $0x22A00, s1;
	_ =	strace $0x80000047;
	[dreg:$0xe] =	wrdreg s8  }
0xa: {  	s24 =	smul.u32 $0x50000, s10;
	s15 =	sshll.u32 s10, $0x7;
	[dreg:$0xf] =	wrdreg s25  }
0xb: {  	p0 =	sne.s32 s10, $0x0;
	s5 =	smul.u32 $0x50000, s3;
	[dreg:$0x6] =	wrdreg s16  }
0xc: {  	s10 =	simm.s32 $0xD80;
	s7 =	smul.u32 $0x28000, s3;
	[dreg:$0x7] =	wrdreg s19  }
0xd: {  	s26 =	ssub.s32 $0x2, s3;
	s3 =	sshll.u32 s3, $0xA;
	[dreg:$0x8] =	wrdreg s20  }
0xe: {  	s2 =	sadd.s32 s2, s15;
	[dreg:$0x9] =	wrdreg s22;
	s16 =	simm.s32 $0x1400  }
0xf: {  	s25 =	simm.s32 $0x400;
	s19 =	simm.s32 $0x80;
	s22 =	simm.s32 $0x600  }
0x10: {  	s8 =	simm.s32 $0xC80;
	s15 =	simm.s32 $0x1;
	[dreg:$0x15] =	wrdreg s2  }
0x11: {  	s20 =	simm.s32 $0x0;
	s9 =	sshrl.u32 s26, $0x1;
	[dreg:$0xc] =	wrdreg s25  }
0x12: {  	s25 =	simm.s32 $0x780;
	s2 =	simm.s32 $0xB00;
	s5 =	sadd.s32 s6, s5  }
0x13: {  	s6 =	sadd.s32 s23, s7;
	s7 =	sshrl.u32 s24, $0x2;
	s9 =	ssub.s32 s26, s9  }
0x14: {  	s23 =	simm.s32 $0x300;
	s24 =	simm.s32 $0x380;
	s26 =	simm.s32 $0x480  }
0x15: {  	s5 =	sshrl.u32 s5, $0x3;
	s6 =	sadd.s32 s6, s1;
	[dreg:$0xa] =	wrdreg s23  }
0x16: {  	s11 =	sadd.s32 s7, s0;
	s21 =	smax.u32 s9, $0x1;
	[dreg:$0xb] =	wrdreg s24  }
0x17: {  	[dreg:$0xd] =	wrdreg s26;
	s23 =	simm.s32 $0x680;
	s24 =	simm.s32 $0x700  }
0x18: {  	s26 =	simm.s32 $0x800;
	s9 =	simm.s32 $0xD00;
	[dreg:$0x10] =	wrdreg s11  }
0x19: {  	s5 =	sadd.s32 s5, s1;
	s7 =	sadd.s32 $0x4000, s11;
	[dreg:$0x18] =	wrdreg s21  }
0x1a: {  	s1 =	sadd.s32 s3, s1;
	s12 =	sadd.s32 $0x8000, s11;
	[dreg:$0x11] =	wrdreg s7  }
0x1b: {  	s13 =	sadd.s32 $0xC000, s11;
	s14 =	sadd.s32 $0x10000, s11;
	[dreg:$0x12] =	wrdreg s12  }
0x1c: {  	s17 =	sadd.s32 $0x23A00, s6;
	s21 =	simm.s32 $0x580;
	[dreg:$0x13] =	wrdreg s13  }
0x1d: {  	s6 =	simm.s32 $0xC00;
	s11 =	simm.s32 $0xE00;
	[dreg:$0x14] =	wrdreg s14  }
0x1e: {  	s5 =	sadd.s32 $0xEA00, s5;
	[dreg:$0x16] =	wrdreg s17;
	s1 =	sadd.s32 $0x73A00, s1  }
0x1f: {  	s17 =	simm.s32 $0x2;
	s7 =	simm.s32 $0x1000;
	s12 =	simm.s32 $0xE80  }
0x20: {  	s13 =	simm.s32 $0xF00;
	s14 =	simm.s32 $0xF80;
	[dreg:$0x5] =	wrdreg s5  }
0x21: {  	[dreg:$0x17] =	wrdreg s1;
	s1 =	simm.s32 $0xA80;
	s5 =	simm.s32 $0xB80  }
.LBB2_1:
0x22: {  	[dreg:$0x19] =	wrdreg s20  }
0x23: {  	s3 =	rddreg [dreg:$0xf]  }
0x24: {  	[tilespmem:s16], [sflag:$0x2] =	stream.linear.gather [hbm4b:s3+s4], $0x4000, $0x38;
	[tilespmem:$0x19600] =	vst v63  }
0x25: {  	_ =	swait.ge [sflag:s17], $0x4000  }
0x26: {  	[sflag:s17] =	ssyncset.done $0x0  }
0x27: {  	s20 =	rddreg [dreg:$0x10];
	[sflag:s17] =	ssyncadd.s32 $0xFFFFC000  }
0x28: {  	[spmem:s20] =	stream.linear.scatter [tilespmem:s16], [sflag:$0x2], $0x4000, $0x38;
	[tilespmem:$0x19600] =	vst v63  }
0x29: {  	_ =	swait.ge [sflag:s17], $0x4000  }
0x2a: {  	[sflag:s17] =	ssyncset.done $0x0  }
0x2b: {  	s20 =	rddreg [dreg:$0x11];
	[sflag:s17] =	ssyncadd.s32 $0xFFFFC000  }
0x2c: {  	[spmem:s20] =	stream.linear.scatter [tilespmem:s16], [sflag:$0x2], $0x4000, $0x38;
	[tilespmem:$0x19600] =	vst v63  }
0x2d: {  	_ =	swait.ge [sflag:s17], $0x4000  }
0x2e: {  	[sflag:s17] =	ssyncset.done $0x0  }
0x2f: {  	s20 =	rddreg [dreg:$0x12];
	[sflag:s17] =	ssyncadd.s32 $0xFFFFC000  }
0x30: {  	[spmem:s20] =	stream.linear.scatter [tilespmem:s16], [sflag:$0x2], $0x4000, $0x38;
	[tilespmem:$0x19600] =	vst v63  }
0x31: {  	_ =	swait.ge [sflag:s17], $0x4000  }
0x32: {  	[sflag:s17] =	ssyncset.done $0x0  }
0x33: {  	s20 =	rddreg [dreg:$0x13];
	[sflag:s17] =	ssyncadd.s32 $0xFFFFC000  }
0x34: {  	[spmem:s20] =	stream.linear.scatter [tilespmem:s16], [sflag:$0x2], $0x4000, $0x38;
	[tilespmem:$0x19600] =	vst v63  }
0x35: {  	_ =	swait.ge [sflag:s17], $0x4000  }
0x36: {  	[sflag:s17] =	ssyncset.done $0x0  }
0x37: {  	s20 =	rddreg [dreg:$0x14];
	[sflag:s17] =	ssyncadd.s32 $0xFFFFC000  }
0x38: {  	[spmem:s20] =	stream.linear.scatter [tilespmem:s16], [sflag:$0x2], $0x4000, $0x38;
	[tilespmem:$0x19600] =	vst v63  }
0x39: {  	_ =	swait.ge [sflag:s17], $0x4000  }
0x3a: {  	[sflag:s17] =	ssyncset.done $0x0  }
0x3b: {  	s3 =	simm.s32 @!p0 $0x1400;
	[sflag:s17] =	ssyncadd.s32 $0xFFFFC000  }
0x3c: {  	[spmem:s18] =	stream.linear.scatter @!p0 [tilespmem:s3], [sflag:$0x2], $0x2000, $0x38;
	[tilespmem:$0x19600] =	vst v63  }
0x3d: {  	s3 =	simm.s32 @!p0 $0x2  }
0x3e: {  	_ =	swait.ge @!p0 [sflag:s3], $0x2000  }
0x3f: {  	[sflag:s3] =	ssyncset.done @!p0 $0x0  }
0x40: {  	[sflag:s3] =	ssyncadd.s32 @!p0 $0xFFFFE000  }
0x41: {  	[bflag:$0x0] =	sbarrier.arrive $0xFFFF  }
0x42: {  	s20 =	rddreg [dreg:$0xe]  }
0x43: {  	[tilespmem:s16], [sflag:$0x2] =	stream.linear.gather [hbm4b:s20+s4], $0x4000, $0x38;
	[tilespmem:$0x19600] =	vst v63  }
0x44: {  	_ =	swait.ge [sflag:s17], $0x4000  }
0x45: {  	[sflag:s17] =	ssyncset.done $0x0  }
0x46: {  	s18 =	rddreg [dreg:$0x15];
	[sflag:s17] =	ssyncadd.s32 $0xFFFFC000  }
0x47: {  	[tilespmem:s7], [sflag:$0x2] =	stream.linear.gather [hbm4b:s18+s4], $0x280, $0x38;
	[tilespmem:$0x19600] =	vst v63  }
0x48: {  	_ =	swait.ge [sflag:s17], $0x280  }
0x49: {  	s20 =	rddreg [dreg:$0x5];
	[sflag:s17] =	ssyncset.done $0x0  }
0x4a: {  	[sflag:s17] =	ssyncadd.s32 $0xFFFFFD80;
	s3 =	sadd.s32 $0x0, s20  }
0x4b: {  	[tilespmem:s4], [sflag:$0x2] =	stream.linear.gather [hbm4b:s3+s4], $0x1000, $0x38;
	[tilespmem:$0x19600] =	vst v63  }
0x4c: {  	_ =	swait.ge [sflag:s17], $0x1000  }
0x4d: {  	[sflag:s17] =	ssyncset.done $0x0  }
0x4e: {  	[sflag:s17] =	ssyncadd.s32 $0xFFFFF000  }
0x4f: {  	[spmem:s0] =	stream.indirect.scatter.add.f32 [tilespmem:s16], [sflag:$0x1], $0x80, s4, s19, $0xb8;
	[tilespmem:$0x19600] =	vst v63  }
0x50: {  	_ = 	snop  }
0x51: {  	[spmem:s0] =	stream.indirect.scatter.add.f32 [tilespmem:s16], [sflag:$0x1], $0x80, s19, s19, $0xb8;
	[tilespmem:$0x19600] =	vst v63  }
0x52: {  	s7 =	rddreg [dreg:$0x6]  }
0x53: {  	[spmem:s0] =	stream.indirect.scatter.add.f32 [tilespmem:s16], [sflag:$0x1], $0x80, s7, s19, $0xb8;
	[tilespmem:$0x19600] =	vst v63  }
0x54: {  	s18 =	rddreg [dreg:$0x7]  }
0x55: {  	[spmem:s0] =	stream.indirect.scatter.add.f32 [tilespmem:s16], [sflag:$0x1], $0x80, s18, s19, $0xb8;
	[tilespmem:$0x19600] =	vst v63  }
0x56: {  	s20 =	rddreg [dreg:$0x8]  }
0x57: {  	[spmem:s0] =	stream.indirect.scatter.add.f32 [tilespmem:s16], [sflag:$0x1], $0x80, s20, s19, $0xb8;
	[tilespmem:$0x19600] =	vst v63  }
0x58: {  	s18 =	rddreg [dreg:$0x9]  }
0x59: {  	[spmem:s0] =	stream.indirect.scatter.add.f32 [tilespmem:s16], [sflag:$0x1], $0x80, s18, s19, $0xb8;
	[tilespmem:$0x19600] =	vst v63  }
0x5a: {  	s20 =	rddreg [dreg:$0xa]  }
0x5b: {  	[spmem:s0] =	stream.indirect.scatter.add.f32 [tilespmem:s16], [sflag:$0x1], $0x80, s20, s19, $0xb8;
	[tilespmem:$0x19600] =	vst v63  }
0x5c: {  	s18 =	rddreg [dreg:$0xb]  }
0x5d: {  	[spmem:s0] =	stream.indirect.scatter.add.f32 [tilespmem:s16], [sflag:$0x1], $0x80, s18, s19, $0xb8;
	[tilespmem:$0x19600] =	vst v63  }
0x5e: {  	s20 =	rddreg [dreg:$0xc]  }
0x5f: {  	[spmem:s0] =	stream.indirect.scatter.add.f32 [tilespmem:s16], [sflag:$0x1], $0x80, s20, s19, $0xb8;
	[tilespmem:$0x19600] =	vst v63  }
0x60: {  	s18 =	rddreg [dreg:$0xd]  }
0x61: {  	[spmem:s0] =	stream.indirect.scatter.add.f32 [tilespmem:s16], [sflag:$0x1], $0x80, s18, s19, $0xb8;
	[tilespmem:$0x19600] =	vst v63  }
0x62: {  	s20 =	simm.s32 $0x500  }
0x63: {  	[spmem:s0] =	stream.indirect.scatter.add.f32 [tilespmem:s16], [sflag:$0x1], $0x80, s20, s19, $0xb8;
	[tilespmem:$0x19600] =	vst v63  }
0x64: {  	_ = 	snop  }
0x65: {  	[spmem:s0] =	stream.indirect.scatter.add.f32 [tilespmem:s16], [sflag:$0x1], $0x80, s21, s19, $0xb8;
	[tilespmem:$0x19600] =	vst v63  }
0x66: {  	_ = 	snop  }
0x67: {  	[spmem:s0] =	stream.indirect.scatter.add.f32 [tilespmem:s16], [sflag:$0x1], $0x80, s22, s19, $0xb8;
	[tilespmem:$0x19600] =	vst v63  }
0x68: {  	_ = 	snop  }
0x69: {  	[spmem:s0] =	stream.indirect.scatter.add.f32 [tilespmem:s16], [sflag:$0x1], $0x80, s23, s19, $0xb8;
	[tilespmem:$0x19600] =	vst v63  }
0x6a: {  	_ = 	snop  }
0x6b: {  	[spmem:s0] =	stream.indirect.scatter.add.f32 [tilespmem:s16], [sflag:$0x1], $0x80, s24, s19, $0xb8;
	[tilespmem:$0x19600] =	vst v63  }
0x6c: {  	_ = 	snop  }
0x6d: {  	[spmem:s0] =	stream.indirect.scatter.add.f32 [tilespmem:s16], [sflag:$0x1], $0x80, s25, s19, $0xb8;
	[tilespmem:$0x19600] =	vst v63  }
0x6e: {  	_ = 	snop  }
0x6f: {  	[spmem:s0] =	stream.indirect.scatter.add.f32 [tilespmem:s16], [sflag:$0x1], $0x80, s26, s19, $0xb8;
	[tilespmem:$0x19600] =	vst v63  }
0x70: {  	_ = 	snop  }
0x71: {  	[spmem:s0] =	stream.indirect.scatter.add.f32 [tilespmem:s16], [sflag:$0x1], $0x80, s28, s19, $0xb8;
	[tilespmem:$0x19600] =	vst v63  }
0x72: {  	_ = 	snop  }
0x73: {  	[spmem:s0] =	stream.indirect.scatter.add.f32 [tilespmem:s16], [sflag:$0x1], $0x80, s29, s19, $0xb8;
	[tilespmem:$0x19600] =	vst v63  }
0x74: {  	_ = 	snop  }
0x75: {  	[spmem:s0] =	stream.indirect.scatter.add.f32 [tilespmem:s16], [sflag:$0x1], $0x80, s30, s19, $0xb8;
	[tilespmem:$0x19600] =	vst v63  }
0x76: {  	_ = 	snop  }
0x77: {  	[spmem:s0] =	stream.indirect.scatter.add.f32 [tilespmem:s16], [sflag:$0x1], $0x80, s31, s19, $0xb8;
	[tilespmem:$0x19600] =	vst v63  }
0x78: {  	_ = 	snop  }
0x79: {  	[spmem:s0] =	stream.indirect.scatter.add.f32 [tilespmem:s16], [sflag:$0x1], $0x80, s1, s19, $0xb8;
	[tilespmem:$0x19600] =	vst v63  }
0x7a: {  	_ = 	snop  }
0x7b: {  	[spmem:s0] =	stream.indirect.scatter.add.f32 [tilespmem:s16], [sflag:$0x1], $0x80, s2, s19, $0xb8;
	[tilespmem:$0x19600] =	vst v63  }
0x7c: {  	_ = 	snop  }
0x7d: {  	[spmem:s0] =	stream.indirect.scatter.add.f32 [tilespmem:s16], [sflag:$0x1], $0x80, s5, s19, $0xb8;
	[tilespmem:$0x19600] =	vst v63  }
0x7e: {  	_ = 	snop  }
0x7f: {  	[spmem:s0] =	stream.indirect.scatter.add.f32 [tilespmem:s16], [sflag:$0x1], $0x80, s6, s19, $0xb8;
	[tilespmem:$0x19600] =	vst v63  }
0x80: {  	_ = 	snop  }
0x81: {  	[spmem:s0] =	stream.indirect.scatter.add.f32 [tilespmem:s16], [sflag:$0x1], $0x80, s8, s19, $0xb8;
	[tilespmem:$0x19600] =	vst v63  }
0x82: {  	_ = 	snop  }
0x83: {  	[spmem:s0] =	stream.indirect.scatter.add.f32 [tilespmem:s16], [sflag:$0x1], $0x80, s9, s19, $0xb8;
	[tilespmem:$0x19600] =	vst v63  }
0x84: {  	_ = 	snop  }
0x85: {  	[spmem:s0] =	stream.indirect.scatter.add.f32 [tilespmem:s16], [sflag:$0x1], $0x80, s10, s19, $0xb8;
	[tilespmem:$0x19600] =	vst v63  }
0x86: {  	_ = 	snop  }
0x87: {  	[spmem:s0] =	stream.indirect.scatter.add.f32 [tilespmem:s16], [sflag:$0x1], $0x80, s11, s19, $0xb8;
	[tilespmem:$0x19600] =	vst v63  }
0x88: {  	_ = 	snop  }
0x89: {  	[spmem:s0] =	stream.indirect.scatter.add.f32 [tilespmem:s16], [sflag:$0x1], $0x80, s12, s19, $0xb8;
	[tilespmem:$0x19600] =	vst v63  }
0x8a: {  	_ = 	snop  }
0x8b: {  	[spmem:s0] =	stream.indirect.scatter.add.f32 [tilespmem:s16], [sflag:$0x1], $0x80, s13, s19, $0xb8;
	[tilespmem:$0x19600] =	vst v63  }
0x8c: {  	_ = 	snop  }
0x8d: {  	[spmem:s0] =	stream.indirect.scatter.add.f32 [tilespmem:s16], [sflag:$0x1], $0x80, s14, s19, $0xb8;
	[tilespmem:$0x19600] =	vst v63  }
0x8e: {  	_ =	swait.ge [sflag:s15], $0x4000  }
0x8f: {  	[sflag:s15] =	ssyncset.done $0x0  }
0x90: {  	[sflag:s15] =	ssyncadd.s32 $0xFFFFC000  }
0x91: {  	_ =	swait.ge [sflag:s15], $0x4000  }
0x92: {  	[sflag:s15] =	ssyncset.done $0x0  }
0x93: {  	[sflag:s15] =	ssyncadd.s32 $0xFFFFC000  }
0x94: {  	_ =	swait.ge [sflag:s15], $0x4000  }
0x95: {  	[sflag:s15] =	ssyncset.done $0x0  }
0x96: {  	[sflag:s15] =	ssyncadd.s32 $0xFFFFC000  }
0x97: {  	_ =	swait.ge [sflag:s15], $0x4000  }
0x98: {  	[sflag:s15] =	ssyncset.done $0x0  }
0x99: {  	[sflag:s15] =	ssyncadd.s32 $0xFFFFC000  }
0x9a: {  	_ =	swait.ge [sflag:s15], $0x4000  }
0x9b: {  	[sflag:s15] =	ssyncset.done $0x0  }
0x9c: {  	[sflag:s15] =	ssyncadd.s32 $0xFFFFC000  }
0x9d: {  	_ =	swait.ge [sflag:s15], $0x4000  }
0x9e: {  	[sflag:s15] =	ssyncset.done $0x0  }
0x9f: {  	[sflag:s15] =	ssyncadd.s32 $0xFFFFC000  }
0xa0: {  	_ =	swait.ge [sflag:s15], $0x4000  }
0xa1: {  	[sflag:s15] =	ssyncset.done $0x0  }
0xa2: {  	[sflag:s15] =	ssyncadd.s32 $0xFFFFC000  }
0xa3: {  	_ =	swait.ge [sflag:s15], $0x4000  }
0xa4: {  	[sflag:s15] =	ssyncset.done $0x0  }
0xa5: {  	[sflag:s15] =	ssyncadd.s32 $0xFFFFC000  }
0xa6: {  	_ =	swait.ge [sflag:s15], $0x4000  }
0xa7: {  	[sflag:s15] =	ssyncset.done $0x0  }
0xa8: {  	[sflag:s15] =	ssyncadd.s32 $0xFFFFC000  }
0xa9: {  	_ =	swait.ge [sflag:s15], $0x4000  }
0xaa: {  	[sflag:s15] =	ssyncset.done $0x0  }
0xab: {  	[sflag:s15] =	ssyncadd.s32 $0xFFFFC000  }
0xac: {  	_ =	swait.ge [sflag:s15], $0x4000  }
0xad: {  	[sflag:s15] =	ssyncset.done $0x0  }
0xae: {  	[sflag:s15] =	ssyncadd.s32 $0xFFFFC000  }
0xaf: {  	_ =	swait.ge [sflag:s15], $0x4000  }
0xb0: {  	[sflag:s15] =	ssyncset.done $0x0  }
0xb1: {  	[sflag:s15] =	ssyncadd.s32 $0xFFFFC000  }
0xb2: {  	_ =	swait.ge [sflag:s15], $0x4000  }
0xb3: {  	[sflag:s15] =	ssyncset.done $0x0  }
0xb4: {  	[sflag:s15] =	ssyncadd.s32 $0xFFFFC000  }
0xb5: {  	_ =	swait.ge [sflag:s15], $0x4000  }
0xb6: {  	[sflag:s15] =	ssyncset.done $0x0  }
0xb7: {  	[sflag:s15] =	ssyncadd.s32 $0xFFFFC000  }
0xb8: {  	_ =	swait.ge [sflag:s15], $0x4000  }
0xb9: {  	[sflag:s15] =	ssyncset.done $0x0  }
0xba: {  	[sflag:s15] =	ssyncadd.s32 $0xFFFFC000  }
0xbb: {  	_ =	swait.ge [sflag:s15], $0x4000  }
0xbc: {  	[sflag:s15] =	ssyncset.done $0x0  }
0xbd: {  	[sflag:s15] =	ssyncadd.s32 $0xFFFFC000  }
0xbe: {  	_ =	swait.ge [sflag:s15], $0x4000  }
0xbf: {  	[sflag:s15] =	ssyncset.done $0x0  }
0xc0: {  	[sflag:s15] =	ssyncadd.s32 $0xFFFFC000  }
0xc1: {  	_ =	swait.ge [sflag:s15], $0x4000  }
0xc2: {  	[sflag:s15] =	ssyncset.done $0x0  }
0xc3: {  	[sflag:s15] =	ssyncadd.s32 $0xFFFFC000  }
0xc4: {  	_ =	swait.ge [sflag:s15], $0x4000  }
0xc5: {  	[sflag:s15] =	ssyncset.done $0x0  }
0xc6: {  	[sflag:s15] =	ssyncadd.s32 $0xFFFFC000  }
0xc7: {  	_ =	swait.ge [sflag:s15], $0x4000  }
0xc8: {  	[sflag:s15] =	ssyncset.done $0x0  }
0xc9: {  	[sflag:s15] =	ssyncadd.s32 $0xFFFFC000  }
0xca: {  	_ =	swait.ge [sflag:s15], $0x4000  }
0xcb: {  	[sflag:s15] =	ssyncset.done $0x0  }
0xcc: {  	[sflag:s15] =	ssyncadd.s32 $0xFFFFC000  }
0xcd: {  	_ =	swait.ge [sflag:s15], $0x4000  }
0xce: {  	[sflag:s15] =	ssyncset.done $0x0  }
0xcf: {  	[sflag:s15] =	ssyncadd.s32 $0xFFFFC000  }
0xd0: {  	_ =	swait.ge [sflag:s15], $0x4000  }
0xd1: {  	[sflag:s15] =	ssyncset.done $0x0  }
0xd2: {  	[sflag:s15] =	ssyncadd.s32 $0xFFFFC000  }
0xd3: {  	_ =	swait.ge [sflag:s15], $0x4000  }
0xd4: {  	[sflag:s15] =	ssyncset.done $0x0  }
0xd5: {  	[sflag:s15] =	ssyncadd.s32 $0xFFFFC000  }
0xd6: {  	_ =	swait.ge [sflag:s15], $0x4000  }
0xd7: {  	[sflag:s15] =	ssyncset.done $0x0  }
0xd8: {  	[sflag:s15] =	ssyncadd.s32 $0xFFFFC000  }
0xd9: {  	_ =	swait.ge [sflag:s15], $0x4000  }
0xda: {  	[sflag:s15] =	ssyncset.done $0x0  }
0xdb: {  	[sflag:s15] =	ssyncadd.s32 $0xFFFFC000  }
0xdc: {  	_ =	swait.ge [sflag:s15], $0x4000  }
0xdd: {  	[sflag:s15] =	ssyncset.done $0x0  }
0xde: {  	[sflag:s15] =	ssyncadd.s32 $0xFFFFC000  }
0xdf: {  	_ =	swait.ge [sflag:s15], $0x4000  }
0xe0: {  	[sflag:s15] =	ssyncset.done $0x0  }
0xe1: {  	[sflag:s15] =	ssyncadd.s32 $0xFFFFC000  }
0xe2: {  	_ =	swait.ge [sflag:s15], $0x4000  }
0xe3: {  	[sflag:s15] =	ssyncset.done $0x0  }
0xe4: {  	[sflag:s15] =	ssyncadd.s32 $0xFFFFC000  }
0xe5: {  	_ =	swait.ge [sflag:s15], $0x4000  }
0xe6: {  	[sflag:s15] =	ssyncset.done $0x0  }
0xe7: {  	[sflag:s15] =	ssyncadd.s32 $0xFFFFC000  }
0xe8: {  	_ =	swait.ge [sflag:s15], $0x4000  }
0xe9: {  	[sflag:s15] =	ssyncset.done $0x0  }
0xea: {  	[sflag:s15] =	ssyncadd.s32 $0xFFFFC000  }
0xeb: {  	s3 =	simm.s32 $0x400;
	_ =	swait.ge [sflag:s15], $0x4000  }
0xec: {  	s7 =	simm.s32 $0x200;
	s18 =	rddreg [dreg:$0x5];
	[sflag:s15] =	ssyncset.done $0x0  }
.LBB2_2:
0xed: {  	[sflag:s15] =	ssyncadd.s32 $0xFFFFC000;
	s18 =	sadd.s32 s7, s18  }
0xee: {  	[tilespmem:s4], [sflag:$0x2] =	stream.linear.gather [hbm4b:s18+s4], $0x1000, $0x38;
	[tilespmem:$0x19600] =	vst v63  }
0xef: {  	_ =	swait.ge [sflag:s17], $0x1000  }
0xf0: {  	[sflag:s17] =	ssyncset.done $0x0  }
0xf1: {  	[sflag:s17] =	ssyncadd.s32 $0xFFFFF000  }
0xf2: {  	[spmem:s0] =	stream.indirect.scatter.add.f32 [tilespmem:s16], [sflag:$0x1], $0x80, s4, s19, $0xb8;
	[tilespmem:$0x19600] =	vst v63  }
0xf3: {  	_ = 	snop  }
0xf4: {  	[spmem:s0] =	stream.indirect.scatter.add.f32 [tilespmem:s16], [sflag:$0x1], $0x80, s19, s19, $0xb8;
	[tilespmem:$0x19600] =	vst v63  }
0xf5: {  	s20 =	smov.u32 s3;
	s18 =	rddreg [dreg:$0x6]  }
0xf6: {  	[spmem:s0] =	stream.indirect.scatter.add.f32 [tilespmem:s16], [sflag:$0x1], $0x80, s18, s19, $0xb8;
	[tilespmem:$0x19600] =	vst v63  }
0xf7: {  	s7 =	smov.u32 s20;
	s20 =	rddreg [dreg:$0x7]  }
0xf8: {  	[spmem:s0] =	stream.indirect.scatter.add.f32 [tilespmem:s16], [sflag:$0x1], $0x80, s20, s19, $0xb8;
	[tilespmem:$0x19600] =	vst v63  }
0xf9: {  	s18 =	rddreg [dreg:$0x8]  }
0xfa: {  	[spmem:s0] =	stream.indirect.scatter.add.f32 [tilespmem:s16], [sflag:$0x1], $0x80, s18, s19, $0xb8;
	[tilespmem:$0x19600] =	vst v63  }
0xfb: {  	s20 =	rddreg [dreg:$0x9]  }
0xfc: {  	[spmem:s0] =	stream.indirect.scatter.add.f32 [tilespmem:s16], [sflag:$0x1], $0x80, s20, s19, $0xb8;
	[tilespmem:$0x19600] =	vst v63  }
0xfd: {  	s18 =	rddreg [dreg:$0xa]  }
0xfe: {  	[spmem:s0] =	stream.indirect.scatter.add.f32 [tilespmem:s16], [sflag:$0x1], $0x80, s18, s19, $0xb8;
	[tilespmem:$0x19600] =	vst v63  }
0xff: {  	s20 =	rddreg [dreg:$0xb]  }
0x100: {  	[spmem:s0] =	stream.indirect.scatter.add.f32 [tilespmem:s16], [sflag:$0x1], $0x80, s20, s19, $0xb8;
	[tilespmem:$0x19600] =	vst v63  }
0x101: {  	s18 =	rddreg [dreg:$0xc]  }
0x102: {  	[spmem:s0] =	stream.indirect.scatter.add.f32 [tilespmem:s16], [sflag:$0x1], $0x80, s18, s19, $0xb8;
	[tilespmem:$0x19600] =	vst v63  }
0x103: {  	s20 =	rddreg [dreg:$0xd]  }
0x104: {  	[spmem:s0] =	stream.indirect.scatter.add.f32 [tilespmem:s16], [sflag:$0x1], $0x80, s20, s19, $0xb8;
	[tilespmem:$0x19600] =	vst v63  }
0x105: {  	s20 =	simm.s32 $0x500  }
0x106: {  	[spmem:s0] =	stream.indirect.scatter.add.f32 [tilespmem:s16], [sflag:$0x1], $0x80, s20, s19, $0xb8;
	[tilespmem:$0x19600] =	vst v63  }
0x107: {  	_ = 	snop  }
0x108: {  	[spmem:s0] =	stream.indirect.scatter.add.f32 [tilespmem:s16], [sflag:$0x1], $0x80, s21, s19, $0xb8;
	[tilespmem:$0x19600] =	vst v63  }
0x109: {  	_ = 	snop  }
0x10a: {  	[spmem:s0] =	stream.indirect.scatter.add.f32 [tilespmem:s16], [sflag:$0x1], $0x80, s22, s19, $0xb8;
	[tilespmem:$0x19600] =	vst v63  }
0x10b: {  	_ = 	snop  }
0x10c: {  	[spmem:s0] =	stream.indirect.scatter.add.f32 [tilespmem:s16], [sflag:$0x1], $0x80, s23, s19, $0xb8;
	[tilespmem:$0x19600] =	vst v63  }
0x10d: {  	_ = 	snop  }
0x10e: {  	[spmem:s0] =	stream.indirect.scatter.add.f32 [tilespmem:s16], [sflag:$0x1], $0x80, s24, s19, $0xb8;
	[tilespmem:$0x19600] =	vst v63  }
0x10f: {  	_ = 	snop  }
0x110: {  	[spmem:s0] =	stream.indirect.scatter.add.f32 [tilespmem:s16], [sflag:$0x1], $0x80, s25, s19, $0xb8;
	[tilespmem:$0x19600] =	vst v63  }
0x111: {  	_ = 	snop  }
0x112: {  	[spmem:s0] =	stream.indirect.scatter.add.f32 [tilespmem:s16], [sflag:$0x1], $0x80, s26, s19, $0xb8;
	[tilespmem:$0x19600] =	vst v63  }
0x113: {  	_ = 	snop  }
0x114: {  	[spmem:s0] =	stream.indirect.scatter.add.f32 [tilespmem:s16], [sflag:$0x1], $0x80, s28, s19, $0xb8;
	[tilespmem:$0x19600] =	vst v63  }
0x115: {  	_ = 	snop  }
0x116: {  	[spmem:s0] =	stream.indirect.scatter.add.f32 [tilespmem:s16], [sflag:$0x1], $0x80, s29, s19, $0xb8;
	[tilespmem:$0x19600] =	vst v63  }
0x117: {  	_ = 	snop  }
0x118: {  	[spmem:s0] =	stream.indirect.scatter.add.f32 [tilespmem:s16], [sflag:$0x1], $0x80, s30, s19, $0xb8;
	[tilespmem:$0x19600] =	vst v63  }
0x119: {  	_ = 	snop  }
0x11a: {  	[spmem:s0] =	stream.indirect.scatter.add.f32 [tilespmem:s16], [sflag:$0x1], $0x80, s31, s19, $0xb8;
	[tilespmem:$0x19600] =	vst v63  }
0x11b: {  	_ = 	snop  }
0x11c: {  	[spmem:s0] =	stream.indirect.scatter.add.f32 [tilespmem:s16], [sflag:$0x1], $0x80, s1, s19, $0xb8;
	[tilespmem:$0x19600] =	vst v63  }
0x11d: {  	_ = 	snop  }
0x11e: {  	[spmem:s0] =	stream.indirect.scatter.add.f32 [tilespmem:s16], [sflag:$0x1], $0x80, s2, s19, $0xb8;
	[tilespmem:$0x19600] =	vst v63  }
0x11f: {  	_ = 	snop  }
0x120: {  	[spmem:s0] =	stream.indirect.scatter.add.f32 [tilespmem:s16], [sflag:$0x1], $0x80, s5, s19, $0xb8;
	[tilespmem:$0x19600] =	vst v63  }
0x121: {  	_ = 	snop  }
0x122: {  	[spmem:s0] =	stream.indirect.scatter.add.f32 [tilespmem:s16], [sflag:$0x1], $0x80, s6, s19, $0xb8;
	[tilespmem:$0x19600] =	vst v63  }
0x123: {  	_ = 	snop  }
0x124: {  	[spmem:s0] =	stream.indirect.scatter.add.f32 [tilespmem:s16], [sflag:$0x1], $0x80, s8, s19, $0xb8;
	[tilespmem:$0x19600] =	vst v63  }
0x125: {  	_ = 	snop  }
0x126: {  	[spmem:s0] =	stream.indirect.scatter.add.f32 [tilespmem:s16], [sflag:$0x1], $0x80, s9, s19, $0xb8;
	[tilespmem:$0x19600] =	vst v63  }
0x127: {  	_ = 	snop  }
0x128: {  	[spmem:s0] =	stream.indirect.scatter.add.f32 [tilespmem:s16], [sflag:$0x1], $0x80, s10, s19, $0xb8;
	[tilespmem:$0x19600] =	vst v63  }
0x129: {  	_ = 	snop  }
0x12a: {  	[spmem:s0] =	stream.indirect.scatter.add.f32 [tilespmem:s16], [sflag:$0x1], $0x80, s11, s19, $0xb8;
	[tilespmem:$0x19600] =	vst v63  }
0x12b: {  	_ = 	snop  }
0x12c: {  	[spmem:s0] =	stream.indirect.scatter.add.f32 [tilespmem:s16], [sflag:$0x1], $0x80, s12, s19, $0xb8;
	[tilespmem:$0x19600] =	vst v63  }
0x12d: {  	_ = 	snop  }
0x12e: {  	[spmem:s0] =	stream.indirect.scatter.add.f32 [tilespmem:s16], [sflag:$0x1], $0x80, s13, s19, $0xb8;
	[tilespmem:$0x19600] =	vst v63  }
0x12f: {  	_ = 	snop  }
0x130: {  	[spmem:s0] =	stream.indirect.scatter.add.f32 [tilespmem:s16], [sflag:$0x1], $0x80, s14, s19, $0xb8;
	[tilespmem:$0x19600] =	vst v63  }
0x131: {  	_ =	swait.ge [sflag:s15], $0x4000  }
0x132: {  	[sflag:s15] =	ssyncset.done $0x0  }
0x133: {  	[sflag:s15] =	ssyncadd.s32 $0xFFFFC000  }
0x134: {  	_ =	swait.ge [sflag:s15], $0x4000  }
0x135: {  	[sflag:s15] =	ssyncset.done $0x0  }
0x136: {  	[sflag:s15] =	ssyncadd.s32 $0xFFFFC000  }
0x137: {  	_ =	swait.ge [sflag:s15], $0x4000  }
0x138: {  	[sflag:s15] =	ssyncset.done $0x0  }
0x139: {  	[sflag:s15] =	ssyncadd.s32 $0xFFFFC000  }
0x13a: {  	_ =	swait.ge [sflag:s15], $0x4000  }
0x13b: {  	[sflag:s15] =	ssyncset.done $0x0  }
0x13c: {  	[sflag:s15] =	ssyncadd.s32 $0xFFFFC000  }
0x13d: {  	_ =	swait.ge [sflag:s15], $0x4000  }
0x13e: {  	[sflag:s15] =	ssyncset.done $0x0  }
0x13f: {  	[sflag:s15] =	ssyncadd.s32 $0xFFFFC000  }
0x140: {  	_ =	swait.ge [sflag:s15], $0x4000  }
0x141: {  	[sflag:s15] =	ssyncset.done $0x0  }
0x142: {  	[sflag:s15] =	ssyncadd.s32 $0xFFFFC000  }
0x143: {  	_ =	swait.ge [sflag:s15], $0x4000  }
0x144: {  	[sflag:s15] =	ssyncset.done $0x0  }
0x145: {  	[sflag:s15] =	ssyncadd.s32 $0xFFFFC000  }
0x146: {  	_ =	swait.ge [sflag:s15], $0x4000  }
0x147: {  	[sflag:s15] =	ssyncset.done $0x0  }
0x148: {  	[sflag:s15] =	ssyncadd.s32 $0xFFFFC000  }
0x149: {  	_ =	swait.ge [sflag:s15], $0x4000  }
0x14a: {  	[sflag:s15] =	ssyncset.done $0x0  }
0x14b: {  	[sflag:s15] =	ssyncadd.s32 $0xFFFFC000  }
0x14c: {  	_ =	swait.ge [sflag:s15], $0x4000  }
0x14d: {  	[sflag:s15] =	ssyncset.done $0x0  }
0x14e: {  	[sflag:s15] =	ssyncadd.s32 $0xFFFFC000  }
0x14f: {  	_ =	swait.ge [sflag:s15], $0x4000  }
0x150: {  	[sflag:s15] =	ssyncset.done $0x0  }
0x151: {  	[sflag:s15] =	ssyncadd.s32 $0xFFFFC000  }
0x152: {  	_ =	swait.ge [sflag:s15], $0x4000  }
0x153: {  	[sflag:s15] =	ssyncset.done $0x0  }
0x154: {  	[sflag:s15] =	ssyncadd.s32 $0xFFFFC000  }
0x155: {  	_ =	swait.ge [sflag:s15], $0x4000  }
0x156: {  	[sflag:s15] =	ssyncset.done $0x0  }
0x157: {  	[sflag:s15] =	ssyncadd.s32 $0xFFFFC000  }
0x158: {  	_ =	swait.ge [sflag:s15], $0x4000  }
0x159: {  	[sflag:s15] =	ssyncset.done $0x0  }
0x15a: {  	[sflag:s15] =	ssyncadd.s32 $0xFFFFC000  }
0x15b: {  	_ =	swait.ge [sflag:s15], $0x4000  }
0x15c: {  	[sflag:s15] =	ssyncset.done $0x0  }
0x15d: {  	[sflag:s15] =	ssyncadd.s32 $0xFFFFC000  }
0x15e: {  	_ =	swait.ge [sflag:s15], $0x4000  }
0x15f: {  	[sflag:s15] =	ssyncset.done $0x0  }
0x160: {  	[sflag:s15] =	ssyncadd.s32 $0xFFFFC000  }
0x161: {  	_ =	swait.ge [sflag:s15], $0x4000  }
0x162: {  	[sflag:s15] =	ssyncset.done $0x0  }
0x163: {  	[sflag:s15] =	ssyncadd.s32 $0xFFFFC000  }
0x164: {  	_ =	swait.ge [sflag:s15], $0x4000  }
0x165: {  	[sflag:s15] =	ssyncset.done $0x0  }
0x166: {  	[sflag:s15] =	ssyncadd.s32 $0xFFFFC000  }
0x167: {  	_ =	swait.ge [sflag:s15], $0x4000  }
0x168: {  	[sflag:s15] =	ssyncset.done $0x0  }
0x169: {  	[sflag:s15] =	ssyncadd.s32 $0xFFFFC000  }
0x16a: {  	_ =	swait.ge [sflag:s15], $0x4000  }
0x16b: {  	[sflag:s15] =	ssyncset.done $0x0  }
0x16c: {  	[sflag:s15] =	ssyncadd.s32 $0xFFFFC000  }
0x16d: {  	_ =	swait.ge [sflag:s15], $0x4000  }
0x16e: {  	[sflag:s15] =	ssyncset.done $0x0  }
0x16f: {  	[sflag:s15] =	ssyncadd.s32 $0xFFFFC000  }
0x170: {  	_ =	swait.ge [sflag:s15], $0x4000  }
0x171: {  	[sflag:s15] =	ssyncset.done $0x0  }
0x172: {  	[sflag:s15] =	ssyncadd.s32 $0xFFFFC000  }
0x173: {  	_ =	swait.ge [sflag:s15], $0x4000  }
0x174: {  	[sflag:s15] =	ssyncset.done $0x0  }
0x175: {  	[sflag:s15] =	ssyncadd.s32 $0xFFFFC000  }
0x176: {  	_ =	swait.ge [sflag:s15], $0x4000  }
0x177: {  	[sflag:s15] =	ssyncset.done $0x0  }
0x178: {  	[sflag:s15] =	ssyncadd.s32 $0xFFFFC000  }
0x179: {  	_ =	swait.ge [sflag:s15], $0x4000  }
0x17a: {  	[sflag:s15] =	ssyncset.done $0x0  }
0x17b: {  	[sflag:s15] =	ssyncadd.s32 $0xFFFFC000  }
0x17c: {  	_ =	swait.ge [sflag:s15], $0x4000  }
0x17d: {  	[sflag:s15] =	ssyncset.done $0x0  }
0x17e: {  	[sflag:s15] =	ssyncadd.s32 $0xFFFFC000  }
0x17f: {  	_ =	swait.ge [sflag:s15], $0x4000  }
0x180: {  	[sflag:s15] =	ssyncset.done $0x0  }
0x181: {  	[sflag:s15] =	ssyncadd.s32 $0xFFFFC000  }
0x182: {  	_ =	swait.ge [sflag:s15], $0x4000  }
0x183: {  	[sflag:s15] =	ssyncset.done $0x0  }
0x184: {  	[sflag:s15] =	ssyncadd.s32 $0xFFFFC000  }
0x185: {  	_ =	swait.ge [sflag:s15], $0x4000  }
0x186: {  	[sflag:s15] =	ssyncset.done $0x0  }
0x187: {  	[sflag:s15] =	ssyncadd.s32 $0xFFFFC000  }
0x188: {  	_ =	swait.ge [sflag:s15], $0x4000  }
0x189: {  	[sflag:s15] =	ssyncset.done $0x0  }
0x18a: {  	p1 =	sne.s32 s3, $0x800;
	[sflag:s15] =	ssyncadd.s32 $0xFFFFC000  }
.Ltmp0:
0x18b: {  	_ =	swait.ge [sflag:s15], $0x4000;
	(pc) =	sbr.rel @p1 .LBB2_2-.Ltmp0, $4  }
0x18c: {  	[sflag:s15] =	ssyncset.done $0x0  }
0x18d: {  	[sflag:s15] =	ssyncadd.s32 $0xFFFFC000  }
0x18e: {  	_ =	swait.ge [sflag:s15], $0x4000  }
0x18f: {  	s3 =	sadd.s32 $0x200, s3;
	s18 =	rddreg [dreg:$0x5];
	[sflag:s15] =	ssyncset.done $0x0  }
0x190: {  	[sflag:s15] =	ssyncadd.s32 $0xFFFFC000;
	s3 =	sadd.s32 s7, s18  }
0x191: {  	[tilespmem:s4], [sflag:$0x2] =	stream.linear.gather [hbm4b:s3+s4], $0x1000, $0x38;
	[tilespmem:$0x19600] =	vst v63  }
0x192: {  	_ =	swait.ge [sflag:s17], $0x1000  }
0x193: {  	[sflag:s17] =	ssyncset.done $0x0  }
0x194: {  	[sflag:s17] =	ssyncadd.s32 $0xFFFFF000  }
0x195: {  	[spmem:s0] =	stream.indirect.scatter.add.f32 [tilespmem:s16], [sflag:$0x1], $0x80, s4, s19, $0xb8;
	[tilespmem:$0x19600] =	vst v63  }
0x196: {  	_ = 	snop  }
0x197: {  	[spmem:s0] =	stream.indirect.scatter.add.f32 [tilespmem:s16], [sflag:$0x1], $0x80, s19, s19, $0xb8;
	[tilespmem:$0x19600] =	vst v63  }
0x198: {  	s18 =	rddreg [dreg:$0x6]  }
0x199: {  	[spmem:s0] =	stream.indirect.scatter.add.f32 [tilespmem:s16], [sflag:$0x1], $0x80, s18, s19, $0xb8;
	[tilespmem:$0x19600] =	vst v63  }
0x19a: {  	s20 =	rddreg [dreg:$0x7]  }
0x19b: {  	[spmem:s0] =	stream.indirect.scatter.add.f32 [tilespmem:s16], [sflag:$0x1], $0x80, s20, s19, $0xb8;
	[tilespmem:$0x19600] =	vst v63  }
0x19c: {  	s18 =	rddreg [dreg:$0x8]  }
0x19d: {  	[spmem:s0] =	stream.indirect.scatter.add.f32 [tilespmem:s16], [sflag:$0x1], $0x80, s18, s19, $0xb8;
	[tilespmem:$0x19600] =	vst v63  }
0x19e: {  	s20 =	rddreg [dreg:$0x9]  }
0x19f: {  	[spmem:s0] =	stream.indirect.scatter.add.f32 [tilespmem:s16], [sflag:$0x1], $0x80, s20, s19, $0xb8;
	[tilespmem:$0x19600] =	vst v63  }
0x1a0: {  	s18 =	rddreg [dreg:$0xa]  }
0x1a1: {  	[spmem:s0] =	stream.indirect.scatter.add.f32 [tilespmem:s16], [sflag:$0x1], $0x80, s18, s19, $0xb8;
	[tilespmem:$0x19600] =	vst v63  }
0x1a2: {  	s20 =	rddreg [dreg:$0xb]  }
0x1a3: {  	[spmem:s0] =	stream.indirect.scatter.add.f32 [tilespmem:s16], [sflag:$0x1], $0x80, s20, s19, $0xb8;
	[tilespmem:$0x19600] =	vst v63  }
0x1a4: {  	s18 =	rddreg [dreg:$0xc]  }
0x1a5: {  	[spmem:s0] =	stream.indirect.scatter.add.f32 [tilespmem:s16], [sflag:$0x1], $0x80, s18, s19, $0xb8;
	[tilespmem:$0x19600] =	vst v63  }
0x1a6: {  	s20 =	rddreg [dreg:$0xd]  }
0x1a7: {  	[spmem:s0] =	stream.indirect.scatter.add.f32 [tilespmem:s16], [sflag:$0x1], $0x80, s20, s19, $0xb8;
	[tilespmem:$0x19600] =	vst v63  }
0x1a8: {  	s18 =	simm.s32 $0x500  }
0x1a9: {  	[spmem:s0] =	stream.indirect.scatter.add.f32 [tilespmem:s16], [sflag:$0x1], $0x80, s18, s19, $0xb8;
	[tilespmem:$0x19600] =	vst v63  }
0x1aa: {  	_ = 	snop  }
0x1ab: {  	[spmem:s0] =	stream.indirect.scatter.add.f32 [tilespmem:s16], [sflag:$0x1], $0x80, s21, s19, $0xb8;
	[tilespmem:$0x19600] =	vst v63  }
0x1ac: {  	_ = 	snop  }
0x1ad: {  	[spmem:s0] =	stream.indirect.scatter.add.f32 [tilespmem:s16], [sflag:$0x1], $0x80, s22, s19, $0xb8;
	[tilespmem:$0x19600] =	vst v63  }
0x1ae: {  	_ = 	snop  }
0x1af: {  	[spmem:s0] =	stream.indirect.scatter.add.f32 [tilespmem:s16], [sflag:$0x1], $0x80, s23, s19, $0xb8;
	[tilespmem:$0x19600] =	vst v63  }
0x1b0: {  	_ = 	snop  }
0x1b1: {  	[spmem:s0] =	stream.indirect.scatter.add.f32 [tilespmem:s16], [sflag:$0x1], $0x80, s24, s19, $0xb8;
	[tilespmem:$0x19600] =	vst v63  }
0x1b2: {  	_ = 	snop  }
0x1b3: {  	[spmem:s0] =	stream.indirect.scatter.add.f32 [tilespmem:s16], [sflag:$0x1], $0x80, s25, s19, $0xb8;
	[tilespmem:$0x19600] =	vst v63  }
0x1b4: {  	_ = 	snop  }
0x1b5: {  	[spmem:s0] =	stream.indirect.scatter.add.f32 [tilespmem:s16], [sflag:$0x1], $0x80, s26, s19, $0xb8;
	[tilespmem:$0x19600] =	vst v63  }
0x1b6: {  	_ = 	snop  }
0x1b7: {  	[spmem:s0] =	stream.indirect.scatter.add.f32 [tilespmem:s16], [sflag:$0x1], $0x80, s28, s19, $0xb8;
	[tilespmem:$0x19600] =	vst v63  }
0x1b8: {  	_ = 	snop  }
0x1b9: {  	[spmem:s0] =	stream.indirect.scatter.add.f32 [tilespmem:s16], [sflag:$0x1], $0x80, s29, s19, $0xb8;
	[tilespmem:$0x19600] =	vst v63  }
0x1ba: {  	_ = 	snop  }
0x1bb: {  	[spmem:s0] =	stream.indirect.scatter.add.f32 [tilespmem:s16], [sflag:$0x1], $0x80, s30, s19, $0xb8;
	[tilespmem:$0x19600] =	vst v63  }
0x1bc: {  	_ = 	snop  }
0x1bd: {  	[spmem:s0] =	stream.indirect.scatter.add.f32 [tilespmem:s16], [sflag:$0x1], $0x80, s31, s19, $0xb8;
	[tilespmem:$0x19600] =	vst v63  }
0x1be: {  	_ = 	snop  }
0x1bf: {  	[spmem:s0] =	stream.indirect.scatter.add.f32 [tilespmem:s16], [sflag:$0x1], $0x80, s1, s19, $0xb8;
	[tilespmem:$0x19600] =	vst v63  }
0x1c0: {  	_ = 	snop  }
0x1c1: {  	[spmem:s0] =	stream.indirect.scatter.add.f32 [tilespmem:s16], [sflag:$0x1], $0x80, s2, s19, $0xb8;
	[tilespmem:$0x19600] =	vst v63  }
0x1c2: {  	_ = 	snop  }
0x1c3: {  	[spmem:s0] =	stream.indirect.scatter.add.f32 [tilespmem:s16], [sflag:$0x1], $0x80, s5, s19, $0xb8;
	[tilespmem:$0x19600] =	vst v63  }
0x1c4: {  	_ = 	snop  }
0x1c5: {  	[spmem:s0] =	stream.indirect.scatter.add.f32 [tilespmem:s16], [sflag:$0x1], $0x80, s6, s19, $0xb8;
	[tilespmem:$0x19600] =	vst v63  }
0x1c6: {  	_ = 	snop  }
0x1c7: {  	[spmem:s0] =	stream.indirect.scatter.add.f32 [tilespmem:s16], [sflag:$0x1], $0x80, s8, s19, $0xb8;
	[tilespmem:$0x19600] =	vst v63  }
0x1c8: {  	_ = 	snop  }
0x1c9: {  	[spmem:s0] =	stream.indirect.scatter.add.f32 [tilespmem:s16], [sflag:$0x1], $0x80, s9, s19, $0xb8;
	[tilespmem:$0x19600] =	vst v63  }
0x1ca: {  	_ = 	snop  }
0x1cb: {  	[spmem:s0] =	stream.indirect.scatter.add.f32 [tilespmem:s16], [sflag:$0x1], $0x80, s10, s19, $0xb8;
	[tilespmem:$0x19600] =	vst v63  }
0x1cc: {  	_ = 	snop  }
0x1cd: {  	[spmem:s0] =	stream.indirect.scatter.add.f32 [tilespmem:s16], [sflag:$0x1], $0x80, s11, s19, $0xb8;
	[tilespmem:$0x19600] =	vst v63  }
0x1ce: {  	_ = 	snop  }
0x1cf: {  	[spmem:s0] =	stream.indirect.scatter.add.f32 [tilespmem:s16], [sflag:$0x1], $0x80, s12, s19, $0xb8;
	[tilespmem:$0x19600] =	vst v63  }
0x1d0: {  	_ = 	snop  }
0x1d1: {  	[spmem:s0] =	stream.indirect.scatter.add.f32 [tilespmem:s16], [sflag:$0x1], $0x80, s13, s19, $0xb8;
	[tilespmem:$0x19600] =	vst v63  }
0x1d2: {  	_ = 	snop  }
0x1d3: {  	[spmem:s0] =	stream.indirect.scatter.add.f32 [tilespmem:s16], [sflag:$0x1], $0x80, s14, s19, $0xb8;
	[tilespmem:$0x19600] =	vst v63  }
0x1d4: {  	_ =	swait.ge [sflag:s15], $0x4000  }
0x1d5: {  	[sflag:s15] =	ssyncset.done $0x0  }
0x1d6: {  	[sflag:s15] =	ssyncadd.s32 $0xFFFFC000  }
0x1d7: {  	_ =	swait.ge [sflag:s15], $0x4000  }
0x1d8: {  	[sflag:s15] =	ssyncset.done $0x0  }
0x1d9: {  	[sflag:s15] =	ssyncadd.s32 $0xFFFFC000  }
0x1da: {  	_ =	swait.ge [sflag:s15], $0x4000  }
0x1db: {  	[sflag:s15] =	ssyncset.done $0x0  }
0x1dc: {  	[sflag:s15] =	ssyncadd.s32 $0xFFFFC000  }
0x1dd: {  	_ =	swait.ge [sflag:s15], $0x4000  }
0x1de: {  	[sflag:s15] =	ssyncset.done $0x0  }
0x1df: {  	[sflag:s15] =	ssyncadd.s32 $0xFFFFC000  }
0x1e0: {  	_ =	swait.ge [sflag:s15], $0x4000  }
0x1e1: {  	[sflag:s15] =	ssyncset.done $0x0  }
0x1e2: {  	[sflag:s15] =	ssyncadd.s32 $0xFFFFC000  }
0x1e3: {  	_ =	swait.ge [sflag:s15], $0x4000  }
0x1e4: {  	[sflag:s15] =	ssyncset.done $0x0  }
0x1e5: {  	[sflag:s15] =	ssyncadd.s32 $0xFFFFC000  }
0x1e6: {  	_ =	swait.ge [sflag:s15], $0x4000  }
0x1e7: {  	[sflag:s15] =	ssyncset.done $0x0  }
0x1e8: {  	[sflag:s15] =	ssyncadd.s32 $0xFFFFC000  }
0x1e9: {  	_ =	swait.ge [sflag:s15], $0x4000  }
0x1ea: {  	[sflag:s15] =	ssyncset.done $0x0  }
0x1eb: {  	[sflag:s15] =	ssyncadd.s32 $0xFFFFC000  }
0x1ec: {  	_ =	swait.ge [sflag:s15], $0x4000  }
0x1ed: {  	[sflag:s15] =	ssyncset.done $0x0  }
0x1ee: {  	[sflag:s15] =	ssyncadd.s32 $0xFFFFC000  }
0x1ef: {  	_ =	swait.ge [sflag:s15], $0x4000  }
0x1f0: {  	[sflag:s15] =	ssyncset.done $0x0  }
0x1f1: {  	[sflag:s15] =	ssyncadd.s32 $0xFFFFC000  }
0x1f2: {  	_ =	swait.ge [sflag:s15], $0x4000  }
0x1f3: {  	[sflag:s15] =	ssyncset.done $0x0  }
0x1f4: {  	[sflag:s15] =	ssyncadd.s32 $0xFFFFC000  }
0x1f5: {  	_ =	swait.ge [sflag:s15], $0x4000  }
0x1f6: {  	[sflag:s15] =	ssyncset.done $0x0  }
0x1f7: {  	[sflag:s15] =	ssyncadd.s32 $0xFFFFC000  }
0x1f8: {  	_ =	swait.ge [sflag:s15], $0x4000  }
0x1f9: {  	[sflag:s15] =	ssyncset.done $0x0  }
0x1fa: {  	[sflag:s15] =	ssyncadd.s32 $0xFFFFC000  }
0x1fb: {  	_ =	swait.ge [sflag:s15], $0x4000  }
0x1fc: {  	[sflag:s15] =	ssyncset.done $0x0  }
0x1fd: {  	[sflag:s15] =	ssyncadd.s32 $0xFFFFC000  }
0x1fe: {  	_ =	swait.ge [sflag:s15], $0x4000  }
0x1ff: {  	[sflag:s15] =	ssyncset.done $0x0  }
0x200: {  	[sflag:s15] =	ssyncadd.s32 $0xFFFFC000  }
0x201: {  	_ =	swait.ge [sflag:s15], $0x4000  }
0x202: {  	[sflag:s15] =	ssyncset.done $0x0  }
0x203: {  	[sflag:s15] =	ssyncadd.s32 $0xFFFFC000  }
0x204: {  	_ =	swait.ge [sflag:s15], $0x4000  }
0x205: {  	[sflag:s15] =	ssyncset.done $0x0  }
0x206: {  	[sflag:s15] =	ssyncadd.s32 $0xFFFFC000  }
0x207: {  	_ =	swait.ge [sflag:s15], $0x4000  }
0x208: {  	[sflag:s15] =	ssyncset.done $0x0  }
0x209: {  	[sflag:s15] =	ssyncadd.s32 $0xFFFFC000  }
0x20a: {  	_ =	swait.ge [sflag:s15], $0x4000  }
0x20b: {  	[sflag:s15] =	ssyncset.done $0x0  }
0x20c: {  	[sflag:s15] =	ssyncadd.s32 $0xFFFFC000  }
0x20d: {  	_ =	swait.ge [sflag:s15], $0x4000  }
0x20e: {  	[sflag:s15] =	ssyncset.done $0x0  }
0x20f: {  	[sflag:s15] =	ssyncadd.s32 $0xFFFFC000  }
0x210: {  	_ =	swait.ge [sflag:s15], $0x4000  }
0x211: {  	[sflag:s15] =	ssyncset.done $0x0  }
0x212: {  	[sflag:s15] =	ssyncadd.s32 $0xFFFFC000  }
0x213: {  	_ =	swait.ge [sflag:s15], $0x4000  }
0x214: {  	[sflag:s15] =	ssyncset.done $0x0  }
0x215: {  	[sflag:s15] =	ssyncadd.s32 $0xFFFFC000  }
0x216: {  	_ =	swait.ge [sflag:s15], $0x4000  }
0x217: {  	[sflag:s15] =	ssyncset.done $0x0  }
0x218: {  	[sflag:s15] =	ssyncadd.s32 $0xFFFFC000  }
0x219: {  	_ =	swait.ge [sflag:s15], $0x4000  }
0x21a: {  	[sflag:s15] =	ssyncset.done $0x0  }
0x21b: {  	[sflag:s15] =	ssyncadd.s32 $0xFFFFC000  }
0x21c: {  	_ =	swait.ge [sflag:s15], $0x4000  }
0x21d: {  	[sflag:s15] =	ssyncset.done $0x0  }
0x21e: {  	[sflag:s15] =	ssyncadd.s32 $0xFFFFC000  }
0x21f: {  	_ =	swait.ge [sflag:s15], $0x4000  }
0x220: {  	[sflag:s15] =	ssyncset.done $0x0  }
0x221: {  	[sflag:s15] =	ssyncadd.s32 $0xFFFFC000  }
0x222: {  	_ =	swait.ge [sflag:s15], $0x4000  }
0x223: {  	[sflag:s15] =	ssyncset.done $0x0  }
0x224: {  	[sflag:s15] =	ssyncadd.s32 $0xFFFFC000  }
0x225: {  	_ =	swait.ge [sflag:s15], $0x4000  }
0x226: {  	[sflag:s15] =	ssyncset.done $0x0  }
0x227: {  	[sflag:s15] =	ssyncadd.s32 $0xFFFFC000  }
0x228: {  	_ =	swait.ge [sflag:s15], $0x4000  }
0x229: {  	[sflag:s15] =	ssyncset.done $0x0  }
0x22a: {  	[sflag:s15] =	ssyncadd.s32 $0xFFFFC000  }
0x22b: {  	_ =	swait.ge [sflag:s15], $0x4000  }
0x22c: {  	[sflag:s15] =	ssyncset.done $0x0  }
0x22d: {  	[sflag:s15] =	ssyncadd.s32 $0xFFFFC000  }
0x22e: {  	_ =	swait.ge [sflag:s15], $0x4000  }
0x22f: {  	[sflag:s15] =	ssyncset.done $0x0  }
0x230: {  	[sflag:s15] =	ssyncadd.s32 $0xFFFFC000  }
0x231: {  	_ =	swait.ge [sflag:s15], $0x4000  }
0x232: {  	[sflag:s15] =	ssyncset.done $0x0  }
0x233: {  	[sflag:s15] =	ssyncadd.s32 $0xFFFFC000  }
0x234: {  	s20 =	simm.s32 $0x1000;
	s18 =	rddreg [dreg:$0x3]  }
0x235: {  	[spmem:s18] =	stream.indirect.scatter.add.f32 [tilespmem:s16], [sflag:$0x2], $0x80, s20, s19, $0xb8;
	[tilespmem:$0x19600] =	vst v63  }
0x236: {  	_ =	swait.ge [sflag:s17], $0x4000  }
0x237: {  	[sflag:s17] =	ssyncset.done $0x0  }
0x238: {  	s7 =	simm.s32 $0x1080;
	[sflag:s17] =	ssyncadd.s32 $0xFFFFC000  }
0x239: {  	[spmem:s18] =	stream.indirect.scatter.add.f32 [tilespmem:s16], [sflag:$0x2], $0x80, s7, s19, $0xb8;
	[tilespmem:$0x19600] =	vst v63  }
0x23a: {  	_ =	swait.ge [sflag:s17], $0x4000  }
0x23b: {  	[sflag:s17] =	ssyncset.done $0x0  }
0x23c: {  	s20 =	simm.s32 $0x1100;
	[sflag:s17] =	ssyncadd.s32 $0xFFFFC000  }
0x23d: {  	[spmem:s18] =	stream.indirect.scatter.add.f32 [tilespmem:s16], [sflag:$0x2], $0x80, s20, s19, $0xb8;
	[tilespmem:$0x19600] =	vst v63  }
0x23e: {  	_ =	swait.ge [sflag:s17], $0x4000  }
0x23f: {  	[sflag:s17] =	ssyncset.done $0x0  }
0x240: {  	s7 =	simm.s32 $0x1180;
	[sflag:s17] =	ssyncadd.s32 $0xFFFFC000  }
0x241: {  	[spmem:s18] =	stream.indirect.scatter.add.f32 [tilespmem:s16], [sflag:$0x2], $0x80, s7, s19, $0xb8;
	[tilespmem:$0x19600] =	vst v63  }
0x242: {  	_ =	swait.ge [sflag:s17], $0x4000  }
0x243: {  	[sflag:s17] =	ssyncset.done $0x0  }
0x244: {  	s20 =	simm.s32 $0x1200;
	[sflag:s17] =	ssyncadd.s32 $0xFFFFC000  }
0x245: {  	[spmem:s18] =	stream.indirect.scatter.add.f32 [tilespmem:s16], [sflag:$0x2], $0x80, s20, s19, $0xb8;
	[tilespmem:$0x19600] =	vst v63  }
0x246: {  	_ =	swait.ge [sflag:s17], $0x4000  }
0x247: {  	[sflag:s17] =	ssyncset.done $0x0  }
0x248: {  	[sflag:s17] =	ssyncadd.s32 $0xFFFFC000  }
0x249: {  	s7 =	stileid.u32;
	[bflag:$0x0] =	sbarrier.arrive $0xFFFF  }
0x24a: {  	s3 =	sshll.u32 s7, $0x6;
	s20 =	rddreg [dreg:$0x10]  }
0x24b: {  	s3 =	sor.u32 $0x1C02, s3;
	s7 =	sshrl.u32 s20, $0x3;
	s20 =	rddreg [dreg:$0x16]  }
0x24c: {  	[hbm:s20], [sflag:s3] =	dma.local [spmem:s7], $0x2800  }
0x24d: {  	_ =	swait.ge [sflag:s17], $0x2800  }
0x24e: {  	[sflag:s17] =	ssyncset.done $0x0  }
0x24f: {  	s7 =	sshrl.u32 @!p0 s18, $0x3;
	s20 =	rddreg [dreg:$0x17];
	[sflag:s17] =	ssyncadd.s32 $0xFFFFD800  }
0x250: {  	[hbm:s20], [sflag:s3] =	dma.local @!p0 [spmem:s7], $0x400  }
0x251: {  	s3 =	simm.s32 @!p0 $0x2  }
0x252: {  	_ =	swait.ge @!p0 [sflag:s3], $0x400  }
0x253: {  	s7 =	rddreg [dreg:$0x19]  }
0x254: {  	s20 =	sadd.s32 $0x1, s7;
	s7 =	rddreg [dreg:$0x18]  }
0x255: {  	p1 =	sne.s32 s20, s7  }
.Ltmp1:
0x256: {  	_ = 	snop;
	(pc) =	sbr.rel @p1 .LBB2_1-.Ltmp1, $3  }
0x257: {  	_ =	sdelay $0x1  }
0x258: {  	[sflag:s3] =	ssyncset.done @!p0 $0x0  }
0x259: {  	[sflag:s3] =	ssyncadd.s32 @!p0 $0xFFFFFC00;
	s7 =	simm.s32 $0x1000  }
0x25a: {  	_ =	sfence.sel $0x180000  }
0x25b: {  	[bflag:$0x0] =	sbarrier.arrive $0xFFFF  }
0x25c: {  	_ =	strace $0x90000047  }
0x25d: {  	[bflag:$0x2] =	sbarrier.arrive $0xFFFF  }
0x25e: {  	s0 =	rddreg [dreg:$0x4]  }
0x25f: {  	s0 =	sadd.s32 @!p0 $0x100000, s0  }
0x260: {  	[sflag:s0] =	ssyncadd.tile.s32 @!p0 $0x1;
	_ =	shalt  }
.Lfunc_end2:
_tile_overlayer_lowered:
.L_overlay_start_2:
0x261: {  	(tag) =	ssettag $0x2  }
0x262: {  	s0 =	rddreg [dreg:$0x0];
	s2 =	stileid.u32  }
0x263: {  	s1 =	rddreg [dreg:$0x1];
	p0 =	sne.s32 s2, $0x0  }
0x264: {  	s3 =	rddreg [dreg:$0x2];
	[bflag:$0x3] =	sbarrier.arrive $0xFFFF;
	s2 =	simm.s32 @!p0 $0x1C02  }
0x265: {  	[timem:s3], [sflag:s2] =	dma.local @!p0 [hbm:s0], s1  }
0x266: {  	s0 =	simm.s32 @!p0 $0x2  }
0x267: {  	_ =	swait.ge @!p0 [sflag:s0], s1  }
0x268: {  	s1 =	ssub.s32 @!p0 $0x0, s1;
	[sflag:s0] =	ssyncset.done @!p0 $0x0  }
0x269: {  	[sflag:s0] =	ssyncadd.s32 @!p0 s1  }
0x26a: {  	[bflag:$0x3] =	sbarrier.arrive $0xFFFF  }
0x26b: {  	_ =	shalt  }

// kernel: kernel.14.cloned.1.call-start
scs
__scs_entry_jumppad:
0x0: {  	(pc) =	sbr.rel $0x88, $3  }
0x1: {  	(tag) =	ssettag $0x0;
	lr =	simm.s32 $0x1  }
0x2: {  	[smem:$0x3F8B] =	sst lr;
	_ =	strace $0xD0000000  }
0x3: {  	_ = 	snop  }
0x4: {  	_ = 	snop  }
0x5: {  	_ = 	snop  }
0x6: {  	_ = 	snop  }
0x7: {  	_ = 	snop  }
__scs_overlays_trampoline_lowered:
0x8: {  	[smem:$0x3F9A] =	sst s0  }
0x9: {  	[smem:$0x3F9B] =	sst s1  }
0xa: {  	[smem:$0x3F9C] =	sst s2  }
0xb: {  	[smem:$0x3F9D] =	sst s3  }
0xc: {  	[smem:$0x3F9E] =	sst s4  }
0xd: {  	[smem:$0x3F9F] =	sst s5  }
0xe: {  	[smem:$0x3FA0] =	sst s6  }
0xf: {  	[smem:$0x3FA1] =	sst s7  }
0x10: {  	[smem:$0x3FA2] =	sst s8  }
0x11: {  	[smem:$0x3FA3] =	sst s9;
	s0 =	simm.s32 @!p0 $0x0  }
0x12: {  	s1 =	sld [smem:$0x3F89];
	s0 =	simm.s32 @p0 $0x1  }
0x13: {  	[smem:$0x3FA4] =	sst s0;
	s0 =	simm.s32 @!p1 $0x0  }
0x14: {  	s2 =	sld [smem:$0x3F88];
	s0 =	simm.s32 @p1 $0x1  }
0x15: {  	[smem:$0x3FA5] =	sst s0;
	s0 =	simm.s32 @!p2 $0x0  }
0x16: {  	s3 =	sld [smem:$0x3FDB];
	s0 =	simm.s32 @p2 $0x1  }
0x17: {  	s4 =	simm.s32 $0x1BF5;
	[smem:$0x3FA7] =	sst s0  }
0x18: {  	s0 =	sld [smem:$0x3F8A];
	_ =	swait.ge [sflag:s4], $0x0  }
0x19: {  	s7 =	sld [smem:$0x3F8B]  }
0x1a: {  	s8 =	sadd.s32 $0xFFFFE003, lr  }
0x1b: {  	s9 =	sadd.s32 $0xFFFFFEF7, lr;
	s5 =	simm.s32 $0xFFFFFFFF;
	p2 =	slt.u32 s8, $0xFFFFF086  }
0x1c: {  	p1 =	slt.u32 s9, $0xF7A;
	s5 =	simm.s32 @!p2 $0x0  }
0x1d: {  	s5 =	simm.s32 @p1 $0x1;
	p0 =	seq.s32 s7, s2  }
0x1e: {  	s7 =	smul.u32 @!p0 $0xF7A, s2;
	p2 =	seq.s32 @!p0 s5, $0x0  }
0x1f: {  	s9 =	smul.u32 $0xF7A, s1;
	s8 =	simm.s32 @!p0 $0x1BF5;
	p2 =	por !p2, p0  }
0x20: {  	[sflag:s8] =	ssyncset.s32 @!p0 $0xFFFFF086;
	s6 =	sadd.s32 @!p0 s3, s7;
	s7 =	simm.s32 @!p0 $0x108  }
0x21: {  	s3 =	sadd.s32 s3, s9;
	s6 =	sadd.s32 @!p0 $0x88, s6;
	s7 =	simm.s32 @p2 $0x1082  }
0x22: {  	[simem:s7], [sflag:s8] =	dma.local @!p0 [hbm:s6], $0xF7A  }
0x23: {  	s9 =	sor.u32 $0xD0000000, s2;
	s6 =	simm.s32 $0x108;
	_ =	swait.ge @!p0 [sflag:s8], $0x0  }
0x24: {  	s3 =	sadd.s32 $0x88, s3;
	s6 =	simm.s32 @!p1 $0x1082;
	[sflag:s4] =	ssyncset.s32 $0xFFFFF086  }
0x25: {  	[simem:s6], [sflag:s4] =	dma.local [hbm:s3], $0xF7A  }
0x26: {  	[smem:$0x3F8B] =	sst s1;
	(tag) =	ssettag s2;
	_ =	strace s9  }
0x27: {  	s1 =	sld [smem:$0x3F9B]  }
0x28: {  	s2 =	sld [smem:$0x3F9C]  }
0x29: {  	s4 =	sld [smem:$0x3F9E]  }
0x2a: {  	p0 =	seq.s32 s5, $0x0;
	s5 =	sld [smem:$0x3F9F]  }
0x2b: {  	s6 =	sld [smem:$0x3FA0]  }
0x2c: {  	s7 =	sld [smem:$0x3FA1]  }
0x2d: {  	s3 =	simm.s32 $0x108;
	s8 =	sld [smem:$0x3FA2]  }
0x2e: {  	s3 =	simm.s32 @!p0 $0x1082;
	s9 =	sld [smem:$0x3FA3]  }
0x2f: {  	lr =	sadd.s32 s0, s3;
	s0 =	sld [smem:$0x3F9A]  }
0x30: {  	s3 =	sld [smem:$0x3F9D]  }
0x31: {  	[smem:$0x3FA6] =	sst s10  }
0x32: {  	s10 =	sld [smem:$0x3FA4];
	_ =	sdelay $0x3  }
0x33: {  	p0 =	seq.s32 s10, $0x1;
	s10 =	sld [smem:$0x3FA6];
	_ =	sdelay $0x3  }
0x34: {  	[smem:$0x3FA6] =	sst s10  }
0x35: {  	s10 =	sld [smem:$0x3FA5];
	_ =	sdelay $0x3  }
0x36: {  	p1 =	seq.s32 s10, $0x1;
	s10 =	sld [smem:$0x3FA6];
	_ =	sdelay $0x3  }
0x37: {  	[smem:$0x3FA6] =	sst s10  }
0x38: {  	s10 =	sld [smem:$0x3FA7]  }
0x39: {  	_ = 	snop;
	(pc) =	sbr.ind lr, $3  }
0x3a: {  	_ = 	snop  }
0x3b: {  	_ = 	snop  }
0x3c: {  	p2 =	seq.s32 s10, $0x1;
	s10 =	sld [smem:$0x3FA6]  }
0x3d: {  	_ =	shalt  }
0x3e: {  	_ =	shalt  }
0x3f: {  	_ =	shalt  }
0x40: {  	_ =	shalt  }
0x41: {  	_ =	shalt  }
0x42: {  	_ =	shalt  }
0x43: {  	_ =	shalt  }
0x44: {  	_ =	shalt  }
0x45: {  	_ =	shalt  }
0x46: {  	_ =	shalt  }
0x47: {  	_ =	shalt  }
0x48: {  	_ =	shalt  }
0x49: {  	_ =	shalt  }
0x4a: {  	_ =	shalt  }
0x4b: {  	_ =	shalt  }
0x4c: {  	_ =	shalt  }
0x4d: {  	_ =	shalt  }
0x4e: {  	_ =	shalt  }
0x4f: {  	_ =	shalt  }
0x50: {  	_ =	shalt  }
0x51: {  	_ =	shalt  }
0x52: {  	_ =	shalt  }
0x53: {  	_ =	shalt  }
0x54: {  	_ =	shalt  }
0x55: {  	_ =	shalt  }
0x56: {  	_ =	shalt  }
0x57: {  	_ =	shalt  }
0x58: {  	_ =	shalt  }
0x59: {  	_ =	shalt  }
0x5a: {  	_ =	shalt  }
0x5b: {  	_ =	shalt  }
0x5c: {  	_ =	shalt  }
0x5d: {  	_ =	shalt  }
0x5e: {  	_ =	shalt  }
0x5f: {  	_ =	shalt  }
0x60: {  	_ =	shalt  }
0x61: {  	_ =	shalt  }
0x62: {  	_ =	shalt  }
0x63: {  	_ =	shalt  }
0x64: {  	_ =	shalt  }
0x65: {  	_ =	shalt  }
0x66: {  	_ =	shalt  }
0x67: {  	_ =	shalt  }
0x68: {  	_ =	shalt  }
0x69: {  	_ =	shalt  }
0x6a: {  	_ =	shalt  }
0x6b: {  	_ =	shalt  }
0x6c: {  	_ =	shalt  }
0x6d: {  	_ =	shalt  }
0x6e: {  	_ =	shalt  }
0x6f: {  	_ =	shalt  }
0x70: {  	_ =	shalt  }
0x71: {  	_ =	shalt  }
0x72: {  	_ =	shalt  }
0x73: {  	_ =	shalt  }
0x74: {  	_ =	shalt  }
0x75: {  	_ =	shalt  }
0x76: {  	_ =	shalt  }
0x77: {  	_ =	shalt  }
0x78: {  	_ =	shalt  }
0x79: {  	_ =	shalt  }
0x7a: {  	_ =	shalt  }
0x7b: {  	_ =	shalt  }
0x7c: {  	_ =	shalt  }
0x7d: {  	_ =	shalt  }
0x7e: {  	_ =	shalt  }
0x7f: {  	_ =	shalt  }
0x80: {  	_ =	shalt  }
0x81: {  	_ =	shalt  }
0x82: {  	_ =	shalt  }
0x83: {  	_ =	shalt  }
0x84: {  	_ =	shalt  }
0x85: {  	_ =	shalt  }
0x86: {  	_ =	shalt  }
0x87: {  	_ =	shalt  }
.Lfunc_end0:
.L_simem_size_0:
called_computation.1_lowered:
.L_overlay_start_0:
0x88: {  	s2 =	sld [smem:$0x3FD9]  }
0x89: {  	s3 =	sld [smem:$0x3FFE];
	_ =	sdelay $0x1  }
0x8a: {  	s1 =	srdreg.scid  }
0x8b: {  	s0 =	sand.u32 $0x1, s1  }
0x8c: {  	s16 =	sshll.u32 s0, $0xA;
	s2 =	sadd.s32 s3, s2  }
0x8d: {  	s2 =	sadd.s32 s2, s16  }
0x8e: {  	[smem:$0x3FB2] =	sst s2  }
0x8f: {  	_ = 	snop  }
0x90: {  	(tm) =	ssettm $0x1  }
0x91: {  	s17 =	sld [smem:$0x3FFB];
	_ =	sdelay $0x3  }
0x92: {  	_ =	strace s17  }
0x93: {  	s2 =	sld [smem:$0x3FFC];
	_ =	sdelay $0x3  }
0x94: {  	_ =	strace s2  }
0x95: {  	s2 =	sld [smem:$0x3FFD];
	_ =	sdelay $0x3  }
0x96: {  	_ =	strace s2  }
0x97: {  	_ =	strace $0x8FFFFFFF  }
0x98: {  	s18 =	sld [smem:$0x3FDB];
	_ =	sdelay $0x1  }
0x99: {  	s19 =	simm.s32 $_scs_section_size  }
0x9a: {  	s4 =	simm.s32 $_size__tile_overlayer_lowered;
	s5 =	simm.s32 $_tile_overlayer_lowered  }
0x9b: {  	s22 =	simm.s32 $0x1BFF;
	s21 =	sshll.u32 s5, $0x1;
	s2 =	sadd.s32 s19, s18  }
0x9c: {  	s6 =	simm.s32 $0x0;
	s20 =	sshll.u32 s4, $0x1;
	s4 =	sadd.s32 s21, s2  }
0x9d: {  	[timem:s6], [sflag:s22] =	dma.local [hbm:s4], s20  }
0x9e: {  	_ =	swait.ge [sflag:s22], s20  }
0x9f: {  	s3 =	ssub.s32 $0x0, s20;
	[sflag:s22] =	ssyncset.done $0x0  }
0xa0: {  	[sflag:s22] =	ssyncadd.s32 s3;
	_ =	sdelay $0x1  }
0xa1: {  	s23 =	simm.s32 $0x1B8B  }
0xa2: {  	_ =	swait.ge [sflag:s23], $0x1  }
0xa3: {  	[sflag:s23] =	ssyncset.done $0x0  }
0xa4: {  	s25 =	simm.s32 $0x1B8E;
	s24 =	sld [smem:$0x3FFE];
	[sflag:s23] =	ssyncadd.s32 $0xFFFFFFFF  }
0xa5: {  	s26 =	simm.s32 $execute0_lowered;
	[smem:$0x3FD2] =	sst s25  }
0xa6: {  	s4 =	sshll.u32 s26, $0x1;
	_ =	strace $0x80000049;
	[dreg:$0x1] =	wrdreg $0xFFFFFFFF  }
0xa7: {  	s28 =	simm.s32 $_size_execute0_lowered;
	s2 =	sadd.s32 s2, s4;
	[dreg:$0x0] =	wrdreg $0x0  }
0xa8: {  	s4 =	sshll.u32 s28, $0x1;
	[dreg:$0x2] =	wrdreg s2  }
0xa9: {  	[dreg:$0x3] =	wrdreg s4  }
0xaa: {  	[dreg:$0x4] =	wrdreg $0xC0  }
0xab: {  	_ =	task [dreg:s6], $0x5FFFF  }
0xac: {  	[dreg:$0x1] =	wrdreg $0xFFFFFFFF  }
0xad: {  	[dreg:$0x0] =	wrdreg $0x60  }
0xae: {  	[dreg:$0x2] =	wrdreg s24  }
0xaf: {  	[dreg:$0x3] =	wrdreg $0xA0000  }
0xb0: {  	[dreg:$0x4] =	wrdreg $0x9  }
0xb1: {  	_ =	task.clear_ibuf [dreg:s6], $0x5FFFF;
	_ =	strace $0x90000049  }
0xb2: {  	s29 =	simm.s32 $0x9;
	_ =	strace $0x8000004B  }
0xb3: {  	_ =	swait.ge [sflag:s29], $0x1  }
0xb4: {  	[sflag:s29] =	ssyncadd.s32 $0xFFFFFFFF  }
0xb5: {  	_ =	strace $0x9000004B  }
0xb6: {  	_ =	sfence  }
0xb7: {  	s30 =	sld [smem:$0x0];
	_ =	sdelay $0x2  }
0xb8: {  	s31 =	sshll.u32 s1, $0xD;
	s1 =	sshrl.u32 s1, $0x2  }
0xb9: {  	s3 =	sand.u32 $0x4000, s31;
	s1 =	sadd.s32 s1, s30  }
0xba: {  	s0 =	sor.u32 s3, s0;
	s1 =	sshll.u32 s1, $0x11  }
0xbb: {  	s0 =	sor.u32 s1, s0  }
0xbc: {  	s0 =	sadd.s32 $0x8F2B, s0  }
0xbd: {  	[sflag:s0] =	ssyncadd.remote.s32 $0x1  }
0xbe: {  	_ =	sfence.sel $0xFFFF  }
0xbf: {  	[dreg:$0x0] =	wrdreg $0xFFFFFFFF;
	(pc) =	sbr.abs _section_cstart, $3  }
0xc0: {  	[dreg:$0x1] =	wrdreg $0xFFFFFFFF  }
0xc1: {  	_ =	task.clear_ibuf [dreg:s6], $0x2FFFF;
	_ =	strace $0x9FFFFFFF  }
0xc2: {  	(tm) =	ssettm $0x7FFFFFFF  }
0xc3: {  	_ =	shalt  }
tec
execute0_lowered:
.L_overlay_start_1:
0x0: {  	(tag) =	ssettag $0x1  }
0x1: {  	s0 =	rddreg [dreg:$0x0]  }
0x2: {  	s2 =	rddreg [dreg:$0x1];
	s3 =	simm.s32 $0x0;
	s1 =	srdreg.scid  }
0x3: {  	s10 =	stileid.u32;
	s17 =	simm.s32 $0x2000;
	s18 =	simm.s32 $0x5  }
0x4: {  	s19 =	simm.s32 $0x1000;
	s28 =	simm.s32 $0x3;
	s29 =	simm.s32 $0x4  }
0x5: {  	s30 =	simm.s32 $0xF80;
	s31 =	simm.s32 $0xFC0;
	[smem:$0x7FF] =	sst s3  }
0x6: {  	s1 =	sand.u32 $0x1, s1;
	s20 =	smul.u32 $0x2800, s10;
	s4 =	sadd.s32 $0x23200, s0  }
0x7: {  	s5 =	sadd.s32 $0x74200, s0;
	s8 =	smul.u32 $0x50000, s10;
	s6 =	sadd.s32 $0x4A00, s0  }
0x8: {  	s9 =	sadd.s32 $0x22A00, s0;
	s14 =	smul.u32 $0x5000, s10;
	_ =	strace $0x8000004A  }
0x9: {  	s7 =	smul.u32 $0x28000, s1;
	[dreg:$0x3] =	wrdreg s9;
	s21 =	ssub.s32 $0x2, s1  }
0xa: {  	s1 =	sshll.u32 s1, $0x4;
	s22 =	sshrl.u32 s8, $0x2;
	s23 =	sshrl.u32 s21, $0x1  }
0xb: {  	s1 =	sor.u32 s10, s1;
	s3 =	sadd.s32 s20, s7;
	s8 =	sadd.s32 s22, s2  }
0xc: {  	s12 =	smul.u32 $0x5000, s1;
	s20 =	simm.s32 $0x40;
	s22 =	simm.s32 $0x6000  }
0xd: {  	s1 =	simm.s32 $0x0;
	s0 =	sadd.s32 s3, s0;
	s7 =	sadd.s32 $0x4000, s8  }
0xe: {  	s3 =	ssub.s32 s21, s23;
	s24 =	sadd.s32 $0x8000, s8;
	[dreg:$0x4] =	wrdreg s7  }
0xf: {  	s25 =	sadd.s32 $0xC000, s8;
	s26 =	sadd.s32 $0x10000, s8;
	[dreg:$0x5] =	wrdreg s24  }
0x10: {  	s21 =	simm.s32 $0x4000;
	s23 =	simm.s32 $0x8000;
	[dreg:$0x6] =	wrdreg s25  }
0x11: {  	[dreg:$0x7] =	wrdreg s26;
	s0 =	sadd.s32 $0x88200, s0;
	s16 =	smax.u32 s3, $0x1  }
0x12: {  	s24 =	simm.s32 $0x1;
	s25 =	simm.s32 $0x2;
	s26 =	simm.s32 $0x80  }
0x13: {  	s3 =	simm.s32 $0x1F80;
	[dreg:$0x8] =	wrdreg s0;
	s0 =	simm.s32 $0x1F00  }
.LBB2_1:
0x14: {  	s7 =	simm.s32 $0x0;
	s9 =	rddreg [dreg:$0x3]  }
0x15: {  	[tilespmem:s17], [sflag:$0x5] =	stream.linear.gather [hbm4b:s9+s7], $0x4000, $0x38;
	[tilespmem:$0x1E000] =	vst v63  }
0x16: {  	_ =	swait.ge [sflag:s18], $0x4000  }
0x17: {  	[sflag:s18] =	ssyncset.done $0x0  }
0x18: {  	[sflag:s18] =	ssyncadd.s32 $0xFFFFC000  }
0x19: {  	[spmem:s8] =	stream.linear.scatter [tilespmem:s17], [sflag:$0x5], $0x4000, $0x38;
	[tilespmem:$0x1E000] =	vst v63  }
0x1a: {  	_ =	swait.ge [sflag:s18], $0x4000  }
0x1b: {  	[sflag:s18] =	ssyncset.done $0x0  }
0x1c: {  	s10 =	rddreg [dreg:$0x4];
	[sflag:s18] =	ssyncadd.s32 $0xFFFFC000  }
0x1d: {  	[spmem:s10] =	stream.linear.scatter [tilespmem:s17], [sflag:$0x5], $0x4000, $0x38;
	[tilespmem:$0x1E000] =	vst v63  }
0x1e: {  	_ =	swait.ge [sflag:s18], $0x4000  }
0x1f: {  	[sflag:s18] =	ssyncset.done $0x0  }
0x20: {  	s11 =	rddreg [dreg:$0x5];
	[sflag:s18] =	ssyncadd.s32 $0xFFFFC000  }
0x21: {  	[spmem:s11] =	stream.linear.scatter [tilespmem:s17], [sflag:$0x5], $0x4000, $0x38;
	[tilespmem:$0x1E000] =	vst v63  }
0x22: {  	_ =	swait.ge [sflag:s18], $0x4000  }
0x23: {  	[sflag:s18] =	ssyncset.done $0x0  }
0x24: {  	s13 =	rddreg [dreg:$0x6];
	[sflag:s18] =	ssyncadd.s32 $0xFFFFC000  }
0x25: {  	[spmem:s13] =	stream.linear.scatter [tilespmem:s17], [sflag:$0x5], $0x4000, $0x38;
	[tilespmem:$0x1E000] =	vst v63  }
0x26: {  	_ =	swait.ge [sflag:s18], $0x4000  }
0x27: {  	[sflag:s18] =	ssyncset.done $0x0  }
0x28: {  	s15 =	rddreg [dreg:$0x7];
	[sflag:s18] =	ssyncadd.s32 $0xFFFFC000  }
0x29: {  	[spmem:s15] =	stream.linear.scatter [tilespmem:s17], [sflag:$0x5], $0x4000, $0x38;
	[tilespmem:$0x1E000] =	vst v63  }
0x2a: {  	_ =	swait.ge [sflag:s18], $0x4000  }
0x2b: {  	[sflag:s18] =	ssyncset.done $0x0  }
0x2c: {  	[sflag:s18] =	ssyncadd.s32 $0xFFFFC000  }
0x2d: {  	s7 =	simm.s32 $0x0;
	[bflag:$0x0] =	sbarrier.arrive $0xFFFF  }
.LBB2_2:
0x2e: {  	s9 =	sshll.u32 s7, $0xC  }
0x2f: {  	s10 =	sadd.s32 s12, s9  }
0x30: {  	s10 =	sshrl.u32 s10, $0x3  }
0x31: {  	s11 =	simm.s32 $0x0;
	s10 =	sadd.s32 s5, s10  }
0x32: {  	[tilespmem:s11], [sflag:$0x5] =	stream.linear.gather [hbm4b:s10+s11], $0x1000, $0x38;
	[tilespmem:$0x1E000] =	vst v63  }
0x33: {  	s9 =	sadd.s32 s14, s9;
	_ =	swait.ge [sflag:s18], $0x1000  }
0x34: {  	s9 =	sshrl.u32 s9, $0x3;
	[sflag:s18] =	ssyncset.done $0x0  }
0x35: {  	s9 =	sadd.s32 s6, s9;
	[sflag:s18] =	ssyncadd.s32 $0xFFFFF000  }
0x36: {  	[tilespmem:s19], [sflag:$0x5] =	stream.linear.gather [hbm4b:s9+s11], $0x1000, $0x38;
	[tilespmem:$0x1E000] =	vst v63  }
0x37: {  	_ =	swait.ge [sflag:s18], $0x1000  }
0x38: {  	[sflag:s18] =	ssyncset.done $0x0  }
0x39: {  	[sflag:s18] =	ssyncadd.s32 $0xFFFFF000  }
0x3a: {  	[tilespmem:s17], [sflag:$0x1] =	stream.indirect.gather [hbm4b:s4+s20], $0x80, s11, s20, $0xb8;
	[tilespmem:$0x1E000] =	vst v63  }
0x3b: {  	_ = 	snop  }
0x3c: {  	[tilespmem:s21], [sflag:$0x2] =	stream.indirect.gather [hbm4b:s4+s20], $0x80, s20, s20, $0xb8;
	[tilespmem:$0x1E000] =	vst v63  }
0x3d: {  	s13 =	simm.s32 $0x80  }
0x3e: {  	[tilespmem:s22], [sflag:$0x3] =	stream.indirect.gather [hbm4b:s4+s20], $0x80, s13, s20, $0xb8;
	[tilespmem:$0x1E000] =	vst v63  }
0x3f: {  	s15 =	simm.s32 $0xC0  }
0x40: {  	[tilespmem:s23], [sflag:$0x4] =	stream.indirect.gather [hbm4b:s4+s20], $0x80, s15, s20, $0xb8;
	[tilespmem:$0x1E000] =	vst v63  }
0x41: {  	_ =	swait.ge [sflag:s24], $0x2000  }
0x42: {  	[sflag:s24] =	ssyncset.done $0x0  }
0x43: {  	[sflag:s24] =	ssyncadd.s32 $0xFFFFE000  }
0x44: {  	_ =	swait.ge [sflag:s25], $0x2000  }
0x45: {  	[sflag:s25] =	ssyncset.done $0x0  }
0x46: {  	s10 =	simm.s32 $0x1000;
	[sflag:s25] =	ssyncadd.s32 $0xFFFFE000  }
0x47: {  	[spmem:s2] =	stream.indirect.scatter.add.f32 [tilespmem:s17], [sflag:$0x5], $0x80, s10, s26, $0xb8;
	[tilespmem:$0x1E000] =	vst v63  }
0x48: {  	_ =	swait.ge [sflag:s18], $0x4000  }
0x49: {  	[sflag:s18] =	ssyncset.done $0x0  }
0x4a: {  	s11 =	simm.s32 $0x100;
	[sflag:s18] =	ssyncadd.s32 $0xFFFFC000  }
0x4b: {  	[tilespmem:s17], [sflag:$0x1] =	stream.indirect.gather [hbm4b:s4+s20], $0x80, s11, s20, $0xb8;
	[tilespmem:$0x1E000] =	vst v63  }
0x4c: {  	s13 =	simm.s32 $0x140  }
0x4d: {  	[tilespmem:s21], [sflag:$0x2] =	stream.indirect.gather [hbm4b:s4+s20], $0x80, s13, s20, $0xb8;
	[tilespmem:$0x1E000] =	vst v63  }
0x4e: {  	_ =	swait.ge [sflag:s28], $0x2000  }
0x4f: {  	[sflag:s28] =	ssyncset.done $0x0  }
0x50: {  	[sflag:s28] =	ssyncadd.s32 $0xFFFFE000  }
0x51: {  	_ =	swait.ge [sflag:s29], $0x2000  }
0x52: {  	[sflag:s29] =	ssyncset.done $0x0  }
0x53: {  	s15 =	simm.s32 $0x1080;
	[sflag:s29] =	ssyncadd.s32 $0xFFFFE000  }
0x54: {  	[spmem:s2] =	stream.indirect.scatter.add.f32 [tilespmem:s22], [sflag:$0x5], $0x80, s15, s26, $0xb8;
	[tilespmem:$0x1E000] =	vst v63  }
0x55: {  	_ =	swait.ge [sflag:s18], $0x4000  }
0x56: {  	s9 =	simm.s32 $0x100;
	s10 =	simm.s32 $0x800;
	[sflag:s18] =	ssyncset.done $0x0  }
.LBB2_3:
0x57: {  	s11 =	sadd.s32 $0x80, s9  }
0x58: {  	[sflag:s18] =	ssyncadd.s32 $0xFFFFC000;
	s13 =	smov.u32 s10;
	s15 =	sadd.s32 $0x400, s10  }
0x59: {  	[tilespmem:s22], [sflag:$0x3] =	stream.indirect.gather [hbm4b:s4+s20], $0x80, s11, s20, $0xb8;
	[tilespmem:$0x1E000] =	vst v63  }
0x5a: {  	p0 =	sne.s32 s10, $0x3800;
	s10 =	sadd.s32 $0xC0, s9  }
0x5b: {  	[tilespmem:s23], [sflag:$0x4] =	stream.indirect.gather [hbm4b:s4+s20], $0x80, s10, s20, $0xb8;
	[tilespmem:$0x1E000] =	vst v63  }
0x5c: {  	_ =	swait.ge [sflag:s24], $0x2000  }
0x5d: {  	[sflag:s24] =	ssyncset.done $0x0  }
0x5e: {  	[sflag:s24] =	ssyncadd.s32 $0xFFFFE000  }
0x5f: {  	_ =	swait.ge [sflag:s25], $0x2000  }
0x60: {  	[sflag:s25] =	ssyncset.done $0x0  }
0x61: {  	s10 =	sadd.s32 $0x1000, s9;
	[sflag:s25] =	ssyncadd.s32 $0xFFFFE000  }
0x62: {  	[spmem:s2] =	stream.indirect.scatter.add.f32 [tilespmem:s17], [sflag:$0x5], $0x80, s10, s26, $0xb8;
	[tilespmem:$0x1E000] =	vst v63  }
0x63: {  	_ =	swait.ge [sflag:s18], $0x4000  }
0x64: {  	[sflag:s18] =	ssyncset.done $0x0  }
0x65: {  	s10 =	sadd.s32 $0x100, s9;
	[sflag:s18] =	ssyncadd.s32 $0xFFFFC000  }
0x66: {  	[tilespmem:s17], [sflag:$0x1] =	stream.indirect.gather [hbm4b:s4+s20], $0x80, s10, s20, $0xb8;
	[tilespmem:$0x1E000] =	vst v63  }
0x67: {  	s10 =	sadd.s32 $0x140, s9  }
0x68: {  	[tilespmem:s21], [sflag:$0x2] =	stream.indirect.gather [hbm4b:s4+s20], $0x80, s10, s20, $0xb8;
	[tilespmem:$0x1E000] =	vst v63  }
0x69: {  	_ =	swait.ge [sflag:s28], $0x2000  }
0x6a: {  	[sflag:s28] =	ssyncset.done $0x0  }
0x6b: {  	[sflag:s28] =	ssyncadd.s32 $0xFFFFE000  }
0x6c: {  	_ =	swait.ge [sflag:s29], $0x2000  }
.Ltmp0:
0x6d: {  	[sflag:s29] =	ssyncset.done $0x0;
	(pc) =	sbr.rel @p0 .LBB2_3-.Ltmp0, $4  }
0x6e: {  	s9 =	sadd.s32 $0x1080, s9;
	[sflag:s29] =	ssyncadd.s32 $0xFFFFE000  }
0x6f: {  	[spmem:s2] =	stream.indirect.scatter.add.f32 [tilespmem:s22], [sflag:$0x5], $0x80, s9, s26, $0xb8;
	[tilespmem:$0x1E000] =	vst v63  }
0x70: {  	_ =	swait.ge [sflag:s18], $0x4000  }
0x71: {  	s10 =	smov.u32 s15;
	s9 =	sshra.s32 s13, $0x2;
	[sflag:s18] =	ssyncset.done $0x0  }
0x72: {  	s10 =	sadd.s32 $0x80, s9;
	[sflag:s18] =	ssyncadd.s32 $0xFFFFC000  }
0x73: {  	[tilespmem:s22], [sflag:$0x3] =	stream.indirect.gather [hbm4b:s4+s20], $0x80, s10, s20, $0xb8;
	[tilespmem:$0x1E000] =	vst v63  }
0x74: {  	s13 =	sadd.s32 $0xC0, s9  }
0x75: {  	[tilespmem:s23], [sflag:$0x4] =	stream.indirect.gather [hbm4b:s4+s20], $0x80, s13, s20, $0xb8;
	[tilespmem:$0x1E000] =	vst v63  }
0x76: {  	_ =	swait.ge [sflag:s24], $0x2000  }
0x77: {  	[sflag:s24] =	ssyncset.done $0x0  }
0x78: {  	[sflag:s24] =	ssyncadd.s32 $0xFFFFE000  }
0x79: {  	_ =	swait.ge [sflag:s25], $0x2000  }
0x7a: {  	[sflag:s25] =	ssyncset.done $0x0  }
0x7b: {  	s15 =	sadd.s32 $0x1000, s9;
	[sflag:s25] =	ssyncadd.s32 $0xFFFFE000  }
0x7c: {  	[spmem:s2] =	stream.indirect.scatter.add.f32 [tilespmem:s17], [sflag:$0x5], $0x80, s15, s26, $0xb8;
	[tilespmem:$0x1E000] =	vst v63  }
0x7d: {  	_ =	swait.ge [sflag:s18], $0x4000  }
0x7e: {  	[sflag:s18] =	ssyncset.done $0x0  }
0x7f: {  	s11 =	sadd.s32 $0x100, s9;
	[sflag:s18] =	ssyncadd.s32 $0xFFFFC000  }
0x80: {  	[tilespmem:s17], [sflag:$0x1] =	stream.indirect.gather [hbm4b:s4+s20], $0x80, s11, s20, $0xb8;
	[tilespmem:$0x1E000] =	vst v63  }
0x81: {  	s13 =	sadd.s32 $0x140, s9  }
0x82: {  	[tilespmem:s21], [sflag:$0x2] =	stream.indirect.gather [hbm4b:s4+s20], $0x80, s13, s20, $0xb8;
	[tilespmem:$0x1E000] =	vst v63  }
0x83: {  	_ =	swait.ge [sflag:s28], $0x2000  }
0x84: {  	[sflag:s28] =	ssyncset.done $0x0  }
0x85: {  	[sflag:s28] =	ssyncadd.s32 $0xFFFFE000  }
0x86: {  	_ =	swait.ge [sflag:s29], $0x2000  }
0x87: {  	[sflag:s29] =	ssyncset.done $0x0  }
0x88: {  	s15 =	sadd.s32 $0x1080, s9;
	[sflag:s29] =	ssyncadd.s32 $0xFFFFE000  }
0x89: {  	[spmem:s2] =	stream.indirect.scatter.add.f32 [tilespmem:s22], [sflag:$0x5], $0x80, s15, s26, $0xb8;
	[tilespmem:$0x1E000] =	vst v63  }
0x8a: {  	_ =	swait.ge [sflag:s18], $0x4000  }
0x8b: {  	[sflag:s18] =	ssyncset.done $0x0  }
0x8c: {  	[sflag:s18] =	ssyncadd.s32 $0xFFFFC000  }
0x8d: {  	[tilespmem:s22], [sflag:$0x3] =	stream.indirect.gather [hbm4b:s4+s20], $0x80, s30, s20, $0xb8;
	[tilespmem:$0x1E000] =	vst v63  }
0x8e: {  	_ = 	snop  }
0x8f: {  	[tilespmem:s23], [sflag:$0x4] =	stream.indirect.gather [hbm4b:s4+s20], $0x80, s31, s20, $0xb8;
	[tilespmem:$0x1E000] =	vst v63  }
0x90: {  	_ =	swait.ge [sflag:s24], $0x2000  }
0x91: {  	[sflag:s24] =	ssyncset.done $0x0  }
0x92: {  	[sflag:s24] =	ssyncadd.s32 $0xFFFFE000  }
0x93: {  	_ =	swait.ge [sflag:s25], $0x2000  }
0x94: {  	[sflag:s25] =	ssyncset.done $0x0  }
0x95: {  	[sflag:s25] =	ssyncadd.s32 $0xFFFFE000  }
0x96: {  	[spmem:s2] =	stream.indirect.scatter.add.f32 [tilespmem:s17], [sflag:$0x5], $0x80, s0, s26, $0xb8;
	[tilespmem:$0x1E000] =	vst v63  }
0x97: {  	_ =	swait.ge [sflag:s18], $0x4000  }
0x98: {  	[sflag:s18] =	ssyncset.done $0x0  }
0x99: {  	[sflag:s18] =	ssyncadd.s32 $0xFFFFC000  }
0x9a: {  	_ =	swait.ge [sflag:s28], $0x2000  }
0x9b: {  	[sflag:s28] =	ssyncset.done $0x0  }
0x9c: {  	[sflag:s28] =	ssyncadd.s32 $0xFFFFE000  }
0x9d: {  	s7 =	sadd.s32 $0x1, s7;
	_ =	swait.ge [sflag:s29], $0x2000  }
0x9e: {  	p0 =	sne.s32 s7, $0x5;
	[sflag:s29] =	ssyncset.done $0x0  }
.Ltmp1:
0x9f: {  	[sflag:s29] =	ssyncadd.s32 $0xFFFFE000;
	(pc) =	sbr.rel @p0 .LBB2_2-.Ltmp1, $4  }
0xa0: {  	[spmem:s2] =	stream.indirect.scatter.add.f32 [tilespmem:s22], [sflag:$0x5], $0x80, s3, s26, $0xb8;
	[tilespmem:$0x1E000] =	vst v63  }
0xa1: {  	_ =	swait.ge [sflag:s18], $0x4000  }
0xa2: {  	[sflag:s18] =	ssyncset.done $0x0  }
0xa3: {  	[sflag:s18] =	ssyncadd.s32 $0xFFFFC000  }
0xa4: {  	s7 =	stileid.u32;
	[bflag:$0x0] =	sbarrier.arrive $0xFFFF;
	s1 =	sadd.s32 $0x1, s1  }
0xa5: {  	s9 =	sshrl.u32 s8, $0x3;
	s7 =	sshll.u32 s7, $0x6;
	p0 =	sne.s32 s1, s16  }
.Ltmp2:
0xa6: {  	s10 =	rddreg [dreg:$0x8];
	s7 =	sor.u32 $0x1C05, s7;
	(pc) =	sbr.rel @p0 .LBB2_1-.Ltmp2, $4  }
0xa7: {  	[hbm:s10], [sflag:s7] =	dma.local [spmem:s9], $0x2800  }
0xa8: {  	_ =	swait.ge [sflag:s18], $0x2800  }
0xa9: {  	[sflag:s18] =	ssyncset.done $0x0  }
0xaa: {  	[sflag:s18] =	ssyncadd.s32 $0xFFFFD800  }
0xab: {  	_ =	sfence.sel $0x180000  }
0xac: {  	[bflag:$0x0] =	sbarrier.arrive $0xFFFF  }
0xad: {  	_ =	strace $0x9000004A  }
0xae: {  	s0 =	stileid.u32;
	[bflag:$0x2] =	sbarrier.arrive $0xFFFF  }
0xaf: {  	p0 =	sne.s32 s0, $0x0;
	s0 =	rddreg [dreg:$0x2]  }
0xb0: {  	s0 =	sadd.s32 @!p0 $0x100000, s0  }
0xb1: {  	[sflag:s0] =	ssyncadd.tile.s32 @!p0 $0x1;
	_ =	shalt  }
.Lfunc_end2:
_tile_overlayer_lowered:
.L_overlay_start_2:
0xb2: {  	(tag) =	ssettag $0x2  }
0xb3: {  	s0 =	rddreg [dreg:$0x0];
	s2 =	stileid.u32  }
0xb4: {  	s1 =	rddreg [dreg:$0x1];
	p0 =	sne.s32 s2, $0x0  }
0xb5: {  	s3 =	rddreg [dreg:$0x2];
	[bflag:$0x3] =	sbarrier.arrive $0xFFFF;
	s2 =	simm.s32 @!p0 $0x1C05  }
0xb6: {  	[timem:s3], [sflag:s2] =	dma.local @!p0 [hbm:s0], s1  }
0xb7: {  	s0 =	simm.s32 @!p0 $0x5  }
0xb8: {  	_ =	swait.ge @!p0 [sflag:s0], s1  }
0xb9: {  	s1 =	ssub.s32 @!p0 $0x0, s1;
	[sflag:s0] =	ssyncset.done @!p0 $0x0  }
0xba: {  	[sflag:s0] =	ssyncadd.s32 @!p0 s1  }
0xbb: {  	[bflag:$0x3] =	sbarrier.arrive $0xFFFF  }
0xbc: {  	_ =	shalt  }

// kernel: kernel.17.cloned.1.call-start
scs
__scs_entry_jumppad:
0x0: {  	(pc) =	sbr.rel $0x88, $3  }
0x1: {  	(tag) =	ssettag $0x0;
	lr =	simm.s32 $0x1  }
0x2: {  	[smem:$0x3F8B] =	sst lr;
	_ =	strace $0xD0000000  }
0x3: {  	_ = 	snop  }
0x4: {  	_ = 	snop  }
0x5: {  	_ = 	snop  }
0x6: {  	_ = 	snop  }
0x7: {  	_ = 	snop  }
__scs_overlays_trampoline_lowered:
0x8: {  	[smem:$0x3F9A] =	sst s0  }
0x9: {  	[smem:$0x3F9B] =	sst s1  }
0xa: {  	[smem:$0x3F9C] =	sst s2  }
0xb: {  	[smem:$0x3F9D] =	sst s3  }
0xc: {  	[smem:$0x3F9E] =	sst s4  }
0xd: {  	[smem:$0x3F9F] =	sst s5  }
0xe: {  	[smem:$0x3FA0] =	sst s6  }
0xf: {  	[smem:$0x3FA1] =	sst s7  }
0x10: {  	[smem:$0x3FA2] =	sst s8  }
0x11: {  	[smem:$0x3FA3] =	sst s9;
	s0 =	simm.s32 @!p0 $0x0  }
0x12: {  	s1 =	sld [smem:$0x3F89];
	s0 =	simm.s32 @p0 $0x1  }
0x13: {  	[smem:$0x3FA4] =	sst s0;
	s0 =	simm.s32 @!p1 $0x0  }
0x14: {  	s2 =	sld [smem:$0x3F88];
	s0 =	simm.s32 @p1 $0x1  }
0x15: {  	[smem:$0x3FA5] =	sst s0;
	s0 =	simm.s32 @!p2 $0x0  }
0x16: {  	s3 =	sld [smem:$0x3FDB];
	s0 =	simm.s32 @p2 $0x1  }
0x17: {  	s4 =	simm.s32 $0x1BF5;
	[smem:$0x3FA7] =	sst s0  }
0x18: {  	s0 =	sld [smem:$0x3F8A];
	_ =	swait.ge [sflag:s4], $0x0  }
0x19: {  	s7 =	sld [smem:$0x3F8B]  }
0x1a: {  	s8 =	sadd.s32 $0xFFFFE003, lr  }
0x1b: {  	s9 =	sadd.s32 $0xFFFFFEF7, lr;
	s5 =	simm.s32 $0xFFFFFFFF;
	p2 =	slt.u32 s8, $0xFFFFF086  }
0x1c: {  	p1 =	slt.u32 s9, $0xF7A;
	s5 =	simm.s32 @!p2 $0x0  }
0x1d: {  	s5 =	simm.s32 @p1 $0x1;
	p0 =	seq.s32 s7, s2  }
0x1e: {  	s7 =	smul.u32 @!p0 $0xF7A, s2;
	p2 =	seq.s32 @!p0 s5, $0x0  }
0x1f: {  	s9 =	smul.u32 $0xF7A, s1;
	s8 =	simm.s32 @!p0 $0x1BF5;
	p2 =	por !p2, p0  }
0x20: {  	[sflag:s8] =	ssyncset.s32 @!p0 $0xFFFFF086;
	s6 =	sadd.s32 @!p0 s3, s7;
	s7 =	simm.s32 @!p0 $0x108  }
0x21: {  	s3 =	sadd.s32 s3, s9;
	s6 =	sadd.s32 @!p0 $0x88, s6;
	s7 =	simm.s32 @p2 $0x1082  }
0x22: {  	[simem:s7], [sflag:s8] =	dma.local @!p0 [hbm:s6], $0xF7A  }
0x23: {  	s9 =	sor.u32 $0xD0000000, s2;
	s6 =	simm.s32 $0x108;
	_ =	swait.ge @!p0 [sflag:s8], $0x0  }
0x24: {  	s3 =	sadd.s32 $0x88, s3;
	s6 =	simm.s32 @!p1 $0x1082;
	[sflag:s4] =	ssyncset.s32 $0xFFFFF086  }
0x25: {  	[simem:s6], [sflag:s4] =	dma.local [hbm:s3], $0xF7A  }
0x26: {  	[smem:$0x3F8B] =	sst s1;
	(tag) =	ssettag s2;
	_ =	strace s9  }
0x27: {  	s1 =	sld [smem:$0x3F9B]  }
0x28: {  	s2 =	sld [smem:$0x3F9C]  }
0x29: {  	s4 =	sld [smem:$0x3F9E]  }
0x2a: {  	p0 =	seq.s32 s5, $0x0;
	s5 =	sld [smem:$0x3F9F]  }
0x2b: {  	s6 =	sld [smem:$0x3FA0]  }
0x2c: {  	s7 =	sld [smem:$0x3FA1]  }
0x2d: {  	s3 =	simm.s32 $0x108;
	s8 =	sld [smem:$0x3FA2]  }
0x2e: {  	s3 =	simm.s32 @!p0 $0x1082;
	s9 =	sld [smem:$0x3FA3]  }
0x2f: {  	lr =	sadd.s32 s0, s3;
	s0 =	sld [smem:$0x3F9A]  }
0x30: {  	s3 =	sld [smem:$0x3F9D]  }
0x31: {  	[smem:$0x3FA6] =	sst s10  }
0x32: {  	s10 =	sld [smem:$0x3FA4];
	_ =	sdelay $0x3  }
0x33: {  	p0 =	seq.s32 s10, $0x1;
	s10 =	sld [smem:$0x3FA6];
	_ =	sdelay $0x3  }
0x34: {  	[smem:$0x3FA6] =	sst s10  }
0x35: {  	s10 =	sld [smem:$0x3FA5];
	_ =	sdelay $0x3  }
0x36: {  	p1 =	seq.s32 s10, $0x1;
	s10 =	sld [smem:$0x3FA6];
	_ =	sdelay $0x3  }
0x37: {  	[smem:$0x3FA6] =	sst s10  }
0x38: {  	s10 =	sld [smem:$0x3FA7]  }
0x39: {  	_ = 	snop;
	(pc) =	sbr.ind lr, $3  }
0x3a: {  	_ = 	snop  }
0x3b: {  	_ = 	snop  }
0x3c: {  	p2 =	seq.s32 s10, $0x1;
	s10 =	sld [smem:$0x3FA6]  }
0x3d: {  	_ =	shalt  }
0x3e: {  	_ =	shalt  }
0x3f: {  	_ =	shalt  }
0x40: {  	_ =	shalt  }
0x41: {  	_ =	shalt  }
0x42: {  	_ =	shalt  }
0x43: {  	_ =	shalt  }
0x44: {  	_ =	shalt  }
0x45: {  	_ =	shalt  }
0x46: {  	_ =	shalt  }
0x47: {  	_ =	shalt  }
0x48: {  	_ =	shalt  }
0x49: {  	_ =	shalt  }
0x4a: {  	_ =	shalt  }
0x4b: {  	_ =	shalt  }
0x4c: {  	_ =	shalt  }
0x4d: {  	_ =	shalt  }
0x4e: {  	_ =	shalt  }
0x4f: {  	_ =	shalt  }
0x50: {  	_ =	shalt  }
0x51: {  	_ =	shalt  }
0x52: {  	_ =	shalt  }
0x53: {  	_ =	shalt  }
0x54: {  	_ =	shalt  }
0x55: {  	_ =	shalt  }
0x56: {  	_ =	shalt  }
0x57: {  	_ =	shalt  }
0x58: {  	_ =	shalt  }
0x59: {  	_ =	shalt  }
0x5a: {  	_ =	shalt  }
0x5b: {  	_ =	shalt  }
0x5c: {  	_ =	shalt  }
0x5d: {  	_ =	shalt  }
0x5e: {  	_ =	shalt  }
0x5f: {  	_ =	shalt  }
0x60: {  	_ =	shalt  }
0x61: {  	_ =	shalt  }
0x62: {  	_ =	shalt  }
0x63: {  	_ =	shalt  }
0x64: {  	_ =	shalt  }
0x65: {  	_ =	shalt  }
0x66: {  	_ =	shalt  }
0x67: {  	_ =	shalt  }
0x68: {  	_ =	shalt  }
0x69: {  	_ =	shalt  }
0x6a: {  	_ =	shalt  }
0x6b: {  	_ =	shalt  }
0x6c: {  	_ =	shalt  }
0x6d: {  	_ =	shalt  }
0x6e: {  	_ =	shalt  }
0x6f: {  	_ =	shalt  }
0x70: {  	_ =	shalt  }
0x71: {  	_ =	shalt  }
0x72: {  	_ =	shalt  }
0x73: {  	_ =	shalt  }
0x74: {  	_ =	shalt  }
0x75: {  	_ =	shalt  }
0x76: {  	_ =	shalt  }
0x77: {  	_ =	shalt  }
0x78: {  	_ =	shalt  }
0x79: {  	_ =	shalt  }
0x7a: {  	_ =	shalt  }
0x7b: {  	_ =	shalt  }
0x7c: {  	_ =	shalt  }
0x7d: {  	_ =	shalt  }
0x7e: {  	_ =	shalt  }
0x7f: {  	_ =	shalt  }
0x80: {  	_ =	shalt  }
0x81: {  	_ =	shalt  }
0x82: {  	_ =	shalt  }
0x83: {  	_ =	shalt  }
0x84: {  	_ =	shalt  }
0x85: {  	_ =	shalt  }
0x86: {  	_ =	shalt  }
0x87: {  	_ =	shalt  }
.Lfunc_end0:
.L_simem_size_0:
called_computation.2_lowered:
.L_overlay_start_0:
0x88: {  	s2 =	sld [smem:$0x3FD9]  }
0x89: {  	s3 =	sld [smem:$0x3FFE];
	_ =	sdelay $0x1  }
0x8a: {  	s1 =	srdreg.scid  }
0x8b: {  	s0 =	sand.u32 $0x1, s1  }
0x8c: {  	s16 =	sshll.u32 s0, $0xA;
	s2 =	sadd.s32 s3, s2  }
0x8d: {  	s2 =	sadd.s32 s2, s16  }
0x8e: {  	[smem:$0x3FB2] =	sst s2  }
0x8f: {  	_ = 	snop  }
0x90: {  	(tm) =	ssettm $0x1  }
0x91: {  	s17 =	sld [smem:$0x3FFB];
	_ =	sdelay $0x3  }
0x92: {  	_ =	strace s17  }
0x93: {  	s2 =	sld [smem:$0x3FFC];
	_ =	sdelay $0x3  }
0x94: {  	_ =	strace s2  }
0x95: {  	s2 =	sld [smem:$0x3FFD];
	_ =	sdelay $0x3  }
0x96: {  	_ =	strace s2  }
0x97: {  	_ =	strace $0x8FFFFFFF  }
0x98: {  	s18 =	sld [smem:$0x3FDB];
	_ =	sdelay $0x1  }
0x99: {  	s19 =	simm.s32 $_scs_section_size  }
0x9a: {  	s4 =	simm.s32 $_size__tile_overlayer_lowered;
	s5 =	simm.s32 $_tile_overlayer_lowered  }
0x9b: {  	s22 =	simm.s32 $0x1BFF;
	s21 =	sshll.u32 s5, $0x1;
	s2 =	sadd.s32 s19, s18  }
0x9c: {  	s6 =	simm.s32 $0x0;
	s20 =	sshll.u32 s4, $0x1;
	s4 =	sadd.s32 s21, s2  }
0x9d: {  	[timem:s6], [sflag:s22] =	dma.local [hbm:s4], s20  }
0x9e: {  	_ =	swait.ge [sflag:s22], s20  }
0x9f: {  	s3 =	ssub.s32 $0x0, s20;
	[sflag:s22] =	ssyncset.done $0x0  }
0xa0: {  	[sflag:s22] =	ssyncadd.s32 s3;
	_ =	sdelay $0x1  }
0xa1: {  	s23 =	simm.s32 $0x1B8B  }
0xa2: {  	_ =	swait.ge [sflag:s23], $0x1  }
0xa3: {  	[sflag:s23] =	ssyncset.done $0x0  }
0xa4: {  	s25 =	simm.s32 $0x1B8E;
	s24 =	sld [smem:$0x3FFE];
	[sflag:s23] =	ssyncadd.s32 $0xFFFFFFFF  }
0xa5: {  	s26 =	simm.s32 $execute0_lowered;
	[smem:$0x3FD2] =	sst s25  }
0xa6: {  	s4 =	sshll.u32 s26, $0x1;
	_ =	strace $0x8000004C;
	[dreg:$0x1] =	wrdreg $0xFFFFFFFF  }
0xa7: {  	s28 =	simm.s32 $_size_execute0_lowered;
	s2 =	sadd.s32 s2, s4;
	[dreg:$0x0] =	wrdreg $0x0  }
0xa8: {  	s4 =	sshll.u32 s28, $0x1;
	[dreg:$0x2] =	wrdreg s2  }
0xa9: {  	[dreg:$0x3] =	wrdreg s4  }
0xaa: {  	[dreg:$0x4] =	wrdreg $0xC0  }
0xab: {  	_ =	task [dreg:s6], $0x5FFFF  }
0xac: {  	[dreg:$0x1] =	wrdreg $0xFFFFFFFF  }
0xad: {  	[dreg:$0x0] =	wrdreg $0x60  }
0xae: {  	[dreg:$0x2] =	wrdreg s24  }
0xaf: {  	[dreg:$0x3] =	wrdreg $0xA0000  }
0xb0: {  	[dreg:$0x4] =	wrdreg $0x9  }
0xb1: {  	_ =	task.clear_ibuf [dreg:s6], $0x5FFFF;
	_ =	strace $0x9000004C  }
0xb2: {  	s29 =	simm.s32 $0x9;
	_ =	strace $0x8000004E  }
0xb3: {  	_ =	swait.ge [sflag:s29], $0x1  }
0xb4: {  	[sflag:s29] =	ssyncadd.s32 $0xFFFFFFFF  }
0xb5: {  	_ =	strace $0x9000004E  }
0xb6: {  	_ =	sfence  }
0xb7: {  	s30 =	sld [smem:$0x0];
	_ =	sdelay $0x2  }
0xb8: {  	s31 =	sshll.u32 s1, $0xD;
	s1 =	sshrl.u32 s1, $0x2  }
0xb9: {  	s3 =	sand.u32 $0x4000, s31;
	s1 =	sadd.s32 s1, s30  }
0xba: {  	s0 =	sor.u32 s3, s0;
	s1 =	sshll.u32 s1, $0x11  }
0xbb: {  	s0 =	sor.u32 s1, s0  }
0xbc: {  	s0 =	sadd.s32 $0x8F2B, s0  }
0xbd: {  	[sflag:s0] =	ssyncadd.remote.s32 $0x1  }
0xbe: {  	_ =	sfence.sel $0xFFFF  }
0xbf: {  	[dreg:$0x0] =	wrdreg $0xFFFFFFFF;
	(pc) =	sbr.abs _section_cstart, $3  }
0xc0: {  	[dreg:$0x1] =	wrdreg $0xFFFFFFFF  }
0xc1: {  	_ =	task.clear_ibuf [dreg:s6], $0x2FFFF;
	_ =	strace $0x9FFFFFFF  }
0xc2: {  	(tm) =	ssettm $0x7FFFFFFF  }
0xc3: {  	_ =	shalt  }
tec
execute0_lowered:
.L_overlay_start_1:
0x0: {  	(tag) =	ssettag $0x1  }
0x1: {  	s0 =	rddreg [dreg:$0x0]  }
0x2: {  	s2 =	rddreg [dreg:$0x1];
	s3 =	simm.s32 $0x0;
	s1 =	srdreg.scid  }
0x3: {  	s10 =	stileid.u32;
	s17 =	simm.s32 $0x2000;
	s18 =	simm.s32 $0x5  }
0x4: {  	s19 =	simm.s32 $0x1000;
	s28 =	simm.s32 $0x3;
	s29 =	simm.s32 $0x4  }
0x5: {  	s30 =	simm.s32 $0xF80;
	s31 =	simm.s32 $0xFC0;
	[smem:$0x7FF] =	sst s3  }
0x6: {  	s1 =	sand.u32 $0x1, s1;
	s20 =	smul.u32 $0x2800, s10;
	s4 =	sadd.s32 $0x23200, s0  }
0x7: {  	s5 =	sadd.s32 $0x74200, s0;
	s8 =	smul.u32 $0x50000, s10;
	s6 =	sadd.s32 $0x4A00, s0  }
0x8: {  	s9 =	sadd.s32 $0x22A00, s0;
	s14 =	smul.u32 $0x5000, s10;
	_ =	strace $0x8000004D  }
0x9: {  	s7 =	smul.u32 $0x28000, s1;
	[dreg:$0x3] =	wrdreg s9;
	s21 =	ssub.s32 $0x2, s1  }
0xa: {  	s1 =	sshll.u32 s1, $0x4;
	s22 =	sshrl.u32 s8, $0x2;
	s23 =	sshrl.u32 s21, $0x1  }
0xb: {  	s1 =	sor.u32 s10, s1;
	s3 =	sadd.s32 s20, s7;
	s8 =	sadd.s32 s22, s2  }
0xc: {  	s12 =	smul.u32 $0x5000, s1;
	s20 =	simm.s32 $0x40;
	s22 =	simm.s32 $0x6000  }
0xd: {  	s1 =	simm.s32 $0x0;
	s0 =	sadd.s32 s3, s0;
	s7 =	sadd.s32 $0x4000, s8  }
0xe: {  	s3 =	ssub.s32 s21, s23;
	s24 =	sadd.s32 $0x8000, s8;
	[dreg:$0x4] =	wrdreg s7  }
0xf: {  	s25 =	sadd.s32 $0xC000, s8;
	s26 =	sadd.s32 $0x10000, s8;
	[dreg:$0x5] =	wrdreg s24  }
0x10: {  	s21 =	simm.s32 $0x4000;
	s23 =	simm.s32 $0x8000;
	[dreg:$0x6] =	wrdreg s25  }
0x11: {  	[dreg:$0x7] =	wrdreg s26;
	s0 =	sadd.s32 $0x88200, s0;
	s16 =	smax.u32 s3, $0x1  }
0x12: {  	s24 =	simm.s32 $0x1;
	s25 =	simm.s32 $0x2;
	s26 =	simm.s32 $0x80  }
0x13: {  	s3 =	simm.s32 $0x1F80;
	[dreg:$0x8] =	wrdreg s0;
	s0 =	simm.s32 $0x1F00  }
.LBB2_1:
0x14: {  	s7 =	simm.s32 $0x0;
	s9 =	rddreg [dreg:$0x3]  }
0x15: {  	[tilespmem:s17], [sflag:$0x5] =	stream.linear.gather [hbm4b:s9+s7], $0x4000, $0x38;
	[tilespmem:$0x1E000] =	vst v63  }
0x16: {  	_ =	swait.ge [sflag:s18], $0x4000  }
0x17: {  	[sflag:s18] =	ssyncset.done $0x0  }
0x18: {  	[sflag:s18] =	ssyncadd.s32 $0xFFFFC000  }
0x19: {  	[spmem:s8] =	stream.linear.scatter [tilespmem:s17], [sflag:$0x5], $0x4000, $0x38;
	[tilespmem:$0x1E000] =	vst v63  }
0x1a: {  	_ =	swait.ge [sflag:s18], $0x4000  }
0x1b: {  	[sflag:s18] =	ssyncset.done $0x0  }
0x1c: {  	s10 =	rddreg [dreg:$0x4];
	[sflag:s18] =	ssyncadd.s32 $0xFFFFC000  }
0x1d: {  	[spmem:s10] =	stream.linear.scatter [tilespmem:s17], [sflag:$0x5], $0x4000, $0x38;
	[tilespmem:$0x1E000] =	vst v63  }
0x1e: {  	_ =	swait.ge [sflag:s18], $0x4000  }
0x1f: {  	[sflag:s18] =	ssyncset.done $0x0  }
0x20: {  	s11 =	rddreg [dreg:$0x5];
	[sflag:s18] =	ssyncadd.s32 $0xFFFFC000  }
0x21: {  	[spmem:s11] =	stream.linear.scatter [tilespmem:s17], [sflag:$0x5], $0x4000, $0x38;
	[tilespmem:$0x1E000] =	vst v63  }
0x22: {  	_ =	swait.ge [sflag:s18], $0x4000  }
0x23: {  	[sflag:s18] =	ssyncset.done $0x0  }
0x24: {  	s13 =	rddreg [dreg:$0x6];
	[sflag:s18] =	ssyncadd.s32 $0xFFFFC000  }
0x25: {  	[spmem:s13] =	stream.linear.scatter [tilespmem:s17], [sflag:$0x5], $0x4000, $0x38;
	[tilespmem:$0x1E000] =	vst v63  }
0x26: {  	_ =	swait.ge [sflag:s18], $0x4000  }
0x27: {  	[sflag:s18] =	ssyncset.done $0x0  }
0x28: {  	s15 =	rddreg [dreg:$0x7];
	[sflag:s18] =	ssyncadd.s32 $0xFFFFC000  }
0x29: {  	[spmem:s15] =	stream.linear.scatter [tilespmem:s17], [sflag:$0x5], $0x4000, $0x38;
	[tilespmem:$0x1E000] =	vst v63  }
0x2a: {  	_ =	swait.ge [sflag:s18], $0x4000  }
0x2b: {  	[sflag:s18] =	ssyncset.done $0x0  }
0x2c: {  	[sflag:s18] =	ssyncadd.s32 $0xFFFFC000  }
0x2d: {  	s7 =	simm.s32 $0x0;
	[bflag:$0x0] =	sbarrier.arrive $0xFFFF  }
.LBB2_2:
0x2e: {  	s9 =	sshll.u32 s7, $0xC  }
0x2f: {  	s10 =	sadd.s32 s12, s9  }
0x30: {  	s10 =	sshrl.u32 s10, $0x3  }
0x31: {  	s11 =	simm.s32 $0x0;
	s10 =	sadd.s32 s5, s10  }
0x32: {  	[tilespmem:s11], [sflag:$0x5] =	stream.linear.gather [hbm4b:s10+s11], $0x1000, $0x38;
	[tilespmem:$0x1E000] =	vst v63  }
0x33: {  	s9 =	sadd.s32 s14, s9;
	_ =	swait.ge [sflag:s18], $0x1000  }
0x34: {  	s9 =	sshrl.u32 s9, $0x3;
	[sflag:s18] =	ssyncset.done $0x0  }
0x35: {  	s9 =	sadd.s32 s6, s9;
	[sflag:s18] =	ssyncadd.s32 $0xFFFFF000  }
0x36: {  	[tilespmem:s19], [sflag:$0x5] =	stream.linear.gather [hbm4b:s9+s11], $0x1000, $0x38;
	[tilespmem:$0x1E000] =	vst v63  }
0x37: {  	_ =	swait.ge [sflag:s18], $0x1000  }
0x38: {  	[sflag:s18] =	ssyncset.done $0x0  }
0x39: {  	[sflag:s18] =	ssyncadd.s32 $0xFFFFF000  }
0x3a: {  	[tilespmem:s17], [sflag:$0x1] =	stream.indirect.gather [hbm4b:s4+s20], $0x80, s11, s20, $0xb8;
	[tilespmem:$0x1E000] =	vst v63  }
0x3b: {  	_ = 	snop  }
0x3c: {  	[tilespmem:s21], [sflag:$0x2] =	stream.indirect.gather [hbm4b:s4+s20], $0x80, s20, s20, $0xb8;
	[tilespmem:$0x1E000] =	vst v63  }
0x3d: {  	s13 =	simm.s32 $0x80  }
0x3e: {  	[tilespmem:s22], [sflag:$0x3] =	stream.indirect.gather [hbm4b:s4+s20], $0x80, s13, s20, $0xb8;
	[tilespmem:$0x1E000] =	vst v63  }
0x3f: {  	s15 =	simm.s32 $0xC0  }
0x40: {  	[tilespmem:s23], [sflag:$0x4] =	stream.indirect.gather [hbm4b:s4+s20], $0x80, s15, s20, $0xb8;
	[tilespmem:$0x1E000] =	vst v63  }
0x41: {  	_ =	swait.ge [sflag:s24], $0x2000  }
0x42: {  	[sflag:s24] =	ssyncset.done $0x0  }
0x43: {  	[sflag:s24] =	ssyncadd.s32 $0xFFFFE000  }
0x44: {  	_ =	swait.ge [sflag:s25], $0x2000  }
0x45: {  	[sflag:s25] =	ssyncset.done $0x0  }
0x46: {  	s10 =	simm.s32 $0x1000;
	[sflag:s25] =	ssyncadd.s32 $0xFFFFE000  }
0x47: {  	[spmem:s2] =	stream.indirect.scatter.add.f32 [tilespmem:s17], [sflag:$0x5], $0x80, s10, s26, $0xb8;
	[tilespmem:$0x1E000] =	vst v63  }
0x48: {  	_ =	swait.ge [sflag:s18], $0x4000  }
0x49: {  	[sflag:s18] =	ssyncset.done $0x0  }
0x4a: {  	s11 =	simm.s32 $0x100;
	[sflag:s18] =	ssyncadd.s32 $0xFFFFC000  }
0x4b: {  	[tilespmem:s17], [sflag:$0x1] =	stream.indirect.gather [hbm4b:s4+s20], $0x80, s11, s20, $0xb8;
	[tilespmem:$0x1E000] =	vst v63  }
0x4c: {  	s13 =	simm.s32 $0x140  }
0x4d: {  	[tilespmem:s21], [sflag:$0x2] =	stream.indirect.gather [hbm4b:s4+s20], $0x80, s13, s20, $0xb8;
	[tilespmem:$0x1E000] =	vst v63  }
0x4e: {  	_ =	swait.ge [sflag:s28], $0x2000  }
0x4f: {  	[sflag:s28] =	ssyncset.done $0x0  }
0x50: {  	[sflag:s28] =	ssyncadd.s32 $0xFFFFE000  }
0x51: {  	_ =	swait.ge [sflag:s29], $0x2000  }
0x52: {  	[sflag:s29] =	ssyncset.done $0x0  }
0x53: {  	s15 =	simm.s32 $0x1080;
	[sflag:s29] =	ssyncadd.s32 $0xFFFFE000  }
0x54: {  	[spmem:s2] =	stream.indirect.scatter.add.f32 [tilespmem:s22], [sflag:$0x5], $0x80, s15, s26, $0xb8;
	[tilespmem:$0x1E000] =	vst v63  }
0x55: {  	_ =	swait.ge [sflag:s18], $0x4000  }
0x56: {  	s9 =	simm.s32 $0x100;
	s10 =	simm.s32 $0x800;
	[sflag:s18] =	ssyncset.done $0x0  }
.LBB2_3:
0x57: {  	s11 =	sadd.s32 $0x80, s9  }
0x58: {  	[sflag:s18] =	ssyncadd.s32 $0xFFFFC000;
	s13 =	smov.u32 s10;
	s15 =	sadd.s32 $0x400, s10  }
0x59: {  	[tilespmem:s22], [sflag:$0x3] =	stream.indirect.gather [hbm4b:s4+s20], $0x80, s11, s20, $0xb8;
	[tilespmem:$0x1E000] =	vst v63  }
0x5a: {  	p0 =	sne.s32 s10, $0x3800;
	s10 =	sadd.s32 $0xC0, s9  }
0x5b: {  	[tilespmem:s23], [sflag:$0x4] =	stream.indirect.gather [hbm4b:s4+s20], $0x80, s10, s20, $0xb8;
	[tilespmem:$0x1E000] =	vst v63  }
0x5c: {  	_ =	swait.ge [sflag:s24], $0x2000  }
0x5d: {  	[sflag:s24] =	ssyncset.done $0x0  }
0x5e: {  	[sflag:s24] =	ssyncadd.s32 $0xFFFFE000  }
0x5f: {  	_ =	swait.ge [sflag:s25], $0x2000  }
0x60: {  	[sflag:s25] =	ssyncset.done $0x0  }
0x61: {  	s10 =	sadd.s32 $0x1000, s9;
	[sflag:s25] =	ssyncadd.s32 $0xFFFFE000  }
0x62: {  	[spmem:s2] =	stream.indirect.scatter.add.f32 [tilespmem:s17], [sflag:$0x5], $0x80, s10, s26, $0xb8;
	[tilespmem:$0x1E000] =	vst v63  }
0x63: {  	_ =	swait.ge [sflag:s18], $0x4000  }
0x64: {  	[sflag:s18] =	ssyncset.done $0x0  }
0x65: {  	s10 =	sadd.s32 $0x100, s9;
	[sflag:s18] =	ssyncadd.s32 $0xFFFFC000  }
0x66: {  	[tilespmem:s17], [sflag:$0x1] =	stream.indirect.gather [hbm4b:s4+s20], $0x80, s10, s20, $0xb8;
	[tilespmem:$0x1E000] =	vst v63  }
0x67: {  	s10 =	sadd.s32 $0x140, s9  }
0x68: {  	[tilespmem:s21], [sflag:$0x2] =	stream.indirect.gather [hbm4b:s4+s20], $0x80, s10, s20, $0xb8;
	[tilespmem:$0x1E000] =	vst v63  }
0x69: {  	_ =	swait.ge [sflag:s28], $0x2000  }
0x6a: {  	[sflag:s28] =	ssyncset.done $0x0  }
0x6b: {  	[sflag:s28] =	ssyncadd.s32 $0xFFFFE000  }
0x6c: {  	_ =	swait.ge [sflag:s29], $0x2000  }
.Ltmp0:
0x6d: {  	[sflag:s29] =	ssyncset.done $0x0;
	(pc) =	sbr.rel @p0 .LBB2_3-.Ltmp0, $4  }
0x6e: {  	s9 =	sadd.s32 $0x1080, s9;
	[sflag:s29] =	ssyncadd.s32 $0xFFFFE000  }
0x6f: {  	[spmem:s2] =	stream.indirect.scatter.add.f32 [tilespmem:s22], [sflag:$0x5], $0x80, s9, s26, $0xb8;
	[tilespmem:$0x1E000] =	vst v63  }
0x70: {  	_ =	swait.ge [sflag:s18], $0x4000  }
0x71: {  	s10 =	smov.u32 s15;
	s9 =	sshra.s32 s13, $0x2;
	[sflag:s18] =	ssyncset.done $0x0  }
0x72: {  	s10 =	sadd.s32 $0x80, s9;
	[sflag:s18] =	ssyncadd.s32 $0xFFFFC000  }
0x73: {  	[tilespmem:s22], [sflag:$0x3] =	stream.indirect.gather [hbm4b:s4+s20], $0x80, s10, s20, $0xb8;
	[tilespmem:$0x1E000] =	vst v63  }
0x74: {  	s13 =	sadd.s32 $0xC0, s9  }
0x75: {  	[tilespmem:s23], [sflag:$0x4] =	stream.indirect.gather [hbm4b:s4+s20], $0x80, s13, s20, $0xb8;
	[tilespmem:$0x1E000] =	vst v63  }
0x76: {  	_ =	swait.ge [sflag:s24], $0x2000  }
0x77: {  	[sflag:s24] =	ssyncset.done $0x0  }
0x78: {  	[sflag:s24] =	ssyncadd.s32 $0xFFFFE000  }
0x79: {  	_ =	swait.ge [sflag:s25], $0x2000  }
0x7a: {  	[sflag:s25] =	ssyncset.done $0x0  }
0x7b: {  	s15 =	sadd.s32 $0x1000, s9;
	[sflag:s25] =	ssyncadd.s32 $0xFFFFE000  }
0x7c: {  	[spmem:s2] =	stream.indirect.scatter.add.f32 [tilespmem:s17], [sflag:$0x5], $0x80, s15, s26, $0xb8;
	[tilespmem:$0x1E000] =	vst v63  }
0x7d: {  	_ =	swait.ge [sflag:s18], $0x4000  }
0x7e: {  	[sflag:s18] =	ssyncset.done $0x0  }
0x7f: {  	s11 =	sadd.s32 $0x100, s9;
	[sflag:s18] =	ssyncadd.s32 $0xFFFFC000  }
0x80: {  	[tilespmem:s17], [sflag:$0x1] =	stream.indirect.gather [hbm4b:s4+s20], $0x80, s11, s20, $0xb8;
	[tilespmem:$0x1E000] =	vst v63  }
0x81: {  	s13 =	sadd.s32 $0x140, s9  }
0x82: {  	[tilespmem:s21], [sflag:$0x2] =	stream.indirect.gather [hbm4b:s4+s20], $0x80, s13, s20, $0xb8;
	[tilespmem:$0x1E000] =	vst v63  }
0x83: {  	_ =	swait.ge [sflag:s28], $0x2000  }
0x84: {  	[sflag:s28] =	ssyncset.done $0x0  }
0x85: {  	[sflag:s28] =	ssyncadd.s32 $0xFFFFE000  }
0x86: {  	_ =	swait.ge [sflag:s29], $0x2000  }
0x87: {  	[sflag:s29] =	ssyncset.done $0x0  }
0x88: {  	s15 =	sadd.s32 $0x1080, s9;
	[sflag:s29] =	ssyncadd.s32 $0xFFFFE000  }
0x89: {  	[spmem:s2] =	stream.indirect.scatter.add.f32 [tilespmem:s22], [sflag:$0x5], $0x80, s15, s26, $0xb8;
	[tilespmem:$0x1E000] =	vst v63  }
0x8a: {  	_ =	swait.ge [sflag:s18], $0x4000  }
0x8b: {  	[sflag:s18] =	ssyncset.done $0x0  }
0x8c: {  	[sflag:s18] =	ssyncadd.s32 $0xFFFFC000  }
0x8d: {  	[tilespmem:s22], [sflag:$0x3] =	stream.indirect.gather [hbm4b:s4+s20], $0x80, s30, s20, $0xb8;
	[tilespmem:$0x1E000] =	vst v63  }
0x8e: {  	_ = 	snop  }
0x8f: {  	[tilespmem:s23], [sflag:$0x4] =	stream.indirect.gather [hbm4b:s4+s20], $0x80, s31, s20, $0xb8;
	[tilespmem:$0x1E000] =	vst v63  }
0x90: {  	_ =	swait.ge [sflag:s24], $0x2000  }
0x91: {  	[sflag:s24] =	ssyncset.done $0x0  }
0x92: {  	[sflag:s24] =	ssyncadd.s32 $0xFFFFE000  }
0x93: {  	_ =	swait.ge [sflag:s25], $0x2000  }
0x94: {  	[sflag:s25] =	ssyncset.done $0x0  }
0x95: {  	[sflag:s25] =	ssyncadd.s32 $0xFFFFE000  }
0x96: {  	[spmem:s2] =	stream.indirect.scatter.add.f32 [tilespmem:s17], [sflag:$0x5], $0x80, s0, s26, $0xb8;
	[tilespmem:$0x1E000] =	vst v63  }
0x97: {  	_ =	swait.ge [sflag:s18], $0x4000  }
0x98: {  	[sflag:s18] =	ssyncset.done $0x0  }
0x99: {  	[sflag:s18] =	ssyncadd.s32 $0xFFFFC000  }
0x9a: {  	_ =	swait.ge [sflag:s28], $0x2000  }
0x9b: {  	[sflag:s28] =	ssyncset.done $0x0  }
0x9c: {  	[sflag:s28] =	ssyncadd.s32 $0xFFFFE000  }
0x9d: {  	s7 =	sadd.s32 $0x1, s7;
	_ =	swait.ge [sflag:s29], $0x2000  }
0x9e: {  	p0 =	sne.s32 s7, $0x5;
	[sflag:s29] =	ssyncset.done $0x0  }
.Ltmp1:
0x9f: {  	[sflag:s29] =	ssyncadd.s32 $0xFFFFE000;
	(pc) =	sbr.rel @p0 .LBB2_2-.Ltmp1, $4  }
0xa0: {  	[spmem:s2] =	stream.indirect.scatter.add.f32 [tilespmem:s22], [sflag:$0x5], $0x80, s3, s26, $0xb8;
	[tilespmem:$0x1E000] =	vst v63  }
0xa1: {  	_ =	swait.ge [sflag:s18], $0x4000  }
0xa2: {  	[sflag:s18] =	ssyncset.done $0x0  }
0xa3: {  	[sflag:s18] =	ssyncadd.s32 $0xFFFFC000  }
0xa4: {  	s7 =	stileid.u32;
	[bflag:$0x0] =	sbarrier.arrive $0xFFFF;
	s1 =	sadd.s32 $0x1, s1  }
0xa5: {  	s9 =	sshrl.u32 s8, $0x3;
	s7 =	sshll.u32 s7, $0x6;
	p0 =	sne.s32 s1, s16  }
.Ltmp2:
0xa6: {  	s10 =	rddreg [dreg:$0x8];
	s7 =	sor.u32 $0x1C05, s7;
	(pc) =	sbr.rel @p0 .LBB2_1-.Ltmp2, $4  }
0xa7: {  	[hbm:s10], [sflag:s7] =	dma.local [spmem:s9], $0x2800  }
0xa8: {  	_ =	swait.ge [sflag:s18], $0x2800  }
0xa9: {  	[sflag:s18] =	ssyncset.done $0x0  }
0xaa: {  	[sflag:s18] =	ssyncadd.s32 $0xFFFFD800  }
0xab: {  	_ =	sfence.sel $0x180000  }
0xac: {  	[bflag:$0x0] =	sbarrier.arrive $0xFFFF  }
0xad: {  	_ =	strace $0x9000004D  }
0xae: {  	s0 =	stileid.u32;
	[bflag:$0x2] =	sbarrier.arrive $0xFFFF  }
0xaf: {  	p0 =	sne.s32 s0, $0x0;
	s0 =	rddreg [dreg:$0x2]  }
0xb0: {  	s0 =	sadd.s32 @!p0 $0x100000, s0  }
0xb1: {  	[sflag:s0] =	ssyncadd.tile.s32 @!p0 $0x1;
	_ =	shalt  }
.Lfunc_end2:
_tile_overlayer_lowered:
.L_overlay_start_2:
0xb2: {  	(tag) =	ssettag $0x2  }
0xb3: {  	s0 =	rddreg [dreg:$0x0];
	s2 =	stileid.u32  }
0xb4: {  	s1 =	rddreg [dreg:$0x1];
	p0 =	sne.s32 s2, $0x0  }
0xb5: {  	s3 =	rddreg [dreg:$0x2];
	[bflag:$0x3] =	sbarrier.arrive $0xFFFF;
	s2 =	simm.s32 @!p0 $0x1C05  }
0xb6: {  	[timem:s3], [sflag:s2] =	dma.local @!p0 [hbm:s0], s1  }
0xb7: {  	s0 =	simm.s32 @!p0 $0x5  }
0xb8: {  	_ =	swait.ge @!p0 [sflag:s0], s1  }
0xb9: {  	s1 =	ssub.s32 @!p0 $0x0, s1;
	[sflag:s0] =	ssyncset.done @!p0 $0x0  }
0xba: {  	[sflag:s0] =	ssyncadd.s32 @!p0 s1  }
0xbb: {  	[bflag:$0x3] =	sbarrier.arrive $0xFFFF  }
0xbc: {  	_ =	shalt  }

</sc_bundles>
